<compile_context>
chip_gen: v7x
topology: tpu7x:2x2x1
jax: 0.10.2.dev20260603
libtpu: 0.0.44.dev20260713+nightly
codegen_flags: <defaults>
</compile_context>

<pallas_src>
import functools

import jax
import jax.numpy as jnp
from jax import lax
from jax.experimental import pallas as pl
from jax.experimental.pallas import tpu as pltpu
from jax.experimental.pallas import tpu_sc as plsc

NC = 2
NS = 16
LANES = 16
EB = 128


CH = 40
BPS = 160


def _chunk_sizes(total):
    out = []
    left = total
    while left > 0:
        c = min(CH, left)
        out.append(c)
        left -= c
    assert all(c % 8 == 0 and c % 2 == 0 for c in out)
    return out


def _make_sc_aggregate(d_feat, n_pad, nb):
    assert nb % BPS == 0 and nb // BPS == NS
    bpw = BPS // NC
    rps = n_pad // NS
    zc = rps // EB
    assert rps % EB == 0

    mesh = plsc.VectorSubcoreMesh(core_axis_name="c", subcore_axis_name="s")
    out_type = jax.ShapeDtypeStruct((NC, n_pad, d_feat), jnp.float32)

    scratch = [
        pltpu.VMEM((CH, EB), jnp.int32),
        pltpu.VMEM((CH, EB), jnp.int32),
        pltpu.VMEM((EB, d_feat), jnp.float32),
        pltpu.VMEM((EB, d_feat), jnp.float32),
        pltpu.VMEM_SHARED((n_pad, d_feat), jnp.float32),
        pltpu.SemaphoreType.DMA,
        pltpu.SemaphoreType.DMA,
        pltpu.SemaphoreType.DMA,
        pltpu.SemaphoreType.DMA,
    ]

    def body(feats, src2d, dst2d, parts, src_idx, dst_idx, buf0, buf1,
             accum, gs0, gs1, ss0, ss1):
        cid = lax.axis_index("c")
        sid = lax.axis_index("s")
        base = sid * rps

        def zrow(i, carry):
            for c in range(d_feat // LANES):
                buf0[i, pl.ds(c * LANES, LANES)] = jnp.zeros(
                    (LANES,), jnp.float32)
            return carry
        lax.fori_loop(0, EB, zrow, 0)
        for z in range(zc):
            pltpu.sync_copy(buf0, accum.at[pl.ds(base + z * EB, EB)])
        plsc.subcore_barrier()

        def gather(blk, buf, sem):
            pltpu.async_copy(feats.at[src_idx.at[blk]], buf, sem)

        def wait(buf, sem):
            pltpu.make_async_copy(feats.at[src_idx.at[0]], buf, sem).wait()

        def scat(buf, blk):
            pltpu.sync_copy(buf, accum.at[dst_idx.at[blk]], add=True)

        def pipe(blk0, csize):
            pltpu.sync_copy(src2d.at[pl.ds(blk0, csize)],
                            src_idx.at[pl.ds(0, csize)])
            pltpu.sync_copy(dst2d.at[pl.ds(blk0, csize)],
                            dst_idx.at[pl.ds(0, csize)])
            gather(0, buf0, gs0)

            def step(t, cc):
                b0_ = 2 * t
                b1_ = b0_ + 1
                gather(b1_, buf1, gs1)
                wait(buf0, gs0)
                scat(buf0, b0_)
                gather(lax.rem(b1_ + 1, csize), buf0, gs0)
                wait(buf1, gs1)
                scat(buf1, b1_)
                return cc
            lax.fori_loop(0, csize // 2, step, 0)
            wait(buf0, gs0)

        wid = sid * NC + cid
        pos = wid * bpw
        for c in _chunk_sizes(bpw):
            pipe(pos, c)
            pos = pos + c

        plsc.subcore_barrier()

        pltpu.sync_copy(accum.at[pl.ds(base, rps)],
                        parts.at[cid, pl.ds(base, rps)])

    return pl.kernel(body, out_type=out_type, mesh=mesh,
                     scratch_types=scratch)


def _make_sc_degree(n_pad, nb):
    bpw = nb // (NC * NS)
    rps = n_pad // NS
    mesh = plsc.VectorSubcoreMesh(core_axis_name="c", subcore_axis_name="s")
    out_type = jax.ShapeDtypeStruct((NC, n_pad), jnp.float32)
    scratch = [
        pltpu.VMEM((bpw, EB), jnp.int32),
        pltpu.VMEM((n_pad,), jnp.float32),
        pltpu.VMEM((NS, rps), jnp.float32),
        pltpu.VMEM_SHARED((NS, NS, rps), jnp.float32),
    ]

    def body(dst2d, degp, dst_idx, hist, red, shist):
        cid = lax.axis_index("c")
        sid = lax.axis_index("s")
        wid = sid * NC + cid
        base = sid * rps
        pltpu.sync_copy(dst2d.at[pl.ds(wid * bpw, bpw)], dst_idx)

        def zstep(i, c):
            hist[pl.ds(i * LANES, LANES)] = jnp.zeros((LANES,), jnp.float32)
            return c
        lax.fori_loop(0, n_pad // LANES, zstep, 0)
        ones16 = jnp.ones((LANES,), jnp.float32)

        def astep(t, c):
            b = t // (EB // LANES)
            l = t % (EB // LANES)
            idx = dst_idx[b, pl.ds(l * LANES, LANES)]
            plsc.addupdate_scatter(hist, [idx], ones16)
            return c
        lax.fori_loop(0, bpw * (EB // LANES), astep, 0)

        for r in range(NS):
            pltpu.sync_copy(hist.at[pl.ds(r * rps, rps)], shist.at[r, sid])
        plsc.subcore_barrier()
        pltpu.sync_copy(shist.at[sid], red)

        def rstep(v, c):
            acc = jnp.zeros((LANES,), jnp.float32)
            for hrow in range(NS):
                acc = acc + red[hrow, pl.ds(v * LANES, LANES)]
            hist[pl.ds(v * LANES, LANES)] = acc
            return c
        lax.fori_loop(0, rps // LANES, rstep, 0)
        pltpu.sync_copy(hist.at[pl.ds(0, rps)], degp.at[cid, pl.ds(base, rps)])

    return pl.kernel(body, out_type=out_type, mesh=mesh,
                     scratch_types=scratch,
                     compiler_params=pltpu.CompilerParams(
                         needs_layout_passes=False))


def _mm_body(x_ref, w_ref, o_ref):
    o_ref[...] = jnp.dot(x_ref[...], w_ref[...],
                         preferred_element_type=jnp.float32)


def _pick_bm(n):
    for b in (1024, 1000, 512, 500, 256, 250, 128, 125, 64, 40, 16, 8):
        if n % b == 0:
            return b
    return 1


def _tc_matmul(x, w, bm):
    n, d_in = x.shape
    d_out = w.shape[1]
    return pl.pallas_call(
        _mm_body,
        grid=(n // bm,),
        in_specs=[pl.BlockSpec((bm, d_in), lambda i: (i, 0)),
                  pl.BlockSpec((d_in, d_out), lambda i: (0, 0))],
        out_specs=pl.BlockSpec((bm, d_out), lambda i: (i, 0)),
        out_shape=jax.ShapeDtypeStruct((n, d_out), jnp.float32),
    )(x, w)


def _combine1_body(parts_ref, deg_ref, b1_ref, w2_ref, o_ref):
    a = parts_ref[0] + parts_ref[1]
    d = deg_ref[0:1, :] + deg_ref[1:2, :]
    r = jnp.transpose(1.0 / jnp.maximum(d, 1.0))
    h = jnp.maximum(a * r + b1_ref[...], 0.0)
    o_ref[...] = jnp.dot(h, w2_ref[...], preferred_element_type=jnp.float32)


def _tc_combine1(parts, degp, b1, w2, n, bm):
    d = parts.shape[2]
    d2 = w2.shape[1]
    return pl.pallas_call(
        _combine1_body,
        grid=(n // bm,),
        in_specs=[pl.BlockSpec((NC, bm, d), lambda i: (0, i, 0)),
                  pl.BlockSpec((NC, bm), lambda i: (0, i)),
                  pl.BlockSpec((1, d), lambda i: (0, 0)),
                  pl.BlockSpec(w2.shape, lambda i: (0, 0))],
        out_specs=pl.BlockSpec((bm, d2), lambda i: (i, 0)),
        out_shape=jax.ShapeDtypeStruct((n, d2), jnp.float32),
    )(parts, degp, b1.reshape(1, -1), w2)


def _final_body(parts_ref, deg_ref, b2_ref, wc_ref, bc_ref, o_ref):
    a = parts_ref[0] + parts_ref[1]
    d = deg_ref[0:1, :] + deg_ref[1:2, :]
    r = jnp.transpose(1.0 / jnp.maximum(d, 1.0))
    h2 = a * r + b2_ref[...]
    z = jnp.dot(h2, wc_ref[...], preferred_element_type=jnp.float32) \
        + bc_ref[...]
    m = jnp.max(z, axis=-1, keepdims=True)
    e = jnp.exp(z - m)
    o_ref[...] = (z - m) - jnp.log(jnp.sum(e, axis=-1, keepdims=True))


def _tc_final(parts, degp, b2, wc, bc, n, bm):
    dh = parts.shape[2]
    ncls = wc.shape[1]
    return pl.pallas_call(
        _final_body,
        grid=(n // bm,),
        in_specs=[pl.BlockSpec((NC, bm, dh), lambda i: (0, i, 0)),
                  pl.BlockSpec((NC, bm), lambda i: (0, i)),
                  pl.BlockSpec((1, dh), lambda i: (0, 0)),
                  pl.BlockSpec(wc.shape, lambda i: (0, 0)),
                  pl.BlockSpec((1, ncls), lambda i: (0, 0))],
        out_specs=pl.BlockSpec((bm, ncls), lambda i: (i, 0)),
        out_shape=jax.ShapeDtypeStruct((n, ncls), jnp.float32),
    )(parts, degp, b2.reshape(1, -1), wc, bc.reshape(1, -1))


def kernel(x, edge_index, W1, b1, W2, b2, Wc, bc):
    n, d_in = x.shape
    e = edge_index.shape[1]

    n_pad = -(-n // (NS * EB)) * (NS * EB)
    if n_pad - n < EB:
        n_pad += NS * EB
    blk_unit = NS * BPS * EB
    e_pad = -(-e // blk_unit) * blk_unit
    nb = e_pad // EB

    pad = e_pad - e
    pad_src = (jnp.arange(pad, dtype=jnp.int32) % n)
    pad_dst = n + (jnp.arange(pad, dtype=jnp.int32) % (n_pad - n))
    src = jnp.concatenate([edge_index[0], pad_src]).reshape(nb, EB)
    dst = jnp.concatenate([edge_index[1], pad_dst]).reshape(nb, EB)

    y1 = _tc_matmul(x, W1, _pick_bm(n))
    degp = _make_sc_degree(n_pad, nb)(dst)
    parts1 = _make_sc_aggregate(W1.shape[1], n_pad, nb)(y1, src, dst)
    y2 = _tc_combine1(parts1, degp, b1, W2, n_pad, 1024)
    parts2 = _make_sc_aggregate(W2.shape[1], n_pad, nb)(y2, src, dst)
    out = _tc_final(parts2, degp, b2, Wc, bc, n_pad, 1024)
    return out[:n]

# --- scband reference (transcript-rebuilt; emitter-appended) ---
"""Pipeline reference for scband-base-gnn-21904333209665 (READ-ONLY COPY).

The authoritative reference and input builder live on the scoring server;
editing this copy changes nothing except your own understanding.
"""

import jax, jax.numpy as jnp
import numpy as np

N_NODES = 10000
N_EDGES = 320000
D_IN = 128
D_HID = 128
D_OUT = 128
N_CLS = 64


def setup_inputs(seed: int = 0) -> dict:
    key = jax.random.key(seed)
    ks = jax.random.split(key, 8)
    x = jax.random.normal(ks[0], (N_NODES, D_IN), dtype=jnp.float32)
    edge_index = jax.random.randint(ks[1], (2, N_EDGES), 0, N_NODES, dtype=jnp.int32)
    s1 = 1.0 / np.sqrt(D_IN)
    s2 = 1.0 / np.sqrt(D_HID)
    sc = 1.0 / np.sqrt(D_OUT)
    W1 = jax.random.uniform(ks[2], (D_IN, D_HID), jnp.float32, -s1, s1)
    b1 = jax.random.uniform(ks[3], (D_HID,), jnp.float32, -s1, s1)
    W2 = jax.random.uniform(ks[4], (D_HID, D_OUT), jnp.float32, -s2, s2)
    b2 = jax.random.uniform(ks[5], (D_OUT,), jnp.float32, -s2, s2)
    Wc = jax.random.uniform(ks[6], (D_OUT, N_CLS), jnp.float32, -sc, sc)
    bc = jax.random.uniform(ks[7], (N_CLS,), jnp.float32, -sc, sc)
    return {"x": x, "edge_index": edge_index, "W1": W1, "b1": b1,
            "W2": W2, "b2": b2, "Wc": Wc, "bc": bc}


def _gnn_layer(x, edge_index, W, b):
    # mean-aggregation message passing (GraphSAGE/GCN-mean style)
    src = edge_index[0]
    dst = edge_index[1]
    msgs = jnp.take(x, src, axis=0)                       # gather  [E, d]
    agg = jax.ops.segment_sum(msgs, dst, num_segments=x.shape[0])  # scatter-add [N, d]
    deg = jax.ops.segment_sum(jnp.ones((edge_index.shape[1],), x.dtype),
                              dst, num_segments=x.shape[0])
    agg = agg / jnp.maximum(deg, 1.0)[:, None]
    return agg @ W + b


def reference(x, edge_index, W1, b1, W2, b2, Wc, bc):
    # layer 0 + ReLU (dropout = identity in eval)
    h = jax.nn.relu(_gnn_layer(x, edge_index, W1, b1))
    # final GNN layer
    h = _gnn_layer(h, edge_index, W2, b2)
    # classification head + log_softmax
    logits = h @ Wc + bc
    return jax.nn.log_softmax(logits, axis=-1)

if __name__ == "__main__":
    import jax
    _d = setup_inputs()
    print(jax.jit(kernel)(*tuple(_d.values())))

</pallas_src>

<mosaic_0001>
#map = affine_map<(d0, d1) -> (0, 0)>
#map1 = affine_map<(d0, d1) -> (0, 0, 0)>
module attributes {stable_mosaic.version = 14 : i64} {
  func.func @body(%arg0: i32, %arg1: i32, %arg2: memref<10000x128xf32, #tpu.memory_space<hbm>>, %arg3: memref<2560x128xi32, #tpu.memory_space<hbm>>, %arg4: memref<2560x128xi32, #tpu.memory_space<hbm>>, %arg5: memref<2x10240x128xf32, #tpu.memory_space<hbm>>, %arg6: memref<40x128xi32, #tpu.memory_space<vmem>>, %arg7: memref<40x128xi32, #tpu.memory_space<vmem>>, %arg8: memref<128x128xf32, #tpu.memory_space<vmem>>, %arg9: memref<128x128xf32, #tpu.memory_space<vmem>>, %arg10: memref<10240x128xf32, #tpu.memory_space<vmem_shared>>, %arg11: memref<!tpu.dma_semaphore, #tpu.memory_space<semaphore_mem>>, %arg12: memref<!tpu.dma_semaphore, #tpu.memory_space<semaphore_mem>>, %arg13: memref<!tpu.dma_semaphore, #tpu.memory_space<semaphore_mem>>, %arg14: memref<!tpu.dma_semaphore, #tpu.memory_space<semaphore_mem>>) attributes {dimension_semantics = [#tpu.dimension_semantics<core_parallel>, #tpu.dimension_semantics<subcore_parallel>], iteration_bounds = array<i64: 2, 16>, scalar_prefetch = 0 : i64, scratch_operands = 9 : i64, tpu.core_type = #tpu.core_type<sc_vector_subcore>, window_params = [{transform_indices = #map}, {transform_indices = #map}, {transform_indices = #map}, {transform_indices = #map1}]} {
    %mul3A = arith.constant 640 : i32
    %mul3A_0 = arith.muli %arg1, %mul3A : i32
    %scan3A = arith.constant 0 : i32
    %scan3A_1 = arith.constant 0 : i32
    %scan3A_2 = arith.constant 128 : i32
    %scan3A_3 = arith.addi %scan3A_1, %scan3A_2 : i32
    %scan3A_4 = arith.constant 1 : i32
    scf.for %scan3A_63 = %scan3A_1 to %scan3A_3 step %scan3A_4  : i32 {
      %broadcast_in_dim3A = arith.constant 0.000000e+00 : f32
      %broadcast_in_dim3A_64 = vector.broadcast %broadcast_in_dim3A : f32 to vector<16xf32>
      %swap3A = arith.index_cast %scan3A_63 : i32 to index
      %swap3A_65 = arith.constant 0 : index
      %swap3A_66 = tpu.vector_load %arg8[%swap3A, %swap3A_65] {strides = array<i32>} : memref<128x128xf32, #tpu.memory_space<vmem>>, vector<1x16xf32>,
      %swap3A_67 = vector.shape_cast %swap3A_66 : vector<1x16xf32> to vector<16xf32>
      %swap3A_68 = vector.shape_cast %broadcast_in_dim3A_64 : vector<16xf32> to vector<1x16xf32>
      tpu.vector_store %arg8[%swap3A, %swap3A_65], %swap3A_68 {strides = array<i32>} : memref<128x128xf32, #tpu.memory_space<vmem>>, vector<1x16xf32>,
      %broadcast_in_dim3A_69 = arith.constant 0.000000e+00 : f32
      %broadcast_in_dim3A_70 = vector.broadcast %broadcast_in_dim3A_69 : f32 to vector<16xf32>
      %swap3A_71 = arith.index_cast %scan3A_63 : i32 to index
      %swap3A_72 = arith.constant 16 : index
      %swap3A_73 = tpu.vector_load %arg8[%swap3A_71, %swap3A_72] {strides = array<i32>} : memref<128x128xf32, #tpu.memory_space<vmem>>, vector<1x16xf32>,
      %swap3A_74 = vector.shape_cast %swap3A_73 : vector<1x16xf32> to vector<16xf32>
      %swap3A_75 = vector.shape_cast %broadcast_in_dim3A_70 : vector<16xf32> to vector<1x16xf32>
      tpu.vector_store %arg8[%swap3A_71, %swap3A_72], %swap3A_75 {strides = array<i32>} : memref<128x128xf32, #tpu.memory_space<vmem>>, vector<1x16xf32>,
      %broadcast_in_dim3A_76 = arith.constant 0.000000e+00 : f32
      %broadcast_in_dim3A_77 = vector.broadcast %broadcast_in_dim3A_76 : f32 to vector<16xf32>
      %swap3A_78 = arith.index_cast %scan3A_63 : i32 to index
      %swap3A_79 = arith.constant 32 : index
      %swap3A_80 = tpu.vector_load %arg8[%swap3A_78, %swap3A_79] {strides = array<i32>} : memref<128x128xf32, #tpu.memory_space<vmem>>, vector<1x16xf32>,
      %swap3A_81 = vector.shape_cast %swap3A_80 : vector<1x16xf32> to vector<16xf32>
      %swap3A_82 = vector.shape_cast %broadcast_in_dim3A_77 : vector<16xf32> to vector<1x16xf32>
      tpu.vector_store %arg8[%swap3A_78, %swap3A_79], %swap3A_82 {strides = array<i32>} : memref<128x128xf32, #tpu.memory_space<vmem>>, vector<1x16xf32>,
      %broadcast_in_dim3A_83 = arith.constant 0.000000e+00 : f32
      %broadcast_in_dim3A_84 = vector.broadcast %broadcast_in_dim3A_83 : f32 to vector<16xf32>
      %swap3A_85 = arith.index_cast %scan3A_63 : i32 to index
      %swap3A_86 = arith.constant 48 : index
      %swap3A_87 = tpu.vector_load %arg8[%swap3A_85, %swap3A_86] {strides = array<i32>} : memref<128x128xf32, #tpu.memory_space<vmem>>, vector<1x16xf32>,
      %swap3A_88 = vector.shape_cast %swap3A_87 : vector<1x16xf32> to vector<16xf32>
      %swap3A_89 = vector.shape_cast %broadcast_in_dim3A_84 : vector<16xf32> to vector<1x16xf32>
      tpu.vector_store %arg8[%swap3A_85, %swap3A_86], %swap3A_89 {strides = array<i32>} : memref<128x128xf32, #tpu.memory_space<vmem>>, vector<1x16xf32>,
      %broadcast_in_dim3A_90 = arith.constant 0.000000e+00 : f32
      %broadcast_in_dim3A_91 = vector.broadcast %broadcast_in_dim3A_90 : f32 to vector<16xf32>
      %swap3A_92 = arith.index_cast %scan3A_63 : i32 to index
      %swap3A_93 = arith.constant 64 : index
      %swap3A_94 = tpu.vector_load %arg8[%swap3A_92, %swap3A_93] {strides = array<i32>} : memref<128x128xf32, #tpu.memory_space<vmem>>, vector<1x16xf32>,
      %swap3A_95 = vector.shape_cast %swap3A_94 : vector<1x16xf32> to vector<16xf32>
      %swap3A_96 = vector.shape_cast %broadcast_in_dim3A_91 : vector<16xf32> to vector<1x16xf32>
      tpu.vector_store %arg8[%swap3A_92, %swap3A_93], %swap3A_96 {strides = array<i32>} : memref<128x128xf32, #tpu.memory_space<vmem>>, vector<1x16xf32>,
      %broadcast_in_dim3A_97 = arith.constant 0.000000e+00 : f32
      %broadcast_in_dim3A_98 = vector.broadcast %broadcast_in_dim3A_97 : f32 to vector<16xf32>
      %swap3A_99 = arith.index_cast %scan3A_63 : i32 to index
      %swap3A_100 = arith.constant 80 : index
      %swap3A_101 = tpu.vector_load %arg8[%swap3A_99, %swap3A_100] {strides = array<i32>} : memref<128x128xf32, #tpu.memory_space<vmem>>, vector<1x16xf32>,
      %swap3A_102 = vector.shape_cast %swap3A_101 : vector<1x16xf32> to vector<16xf32>
      %swap3A_103 = vector.shape_cast %broadcast_in_dim3A_98 : vector<16xf32> to vector<1x16xf32>
      tpu.vector_store %arg8[%swap3A_99, %swap3A_100], %swap3A_103 {strides = array<i32>} : memref<128x128xf32, #tpu.memory_space<vmem>>, vector<1x16xf32>,
      %broadcast_in_dim3A_104 = arith.constant 0.000000e+00 : f32
      %broadcast_in_dim3A_105 = vector.broadcast %broadcast_in_dim3A_104 : f32 to vector<16xf32>
      %swap3A_106 = arith.index_cast %scan3A_63 : i32 to index
      %swap3A_107 = arith.constant 96 : index
      %swap3A_108 = tpu.vector_load %arg8[%swap3A_106, %swap3A_107] {strides = array<i32>} : memref<128x128xf32, #tpu.memory_space<vmem>>, vector<1x16xf32>,
      %swap3A_109 = vector.shape_cast %swap3A_108 : vector<1x16xf32> to vector<16xf32>
      %swap3A_110 = vector.shape_cast %broadcast_in_dim3A_105 : vector<16xf32> to vector<1x16xf32>
      tpu.vector_store %arg8[%swap3A_106, %swap3A_107], %swap3A_110 {strides = array<i32>} : memref<128x128xf32, #tpu.memory_space<vmem>>, vector<1x16xf32>,
      %broadcast_in_dim3A_111 = arith.constant 0.000000e+00 : f32
      %broadcast_in_dim3A_112 = vector.broadcast %broadcast_in_dim3A_111 : f32 to vector<16xf32>
      %swap3A_113 = arith.index_cast %scan3A_63 : i32 to index
      %swap3A_114 = arith.constant 112 : index
      %swap3A_115 = tpu.vector_load %arg8[%swap3A_113, %swap3A_114] {strides = array<i32>} : memref<128x128xf32, #tpu.memory_space<vmem>>, vector<1x16xf32>,
      %swap3A_116 = vector.shape_cast %swap3A_115 : vector<1x16xf32> to vector<16xf32>
      %swap3A_117 = vector.shape_cast %broadcast_in_dim3A_112 : vector<16xf32> to vector<1x16xf32>
      tpu.vector_store %arg8[%swap3A_113, %swap3A_114], %swap3A_117 {strides = array<i32>} : memref<128x128xf32, #tpu.memory_space<vmem>>, vector<1x16xf32>,
    }
    %scan3A_5 = arith.constant 128 : i32
    %add3A = arith.constant 0 : i32
    %add3A_6 = arith.addi %mul3A_0, %add3A : i32
    "tpu.region"() ({
      %run_scoped3A = tpu.sem_alloc : memref<!tpu.dma_semaphore, #tpu.memory_space<semaphore_mem>>
      %dma_start3A_63 = arith.constant 0 : i32
      %dma_start3A_64 = tpu.memref_slice %arg10[%add3A_6, %dma_start3A_63] : memref<10240x128xf32, #tpu.memory_space<vmem_shared>> -> memref<128x128xf32, #tpu.memory_space<vmem_shared>>
      %dma_start3A_65 = arith.constant 0 : i32
      %dma_start3A_66 = tpu.memref_slice %arg10[%add3A_6, %dma_start3A_65] : memref<10240x128xf32, #tpu.memory_space<vmem_shared>> -> memref<128x128xf32, #tpu.memory_space<vmem_shared>>
      tpu.enqueue_dma source(%arg8 : memref<128x128xf32, #tpu.memory_space<vmem>>) target(%dma_start3A_66 : memref<128x128xf32, #tpu.memory_space<vmem_shared>>) target_semaphore(%run_scoped3A : memref<!tpu.dma_semaphore, #tpu.memory_space<semaphore_mem>>)
      %dma_wait3A_67 = arith.constant 0 : i32
      %dma_wait3A_68 = tpu.memref_slice %arg10[%add3A_6, %dma_wait3A_67] : memref<10240x128xf32, #tpu.memory_space<vmem_shared>> -> memref<128x128xf32, #tpu.memory_space<vmem_shared>>
      %dma_wait3A_69 = arith.constant 0 : i32
      %dma_wait3A_70 = tpu.memref_slice %arg10[%add3A_6, %dma_wait3A_69] : memref<10240x128xf32, #tpu.memory_space<vmem_shared>> -> memref<128x128xf32, #tpu.memory_space<vmem_shared>>
      tpu.wait_dma2 semaphore(%run_scoped3A : memref<!tpu.dma_semaphore, #tpu.memory_space<semaphore_mem>>) src(%arg8 : memref<128x128xf32, #tpu.memory_space<vmem>>) dst(%dma_wait3A_70 : memref<128x128xf32, #tpu.memory_space<vmem_shared>>)
      tpu.yield
    }) : () -> ()
    %add3A_7 = arith.constant 128 : i32
    %add3A_8 = arith.addi %mul3A_0, %add3A_7 : i32
    "tpu.region"() ({
      %run_scoped3A = tpu.sem_alloc : memref<!tpu.dma_semaphore, #tpu.memory_space<semaphore_mem>>
      %dma_start3A_63 = arith.constant 0 : i32
      %dma_start3A_64 = tpu.memref_slice %arg10[%add3A_8, %dma_start3A_63] : memref<10240x128xf32, #tpu.memory_space<vmem_shared>> -> memref<128x128xf32, #tpu.memory_space<vmem_shared>>
      %dma_start3A_65 = arith.constant 0 : i32
      %dma_start3A_66 = tpu.memref_slice %arg10[%add3A_8, %dma_start3A_65] : memref<10240x128xf32, #tpu.memory_space<vmem_shared>> -> memref<128x128xf32, #tpu.memory_space<vmem_shared>>
      tpu.enqueue_dma source(%arg8 : memref<128x128xf32, #tpu.memory_space<vmem>>) target(%dma_start3A_66 : memref<128x128xf32, #tpu.memory_space<vmem_shared>>) target_semaphore(%run_scoped3A : memref<!tpu.dma_semaphore, #tpu.memory_space<semaphore_mem>>)
      %dma_wait3A_67 = arith.constant 0 : i32
      %dma_wait3A_68 = tpu.memref_slice %arg10[%add3A_8, %dma_wait3A_67] : memref<10240x128xf32, #tpu.memory_space<vmem_shared>> -> memref<128x128xf32, #tpu.memory_space<vmem_shared>>
      %dma_wait3A_69 = arith.constant 0 : i32
      %dma_wait3A_70 = tpu.memref_slice %arg10[%add3A_8, %dma_wait3A_69] : memref<10240x128xf32, #tpu.memory_space<vmem_shared>> -> memref<128x128xf32, #tpu.memory_space<vmem_shared>>
      tpu.wait_dma2 semaphore(%run_scoped3A : memref<!tpu.dma_semaphore, #tpu.memory_space<semaphore_mem>>) src(%arg8 : memref<128x128xf32, #tpu.memory_space<vmem>>) dst(%dma_wait3A_70 : memref<128x128xf32, #tpu.memory_space<vmem_shared>>)
      tpu.yield
    }) : () -> ()
    %add3A_9 = arith.constant 256 : i32
    %add3A_10 = arith.addi %mul3A_0, %add3A_9 : i32
    "tpu.region"() ({
      %run_scoped3A = tpu.sem_alloc : memref<!tpu.dma_semaphore, #tpu.memory_space<semaphore_mem>>
      %dma_start3A_63 = arith.constant 0 : i32
      %dma_start3A_64 = tpu.memref_slice %arg10[%add3A_10, %dma_start3A_63] : memref<10240x128xf32, #tpu.memory_space<vmem_shared>> -> memref<128x128xf32, #tpu.memory_space<vmem_shared>>
      %dma_start3A_65 = arith.constant 0 : i32
      %dma_start3A_66 = tpu.memref_slice %arg10[%add3A_10, %dma_start3A_65] : memref<10240x128xf32, #tpu.memory_space<vmem_shared>> -> memref<128x128xf32, #tpu.memory_space<vmem_shared>>
      tpu.enqueue_dma source(%arg8 : memref<128x128xf32, #tpu.memory_space<vmem>>) target(%dma_start3A_66 : memref<128x128xf32, #tpu.memory_space<vmem_shared>>) target_semaphore(%run_scoped3A : memref<!tpu.dma_semaphore, #tpu.memory_space<semaphore_mem>>)
      %dma_wait3A_67 = arith.constant 0 : i32
      %dma_wait3A_68 = tpu.memref_slice %arg10[%add3A_10, %dma_wait3A_67] : memref<10240x128xf32, #tpu.memory_space<vmem_shared>> -> memref<128x128xf32, #tpu.memory_space<vmem_shared>>
      %dma_wait3A_69 = arith.constant 0 : i32
      %dma_wait3A_70 = tpu.memref_slice %arg10[%add3A_10, %dma_wait3A_69] : memref<10240x128xf32, #tpu.memory_space<vmem_shared>> -> memref<128x128xf32, #tpu.memory_space<vmem_shared>>
      tpu.wait_dma2 semaphore(%run_scoped3A : memref<!tpu.dma_semaphore, #tpu.memory_space<semaphore_mem>>) src(%arg8 : memref<128x128xf32, #tpu.memory_space<vmem>>) dst(%dma_wait3A_70 : memref<128x128xf32, #tpu.memory_space<vmem_shared>>)
      tpu.yield
    }) : () -> ()
    %add3A_11 = arith.constant 384 : i32
    %add3A_12 = arith.addi %mul3A_0, %add3A_11 : i32
    "tpu.region"() ({
      %run_scoped3A = tpu.sem_alloc : memref<!tpu.dma_semaphore, #tpu.memory_space<semaphore_mem>>
      %dma_start3A_63 = arith.constant 0 : i32
      %dma_start3A_64 = tpu.memref_slice %arg10[%add3A_12, %dma_start3A_63] : memref<10240x128xf32, #tpu.memory_space<vmem_shared>> -> memref<128x128xf32, #tpu.memory_space<vmem_shared>>
      %dma_start3A_65 = arith.constant 0 : i32
      %dma_start3A_66 = tpu.memref_slice %arg10[%add3A_12, %dma_start3A_65] : memref<10240x128xf32, #tpu.memory_space<vmem_shared>> -> memref<128x128xf32, #tpu.memory_space<vmem_shared>>
      tpu.enqueue_dma source(%arg8 : memref<128x128xf32, #tpu.memory_space<vmem>>) target(%dma_start3A_66 : memref<128x128xf32, #tpu.memory_space<vmem_shared>>) target_semaphore(%run_scoped3A : memref<!tpu.dma_semaphore, #tpu.memory_space<semaphore_mem>>)
      %dma_wait3A_67 = arith.constant 0 : i32
      %dma_wait3A_68 = tpu.memref_slice %arg10[%add3A_12, %dma_wait3A_67] : memref<10240x128xf32, #tpu.memory_space<vmem_shared>> -> memref<128x128xf32, #tpu.memory_space<vmem_shared>>
      %dma_wait3A_69 = arith.constant 0 : i32
      %dma_wait3A_70 = tpu.memref_slice %arg10[%add3A_12, %dma_wait3A_69] : memref<10240x128xf32, #tpu.memory_space<vmem_shared>> -> memref<128x128xf32, #tpu.memory_space<vmem_shared>>
      tpu.wait_dma2 semaphore(%run_scoped3A : memref<!tpu.dma_semaphore, #tpu.memory_space<semaphore_mem>>) src(%arg8 : memref<128x128xf32, #tpu.memory_space<vmem>>) dst(%dma_wait3A_70 : memref<128x128xf32, #tpu.memory_space<vmem_shared>>)
      tpu.yield
    }) : () -> ()
    %add3A_13 = arith.constant 512 : i32
    %add3A_14 = arith.addi %mul3A_0, %add3A_13 : i32
    "tpu.region"() ({
      %run_scoped3A = tpu.sem_alloc : memref<!tpu.dma_semaphore, #tpu.memory_space<semaphore_mem>>
      %dma_start3A_63 = arith.constant 0 : i32
      %dma_start3A_64 = tpu.memref_slice %arg10[%add3A_14, %dma_start3A_63] : memref<10240x128xf32, #tpu.memory_space<vmem_shared>> -> memref<128x128xf32, #tpu.memory_space<vmem_shared>>
      %dma_start3A_65 = arith.constant 0 : i32
      %dma_start3A_66 = tpu.memref_slice %arg10[%add3A_14, %dma_start3A_65] : memref<10240x128xf32, #tpu.memory_space<vmem_shared>> -> memref<128x128xf32, #tpu.memory_space<vmem_shared>>
      tpu.enqueue_dma source(%arg8 : memref<128x128xf32, #tpu.memory_space<vmem>>) target(%dma_start3A_66 : memref<128x128xf32, #tpu.memory_space<vmem_shared>>) target_semaphore(%run_scoped3A : memref<!tpu.dma_semaphore, #tpu.memory_space<semaphore_mem>>)
      %dma_wait3A_67 = arith.constant 0 : i32
      %dma_wait3A_68 = tpu.memref_slice %arg10[%add3A_14, %dma_wait3A_67] : memref<10240x128xf32, #tpu.memory_space<vmem_shared>> -> memref<128x128xf32, #tpu.memory_space<vmem_shared>>
      %dma_wait3A_69 = arith.constant 0 : i32
      %dma_wait3A_70 = tpu.memref_slice %arg10[%add3A_14, %dma_wait3A_69] : memref<10240x128xf32, #tpu.memory_space<vmem_shared>> -> memref<128x128xf32, #tpu.memory_space<vmem_shared>>
      tpu.wait_dma2 semaphore(%run_scoped3A : memref<!tpu.dma_semaphore, #tpu.memory_space<semaphore_mem>>) src(%arg8 : memref<128x128xf32, #tpu.memory_space<vmem>>) dst(%dma_wait3A_70 : memref<128x128xf32, #tpu.memory_space<vmem_shared>>)
      tpu.yield
    }) : () -> ()
    %barrier3A = arith.constant 0 : index
    tpu.barrier barrier_id(%barrier3A)
    %mul3A_15 = arith.constant 2 : i32
    %mul3A_16 = arith.muli %arg1, %mul3A_15 : i32
    %add3A_17 = arith.addi %mul3A_16, %arg0 : i32
    %mul3A_18 = arith.constant 80 : i32
    %mul3A_19 = arith.muli %add3A_17, %mul3A_18 : i32
    "tpu.region"() ({
      %run_scoped3A = tpu.sem_alloc : memref<!tpu.dma_semaphore, #tpu.memory_space<semaphore_mem>>
      %dma_start3A_63 = arith.constant 0 : i32
      %dma_start3A_64 = arith.constant 0 : i32
      %dma_start3A_65 = tpu.memref_slice %arg6[%dma_start3A_63, %dma_start3A_64] : memref<40x128xi32, #tpu.memory_space<vmem>> -> memref<40x128xi32, #tpu.memory_space<vmem>>
      %dma_start3A_66 = arith.constant 0 : i32
      %dma_start3A_67 = tpu.memref_slice %arg3[%mul3A_19, %dma_start3A_66] : memref<2560x128xi32, #tpu.memory_space<hbm>> -> memref<40x128xi32, #tpu.memory_space<hbm>>
      %dma_start3A_68 = arith.constant 0 : i32
      %dma_start3A_69 = arith.constant 0 : i32
      %dma_start3A_70 = tpu.memref_slice %arg6[%dma_start3A_68, %dma_start3A_69] : memref<40x128xi32, #tpu.memory_space<vmem>> -> memref<40x128xi32, #tpu.memory_space<vmem>>
      %dma_start3A_71 = arith.constant 0 : i32
      %dma_start3A_72 = tpu.memref_slice %arg3[%mul3A_19, %dma_start3A_71] : memref<2560x128xi32, #tpu.memory_space<hbm>> -> memref<40x128xi32, #tpu.memory_space<hbm>>
      tpu.enqueue_dma source(%dma_start3A_72 : memref<40x128xi32, #tpu.memory_space<hbm>>) target(%dma_start3A_70 : memref<40x128xi32, #tpu.memory_space<vmem>>) target_semaphore(%run_scoped3A : memref<!tpu.dma_semaphore, #tpu.memory_space<semaphore_mem>>)
      %dma_wait3A_73 = arith.constant 0 : i32
      %dma_wait3A_74 = arith.constant 0 : i32
      %dma_wait3A_75 = tpu.memref_slice %arg6[%dma_wait3A_73, %dma_wait3A_74] : memref<40x128xi32, #tpu.memory_space<vmem>> -> memref<40x128xi32, #tpu.memory_space<vmem>>
      %dma_wait3A_76 = arith.constant 0 : i32
      %dma_wait3A_77 = tpu.memref_slice %arg3[%mul3A_19, %dma_wait3A_76] : memref<2560x128xi32, #tpu.memory_space<hbm>> -> memref<40x128xi32, #tpu.memory_space<hbm>>
      %dma_wait3A_78 = arith.constant 0 : i32
      %dma_wait3A_79 = arith.constant 0 : i32
      %dma_wait3A_80 = tpu.memref_slice %arg6[%dma_wait3A_78, %dma_wait3A_79] : memref<40x128xi32, #tpu.memory_space<vmem>> -> memref<40x128xi32, #tpu.memory_space<vmem>>
      %dma_wait3A_81 = arith.constant 0 : i32
      %dma_wait3A_82 = tpu.memref_slice %arg3[%mul3A_19, %dma_wait3A_81] : memref<2560x128xi32, #tpu.memory_space<hbm>> -> memref<40x128xi32, #tpu.memory_space<hbm>>
      tpu.wait_dma2 semaphore(%run_scoped3A : memref<!tpu.dma_semaphore, #tpu.memory_space<semaphore_mem>>) src(%dma_wait3A_82 : memref<40x128xi32, #tpu.memory_space<hbm>>) dst(%dma_wait3A_80 : memref<40x128xi32, #tpu.memory_space<vmem>>)
      tpu.yield
    }) : () -> ()
    "tpu.region"() ({
      %run_scoped3A = tpu.sem_alloc : memref<!tpu.dma_semaphore, #tpu.memory_space<semaphore_mem>>
      %dma_start3A_63 = arith.constant 0 : i32
      %dma_start3A_64 = arith.constant 0 : i32
      %dma_start3A_65 = tpu.memref_slice %arg7[%dma_start3A_63, %dma_start3A_64] : memref<40x128xi32, #tpu.memory_space<vmem>> -> memref<40x128xi32, #tpu.memory_space<vmem>>
      %dma_start3A_66 = arith.constant 0 : i32
      %dma_start3A_67 = tpu.memref_slice %arg4[%mul3A_19, %dma_start3A_66] : memref<2560x128xi32, #tpu.memory_space<hbm>> -> memref<40x128xi32, #tpu.memory_space<hbm>>
      %dma_start3A_68 = arith.constant 0 : i32
      %dma_start3A_69 = arith.constant 0 : i32
      %dma_start3A_70 = tpu.memref_slice %arg7[%dma_start3A_68, %dma_start3A_69] : memref<40x128xi32, #tpu.memory_space<vmem>> -> memref<40x128xi32, #tpu.memory_space<vmem>>
      %dma_start3A_71 = arith.constant 0 : i32
      %dma_start3A_72 = tpu.memref_slice %arg4[%mul3A_19, %dma_start3A_71] : memref<2560x128xi32, #tpu.memory_space<hbm>> -> memref<40x128xi32, #tpu.memory_space<hbm>>
      tpu.enqueue_dma source(%dma_start3A_72 : memref<40x128xi32, #tpu.memory_space<hbm>>) target(%dma_start3A_70 : memref<40x128xi32, #tpu.memory_space<vmem>>) target_semaphore(%run_scoped3A : memref<!tpu.dma_semaphore, #tpu.memory_space<semaphore_mem>>)
      %dma_wait3A_73 = arith.constant 0 : i32
      %dma_wait3A_74 = arith.constant 0 : i32
      %dma_wait3A_75 = tpu.memref_slice %arg7[%dma_wait3A_73, %dma_wait3A_74] : memref<40x128xi32, #tpu.memory_space<vmem>> -> memref<40x128xi32, #tpu.memory_space<vmem>>
      %dma_wait3A_76 = arith.constant 0 : i32
      %dma_wait3A_77 = tpu.memref_slice %arg4[%mul3A_19, %dma_wait3A_76] : memref<2560x128xi32, #tpu.memory_space<hbm>> -> memref<40x128xi32, #tpu.memory_space<hbm>>
      %dma_wait3A_78 = arith.constant 0 : i32
      %dma_wait3A_79 = arith.constant 0 : i32
      %dma_wait3A_80 = tpu.memref_slice %arg7[%dma_wait3A_78, %dma_wait3A_79] : memref<40x128xi32, #tpu.memory_space<vmem>> -> memref<40x128xi32, #tpu.memory_space<vmem>>
      %dma_wait3A_81 = arith.constant 0 : i32
      %dma_wait3A_82 = tpu.memref_slice %arg4[%mul3A_19, %dma_wait3A_81] : memref<2560x128xi32, #tpu.memory_space<hbm>> -> memref<40x128xi32, #tpu.memory_space<hbm>>
      tpu.wait_dma2 semaphore(%run_scoped3A : memref<!tpu.dma_semaphore, #tpu.memory_space<semaphore_mem>>) src(%dma_wait3A_82 : memref<40x128xi32, #tpu.memory_space<hbm>>) dst(%dma_wait3A_80 : memref<40x128xi32, #tpu.memory_space<vmem>>)
      tpu.yield
    }) : () -> ()
    %dma_start3A = arith.constant 0 : i32
    %dma_start3A_20 = arith.constant 0 : i32
    %dma_start3A_21 = tpu.memref_slice %arg6[%dma_start3A, %dma_start3A_20] : memref<40x128xi32, #tpu.memory_space<vmem>> -> memref<1x128xi32, #tpu.memory_space<vmem>>
    %dma_start3A_22 = tpu.memref_squeeze %dma_start3A_21 : memref<1x128xi32, #tpu.memory_space<vmem>> -> memref<128xi32, #tpu.memory_space<vmem>>
    %dma_start3A_23 = arith.constant 0 : i32
    %dma_start3A_24 = arith.constant 0 : i32
    %dma_start3A_25 = tpu.memref_slice %arg2[%dma_start3A_23, %dma_start3A_24] : memref<10000x128xf32, #tpu.memory_space<hbm>> -> memref<10000x128xf32, #tpu.memory_space<hbm>>
    tpu.enqueue_indirect_dma source(%dma_start3A_25 : memref<10000x128xf32, #tpu.memory_space<hbm>>) target(%arg8 : memref<128x128xf32, #tpu.memory_space<vmem>>) offsets(%dma_start3A_22 : memref<128xi32, #tpu.memory_space<vmem>>) semaphore(%arg11 : memref<!tpu.dma_semaphore, #tpu.memory_space<semaphore_mem>>)
    %scan3A_26 = arith.constant 0 : i32
    %scan3A_27 = arith.constant 0 : i32
    %scan3A_28 = arith.constant 20 : i32
    %scan3A_29 = arith.addi %scan3A_27, %scan3A_28 : i32
    %scan3A_30 = arith.constant 1 : i32
    scf.for %scan3A_63 = %scan3A_27 to %scan3A_29 step %scan3A_30  : i32 {
      %mul3A_64 = arith.constant 2 : i32
      %mul3A_65 = arith.muli %mul3A_64, %scan3A_63 : i32
      %add3A_66 = arith.constant 1 : i32
      %add3A_67 = arith.addi %mul3A_65, %add3A_66 : i32
      %dma_start3A_68 = arith.constant 0 : i32
      %dma_start3A_69 = tpu.memref_slice %arg6[%add3A_67, %dma_start3A_68] : memref<40x128xi32, #tpu.memory_space<vmem>> -> memref<1x128xi32, #tpu.memory_space<vmem>>
      %dma_start3A_70 = tpu.memref_squeeze %dma_start3A_69 : memref<1x128xi32, #tpu.memory_space<vmem>> -> memref<128xi32, #tpu.memory_space<vmem>>
      %dma_start3A_71 = arith.constant 0 : i32
      %dma_start3A_72 = arith.constant 0 : i32
      %dma_start3A_73 = tpu.memref_slice %arg2[%dma_start3A_71, %dma_start3A_72] : memref<10000x128xf32, #tpu.memory_space<hbm>> -> memref<10000x128xf32, #tpu.memory_space<hbm>>
      tpu.enqueue_indirect_dma source(%dma_start3A_73 : memref<10000x128xf32, #tpu.memory_space<hbm>>) target(%arg9 : memref<128x128xf32, #tpu.memory_space<vmem>>) offsets(%dma_start3A_70 : memref<128xi32, #tpu.memory_space<vmem>>) semaphore(%arg12 : memref<!tpu.dma_semaphore, #tpu.memory_space<semaphore_mem>>)
      %dma_wait3A_74 = arith.constant 0 : i32
      %dma_wait3A_75 = arith.constant 0 : i32
      %dma_wait3A_76 = tpu.memref_slice %arg6[%dma_wait3A_74, %dma_wait3A_75] : memref<40x128xi32, #tpu.memory_space<vmem>> -> memref<1x128xi32, #tpu.memory_space<vmem>>
      %dma_wait3A_77 = tpu.memref_squeeze %dma_wait3A_76 : memref<1x128xi32, #tpu.memory_space<vmem>> -> memref<128xi32, #tpu.memory_space<vmem>>
      %dma_wait3A_78 = arith.constant 0 : i32
      %dma_wait3A_79 = arith.constant 0 : i32
      %dma_wait3A_80 = tpu.memref_slice %arg2[%dma_wait3A_78, %dma_wait3A_79] : memref<10000x128xf32, #tpu.memory_space<hbm>> -> memref<10000x128xf32, #tpu.memory_space<hbm>>
      tpu.wait_indirect_dma semaphore(%arg11 : memref<!tpu.dma_semaphore, #tpu.memory_space<semaphore_mem>>) src(%dma_wait3A_80 : memref<10000x128xf32, #tpu.memory_space<hbm>>) dst(%arg8 : memref<128x128xf32, #tpu.memory_space<vmem>>)
      "tpu.region"() ({
        %run_scoped3A = tpu.sem_alloc : memref<!tpu.dma_semaphore, #tpu.memory_space<semaphore_mem>>
        %dma_start3A_97 = arith.constant 0 : i32
        %dma_start3A_98 = tpu.memref_slice %arg7[%mul3A_65, %dma_start3A_97] : memref<40x128xi32, #tpu.memory_space<vmem>> -> memref<1x128xi32, #tpu.memory_space<vmem>>
        %dma_start3A_99 = tpu.memref_squeeze %dma_start3A_98 : memref<1x128xi32, #tpu.memory_space<vmem>> -> memref<128xi32, #tpu.memory_space<vmem>>
        %dma_start3A_100 = arith.constant 0 : i32
        %dma_start3A_101 = arith.constant 0 : i32
        %dma_start3A_102 = tpu.memref_slice %arg10[%dma_start3A_100, %dma_start3A_101] : memref<10240x128xf32, #tpu.memory_space<vmem_shared>> -> memref<10240x128xf32, #tpu.memory_space<vmem_shared>>
        tpu.enqueue_indirect_dma source(%arg8 : memref<128x128xf32, #tpu.memory_space<vmem>>) target(%dma_start3A_102 : memref<10240x128xf32, #tpu.memory_space<vmem_shared>>) offsets(%dma_start3A_99 : memref<128xi32, #tpu.memory_space<vmem>>) semaphore(%run_scoped3A : memref<!tpu.dma_semaphore, #tpu.memory_space<semaphore_mem>>) {add = true}
        %dma_wait3A_103 = arith.constant 0 : i32
        %dma_wait3A_104 = tpu.memref_slice %arg7[%mul3A_65, %dma_wait3A_103] : memref<40x128xi32, #tpu.memory_space<vmem>> -> memref<1x128xi32, #tpu.memory_space<vmem>>
        %dma_wait3A_105 = tpu.memref_squeeze %dma_wait3A_104 : memref<1x128xi32, #tpu.memory_space<vmem>> -> memref<128xi32, #tpu.memory_space<vmem>>
        %dma_wait3A_106 = arith.constant 0 : i32
        %dma_wait3A_107 = arith.constant 0 : i32
        %dma_wait3A_108 = tpu.memref_slice %arg10[%dma_wait3A_106, %dma_wait3A_107] : memref<10240x128xf32, #tpu.memory_space<vmem_shared>> -> memref<10240x128xf32, #tpu.memory_space<vmem_shared>>
        tpu.wait_indirect_dma semaphore(%run_scoped3A : memref<!tpu.dma_semaphore, #tpu.memory_space<semaphore_mem>>) src(%arg8 : memref<128x128xf32, #tpu.memory_space<vmem>>) dst(%dma_wait3A_108 : memref<10240x128xf32, #tpu.memory_space<vmem_shared>>)
        tpu.yield
      }) : () -> ()
      %add3A_81 = arith.constant 1 : i32
      %add3A_82 = arith.addi %add3A_67, %add3A_81 : i32
      %rem3A = arith.constant 40 : i32
      %rem3A_83 = arith.remsi %add3A_82, %rem3A : i32
      %dma_start3A_84 = arith.constant 0 : i32
      %dma_start3A_85 = tpu.memref_slice %arg6[%rem3A_83, %dma_start3A_84] : memref<40x128xi32, #tpu.memory_space<vmem>> -> memref<1x128xi32, #tpu.memory_space<vmem>>
      %dma_start3A_86 = tpu.memref_squeeze %dma_start3A_85 : memref<1x128xi32, #tpu.memory_space<vmem>> -> memref<128xi32, #tpu.memory_space<vmem>>
      %dma_start3A_87 = arith.constant 0 : i32
      %dma_start3A_88 = arith.constant 0 : i32
      %dma_start3A_89 = tpu.memref_slice %arg2[%dma_start3A_87, %dma_start3A_88] : memref<10000x128xf32, #tpu.memory_space<hbm>> -> memref<10000x128xf32, #tpu.memory_space<hbm>>
      tpu.enqueue_indirect_dma source(%dma_start3A_89 : memref<10000x128xf32, #tpu.memory_space<hbm>>) target(%arg8 : memref<128x128xf32, #tpu.memory_space<vmem>>) offsets(%dma_start3A_86 : memref<128xi32, #tpu.memory_space<vmem>>) semaphore(%arg11 : memref<!tpu.dma_semaphore, #tpu.memory_space<semaphore_mem>>)
      %dma_wait3A_90 = arith.constant 0 : i32
      %dma_wait3A_91 = arith.constant 0 : i32
      %dma_wait3A_92 = tpu.memref_slice %arg6[%dma_wait3A_90, %dma_wait3A_91] : memref<40x128xi32, #tpu.memory_space<vmem>> -> memref<1x128xi32, #tpu.memory_space<vmem>>
      %dma_wait3A_93 = tpu.memref_squeeze %dma_wait3A_92 : memref<1x128xi32, #tpu.memory_space<vmem>> -> memref<128xi32, #tpu.memory_space<vmem>>
      %dma_wait3A_94 = arith.constant 0 : i32
      %dma_wait3A_95 = arith.constant 0 : i32
      %dma_wait3A_96 = tpu.memref_slice %arg2[%dma_wait3A_94, %dma_wait3A_95] : memref<10000x128xf32, #tpu.memory_space<hbm>> -> memref<10000x128xf32, #tpu.memory_space<hbm>>
      tpu.wait_indirect_dma semaphore(%arg12 : memref<!tpu.dma_semaphore, #tpu.memory_space<semaphore_mem>>) src(%dma_wait3A_96 : memref<10000x128xf32, #tpu.memory_space<hbm>>) dst(%arg9 : memref<128x128xf32, #tpu.memory_space<vmem>>)
      "tpu.region"() ({
        %run_scoped3A = tpu.sem_alloc : memref<!tpu.dma_semaphore, #tpu.memory_space<semaphore_mem>>
        %dma_start3A_97 = arith.constant 0 : i32
        %dma_start3A_98 = tpu.memref_slice %arg7[%add3A_67, %dma_start3A_97] : memref<40x128xi32, #tpu.memory_space<vmem>> -> memref<1x128xi32, #tpu.memory_space<vmem>>
        %dma_start3A_99 = tpu.memref_squeeze %dma_start3A_98 : memref<1x128xi32, #tpu.memory_space<vmem>> -> memref<128xi32, #tpu.memory_space<vmem>>
        %dma_start3A_100 = arith.constant 0 : i32
        %dma_start3A_101 = arith.constant 0 : i32
        %dma_start3A_102 = tpu.memref_slice %arg10[%dma_start3A_100, %dma_start3A_101] : memref<10240x128xf32, #tpu.memory_space<vmem_shared>> -> memref<10240x128xf32, #tpu.memory_space<vmem_shared>>
        tpu.enqueue_indirect_dma source(%arg9 : memref<128x128xf32, #tpu.memory_space<vmem>>) target(%dma_start3A_102 : memref<10240x128xf32, #tpu.memory_space<vmem_shared>>) offsets(%dma_start3A_99 : memref<128xi32, #tpu.memory_space<vmem>>) semaphore(%run_scoped3A : memref<!tpu.dma_semaphore, #tpu.memory_space<semaphore_mem>>) {add = true}
        %dma_wait3A_103 = arith.constant 0 : i32
        %dma_wait3A_104 = tpu.memref_slice %arg7[%add3A_67, %dma_wait3A_103] : memref<40x128xi32, #tpu.memory_space<vmem>> -> memref<1x128xi32, #tpu.memory_space<vmem>>
        %dma_wait3A_105 = tpu.memref_squeeze %dma_wait3A_104 : memref<1x128xi32, #tpu.memory_space<vmem>> -> memref<128xi32, #tpu.memory_space<vmem>>
        %dma_wait3A_106 = arith.constant 0 : i32
        %dma_wait3A_107 = arith.constant 0 : i32
        %dma_wait3A_108 = tpu.memref_slice %arg10[%dma_wait3A_106, %dma_wait3A_107] : memref<10240x128xf32, #tpu.memory_space<vmem_shared>> -> memref<10240x128xf32, #tpu.memory_space<vmem_shared>>
        tpu.wait_indirect_dma semaphore(%run_scoped3A : memref<!tpu.dma_semaphore, #tpu.memory_space<semaphore_mem>>) src(%arg9 : memref<128x128xf32, #tpu.memory_space<vmem>>) dst(%dma_wait3A_108 : memref<10240x128xf32, #tpu.memory_space<vmem_shared>>)
        tpu.yield
      }) : () -> ()
    }
    %scan3A_31 = arith.constant 20 : i32
    %dma_wait3A = arith.constant 0 : i32
    %dma_wait3A_32 = arith.constant 0 : i32
    %dma_wait3A_33 = tpu.memref_slice %arg6[%dma_wait3A, %dma_wait3A_32] : memref<40x128xi32, #tpu.memory_space<vmem>> -> memref<1x128xi32, #tpu.memory_space<vmem>>
    %dma_wait3A_34 = tpu.memref_squeeze %dma_wait3A_33 : memref<1x128xi32, #tpu.memory_space<vmem>> -> memref<128xi32, #tpu.memory_space<vmem>>
    %dma_wait3A_35 = arith.constant 0 : i32
    %dma_wait3A_36 = arith.constant 0 : i32
    %dma_wait3A_37 = tpu.memref_slice %arg2[%dma_wait3A_35, %dma_wait3A_36] : memref<10000x128xf32, #tpu.memory_space<hbm>> -> memref<10000x128xf32, #tpu.memory_space<hbm>>
    tpu.wait_indirect_dma semaphore(%arg11 : memref<!tpu.dma_semaphore, #tpu.memory_space<semaphore_mem>>) src(%dma_wait3A_37 : memref<10000x128xf32, #tpu.memory_space<hbm>>) dst(%arg8 : memref<128x128xf32, #tpu.memory_space<vmem>>)
    %add3A_38 = arith.constant 40 : i32
    %add3A_39 = arith.addi %mul3A_19, %add3A_38 : i32
    "tpu.region"() ({
      %run_scoped3A = tpu.sem_alloc : memref<!tpu.dma_semaphore, #tpu.memory_space<semaphore_mem>>
      %dma_start3A_63 = arith.constant 0 : i32
      %dma_start3A_64 = arith.constant 0 : i32
      %dma_start3A_65 = tpu.memref_slice %arg6[%dma_start3A_63, %dma_start3A_64] : memref<40x128xi32, #tpu.memory_space<vmem>> -> memref<40x128xi32, #tpu.memory_space<vmem>>
      %dma_start3A_66 = arith.constant 0 : i32
      %dma_start3A_67 = tpu.memref_slice %arg3[%add3A_39, %dma_start3A_66] : memref<2560x128xi32, #tpu.memory_space<hbm>> -> memref<40x128xi32, #tpu.memory_space<hbm>>
      %dma_start3A_68 = arith.constant 0 : i32
      %dma_start3A_69 = arith.constant 0 : i32
      %dma_start3A_70 = tpu.memref_slice %arg6[%dma_start3A_68, %dma_start3A_69] : memref<40x128xi32, #tpu.memory_space<vmem>> -> memref<40x128xi32, #tpu.memory_space<vmem>>
      %dma_start3A_71 = arith.constant 0 : i32
      %dma_start3A_72 = tpu.memref_slice %arg3[%add3A_39, %dma_start3A_71] : memref<2560x128xi32, #tpu.memory_space<hbm>> -> memref<40x128xi32, #tpu.memory_space<hbm>>
      tpu.enqueue_dma source(%dma_start3A_72 : memref<40x128xi32, #tpu.memory_space<hbm>>) target(%dma_start3A_70 : memref<40x128xi32, #tpu.memory_space<vmem>>) target_semaphore(%run_scoped3A : memref<!tpu.dma_semaphore, #tpu.memory_space<semaphore_mem>>)
      %dma_wait3A_73 = arith.constant 0 : i32
      %dma_wait3A_74 = arith.constant 0 : i32
      %dma_wait3A_75 = tpu.memref_slice %arg6[%dma_wait3A_73, %dma_wait3A_74] : memref<40x128xi32, #tpu.memory_space<vmem>> -> memref<40x128xi32, #tpu.memory_space<vmem>>
      %dma_wait3A_76 = arith.constant 0 : i32
      %dma_wait3A_77 = tpu.memref_slice %arg3[%add3A_39, %dma_wait3A_76] : memref<2560x128xi32, #tpu.memory_space<hbm>> -> memref<40x128xi32, #tpu.memory_space<hbm>>
      %dma_wait3A_78 = arith.constant 0 : i32
      %dma_wait3A_79 = arith.constant 0 : i32
      %dma_wait3A_80 = tpu.memref_slice %arg6[%dma_wait3A_78, %dma_wait3A_79] : memref<40x128xi32, #tpu.memory_space<vmem>> -> memref<40x128xi32, #tpu.memory_space<vmem>>
      %dma_wait3A_81 = arith.constant 0 : i32
      %dma_wait3A_82 = tpu.memref_slice %arg3[%add3A_39, %dma_wait3A_81] : memref<2560x128xi32, #tpu.memory_space<hbm>> -> memref<40x128xi32, #tpu.memory_space<hbm>>
      tpu.wait_dma2 semaphore(%run_scoped3A : memref<!tpu.dma_semaphore, #tpu.memory_space<semaphore_mem>>) src(%dma_wait3A_82 : memref<40x128xi32, #tpu.memory_space<hbm>>) dst(%dma_wait3A_80 : memref<40x128xi32, #tpu.memory_space<vmem>>)
      tpu.yield
    }) : () -> ()
    "tpu.region"() ({
      %run_scoped3A = tpu.sem_alloc : memref<!tpu.dma_semaphore, #tpu.memory_space<semaphore_mem>>
      %dma_start3A_63 = arith.constant 0 : i32
      %dma_start3A_64 = arith.constant 0 : i32
      %dma_start3A_65 = tpu.memref_slice %arg7[%dma_start3A_63, %dma_start3A_64] : memref<40x128xi32, #tpu.memory_space<vmem>> -> memref<40x128xi32, #tpu.memory_space<vmem>>
      %dma_start3A_66 = arith.constant 0 : i32
      %dma_start3A_67 = tpu.memref_slice %arg4[%add3A_39, %dma_start3A_66] : memref<2560x128xi32, #tpu.memory_space<hbm>> -> memref<40x128xi32, #tpu.memory_space<hbm>>
      %dma_start3A_68 = arith.constant 0 : i32
      %dma_start3A_69 = arith.constant 0 : i32
      %dma_start3A_70 = tpu.memref_slice %arg7[%dma_start3A_68, %dma_start3A_69] : memref<40x128xi32, #tpu.memory_space<vmem>> -> memref<40x128xi32, #tpu.memory_space<vmem>>
      %dma_start3A_71 = arith.constant 0 : i32
      %dma_start3A_72 = tpu.memref_slice %arg4[%add3A_39, %dma_start3A_71] : memref<2560x128xi32, #tpu.memory_space<hbm>> -> memref<40x128xi32, #tpu.memory_space<hbm>>
      tpu.enqueue_dma source(%dma_start3A_72 : memref<40x128xi32, #tpu.memory_space<hbm>>) target(%dma_start3A_70 : memref<40x128xi32, #tpu.memory_space<vmem>>) target_semaphore(%run_scoped3A : memref<!tpu.dma_semaphore, #tpu.memory_space<semaphore_mem>>)
      %dma_wait3A_73 = arith.constant 0 : i32
      %dma_wait3A_74 = arith.constant 0 : i32
      %dma_wait3A_75 = tpu.memref_slice %arg7[%dma_wait3A_73, %dma_wait3A_74] : memref<40x128xi32, #tpu.memory_space<vmem>> -> memref<40x128xi32, #tpu.memory_space<vmem>>
      %dma_wait3A_76 = arith.constant 0 : i32
      %dma_wait3A_77 = tpu.memref_slice %arg4[%add3A_39, %dma_wait3A_76] : memref<2560x128xi32, #tpu.memory_space<hbm>> -> memref<40x128xi32, #tpu.memory_space<hbm>>
      %dma_wait3A_78 = arith.constant 0 : i32
      %dma_wait3A_79 = arith.constant 0 : i32
      %dma_wait3A_80 = tpu.memref_slice %arg7[%dma_wait3A_78, %dma_wait3A_79] : memref<40x128xi32, #tpu.memory_space<vmem>> -> memref<40x128xi32, #tpu.memory_space<vmem>>
      %dma_wait3A_81 = arith.constant 0 : i32
      %dma_wait3A_82 = tpu.memref_slice %arg4[%add3A_39, %dma_wait3A_81] : memref<2560x128xi32, #tpu.memory_space<hbm>> -> memref<40x128xi32, #tpu.memory_space<hbm>>
      tpu.wait_dma2 semaphore(%run_scoped3A : memref<!tpu.dma_semaphore, #tpu.memory_space<semaphore_mem>>) src(%dma_wait3A_82 : memref<40x128xi32, #tpu.memory_space<hbm>>) dst(%dma_wait3A_80 : memref<40x128xi32, #tpu.memory_space<vmem>>)
      tpu.yield
    }) : () -> ()
    %dma_start3A_40 = arith.constant 0 : i32
    %dma_start3A_41 = arith.constant 0 : i32
    %dma_start3A_42 = tpu.memref_slice %arg6[%dma_start3A_40, %dma_start3A_41] : memref<40x128xi32, #tpu.memory_space<vmem>> -> memref<1x128xi32, #tpu.memory_space<vmem>>
    %dma_start3A_43 = tpu.memref_squeeze %dma_start3A_42 : memref<1x128xi32, #tpu.memory_space<vmem>> -> memref<128xi32, #tpu.memory_space<vmem>>
    %dma_start3A_44 = arith.constant 0 : i32
    %dma_start3A_45 = arith.constant 0 : i32
    %dma_start3A_46 = tpu.memref_slice %arg2[%dma_start3A_44, %dma_start3A_45] : memref<10000x128xf32, #tpu.memory_space<hbm>> -> memref<10000x128xf32, #tpu.memory_space<hbm>>
    tpu.enqueue_indirect_dma source(%dma_start3A_46 : memref<10000x128xf32, #tpu.memory_space<hbm>>) target(%arg8 : memref<128x128xf32, #tpu.memory_space<vmem>>) offsets(%dma_start3A_43 : memref<128xi32, #tpu.memory_space<vmem>>) semaphore(%arg11 : memref<!tpu.dma_semaphore, #tpu.memory_space<semaphore_mem>>)
    %scan3A_47 = arith.constant 0 : i32
    %scan3A_48 = arith.constant 0 : i32
    %scan3A_49 = arith.constant 20 : i32
    %scan3A_50 = arith.addi %scan3A_48, %scan3A_49 : i32
    %scan3A_51 = arith.constant 1 : i32
    scf.for %scan3A_63 = %scan3A_48 to %scan3A_50 step %scan3A_51  : i32 {
      %mul3A_64 = arith.constant 2 : i32
      %mul3A_65 = arith.muli %mul3A_64, %scan3A_63 : i32
      %add3A_66 = arith.constant 1 : i32
      %add3A_67 = arith.addi %mul3A_65, %add3A_66 : i32
      %dma_start3A_68 = arith.constant 0 : i32
      %dma_start3A_69 = tpu.memref_slice %arg6[%add3A_67, %dma_start3A_68] : memref<40x128xi32, #tpu.memory_space<vmem>> -> memref<1x128xi32, #tpu.memory_space<vmem>>
      %dma_start3A_70 = tpu.memref_squeeze %dma_start3A_69 : memref<1x128xi32, #tpu.memory_space<vmem>> -> memref<128xi32, #tpu.memory_space<vmem>>
      %dma_start3A_71 = arith.constant 0 : i32
      %dma_start3A_72 = arith.constant 0 : i32
      %dma_start3A_73 = tpu.memref_slice %arg2[%dma_start3A_71, %dma_start3A_72] : memref<10000x128xf32, #tpu.memory_space<hbm>> -> memref<10000x128xf32, #tpu.memory_space<hbm>>
      tpu.enqueue_indirect_dma source(%dma_start3A_73 : memref<10000x128xf32, #tpu.memory_space<hbm>>) target(%arg9 : memref<128x128xf32, #tpu.memory_space<vmem>>) offsets(%dma_start3A_70 : memref<128xi32, #tpu.memory_space<vmem>>) semaphore(%arg12 : memref<!tpu.dma_semaphore, #tpu.memory_space<semaphore_mem>>)
      %dma_wait3A_74 = arith.constant 0 : i32
      %dma_wait3A_75 = arith.constant 0 : i32
      %dma_wait3A_76 = tpu.memref_slice %arg6[%dma_wait3A_74, %dma_wait3A_75] : memref<40x128xi32, #tpu.memory_space<vmem>> -> memref<1x128xi32, #tpu.memory_space<vmem>>
      %dma_wait3A_77 = tpu.memref_squeeze %dma_wait3A_76 : memref<1x128xi32, #tpu.memory_space<vmem>> -> memref<128xi32, #tpu.memory_space<vmem>>
      %dma_wait3A_78 = arith.constant 0 : i32
      %dma_wait3A_79 = arith.constant 0 : i32
      %dma_wait3A_80 = tpu.memref_slice %arg2[%dma_wait3A_78, %dma_wait3A_79] : memref<10000x128xf32, #tpu.memory_space<hbm>> -> memref<10000x128xf32, #tpu.memory_space<hbm>>
      tpu.wait_indirect_dma semaphore(%arg11 : memref<!tpu.dma_semaphore, #tpu.memory_space<semaphore_mem>>) src(%dma_wait3A_80 : memref<10000x128xf32, #tpu.memory_space<hbm>>) dst(%arg8 : memref<128x128xf32, #tpu.memory_space<vmem>>)
      "tpu.region"() ({
        %run_scoped3A = tpu.sem_alloc : memref<!tpu.dma_semaphore, #tpu.memory_space<semaphore_mem>>
        %dma_start3A_97 = arith.constant 0 : i32
        %dma_start3A_98 = tpu.memref_slice %arg7[%mul3A_65, %dma_start3A_97] : memref<40x128xi32, #tpu.memory_space<vmem>> -> memref<1x128xi32, #tpu.memory_space<vmem>>
        %dma_start3A_99 = tpu.memref_squeeze %dma_start3A_98 : memref<1x128xi32, #tpu.memory_space<vmem>> -> memref<128xi32, #tpu.memory_space<vmem>>
        %dma_start3A_100 = arith.constant 0 : i32
        %dma_start3A_101 = arith.constant 0 : i32
        %dma_start3A_102 = tpu.memref_slice %arg10[%dma_start3A_100, %dma_start3A_101] : memref<10240x128xf32, #tpu.memory_space<vmem_shared>> -> memref<10240x128xf32, #tpu.memory_space<vmem_shared>>
        tpu.enqueue_indirect_dma source(%arg8 : memref<128x128xf32, #tpu.memory_space<vmem>>) target(%dma_start3A_102 : memref<10240x128xf32, #tpu.memory_space<vmem_shared>>) offsets(%dma_start3A_99 : memref<128xi32, #tpu.memory_space<vmem>>) semaphore(%run_scoped3A : memref<!tpu.dma_semaphore, #tpu.memory_space<semaphore_mem>>) {add = true}
        %dma_wait3A_103 = arith.constant 0 : i32
        %dma_wait3A_104 = tpu.memref_slice %arg7[%mul3A_65, %dma_wait3A_103] : memref<40x128xi32, #tpu.memory_space<vmem>> -> memref<1x128xi32, #tpu.memory_space<vmem>>
        %dma_wait3A_105 = tpu.memref_squeeze %dma_wait3A_104 : memref<1x128xi32, #tpu.memory_space<vmem>> -> memref<128xi32, #tpu.memory_space<vmem>>
        %dma_wait3A_106 = arith.constant 0 : i32
        %dma_wait3A_107 = arith.constant 0 : i32
        %dma_wait3A_108 = tpu.memref_slice %arg10[%dma_wait3A_106, %dma_wait3A_107] : memref<10240x128xf32, #tpu.memory_space<vmem_shared>> -> memref<10240x128xf32, #tpu.memory_space<vmem_shared>>
        tpu.wait_indirect_dma semaphore(%run_scoped3A : memref<!tpu.dma_semaphore, #tpu.memory_space<semaphore_mem>>) src(%arg8 : memref<128x128xf32, #tpu.memory_space<vmem>>) dst(%dma_wait3A_108 : memref<10240x128xf32, #tpu.memory_space<vmem_shared>>)
        tpu.yield
      }) : () -> ()
      %add3A_81 = arith.constant 1 : i32
      %add3A_82 = arith.addi %add3A_67, %add3A_81 : i32
      %rem3A = arith.constant 40 : i32
      %rem3A_83 = arith.remsi %add3A_82, %rem3A : i32
      %dma_start3A_84 = arith.constant 0 : i32
      %dma_start3A_85 = tpu.memref_slice %arg6[%rem3A_83, %dma_start3A_84] : memref<40x128xi32, #tpu.memory_space<vmem>> -> memref<1x128xi32, #tpu.memory_space<vmem>>
      %dma_start3A_86 = tpu.memref_squeeze %dma_start3A_85 : memref<1x128xi32, #tpu.memory_space<vmem>> -> memref<128xi32, #tpu.memory_space<vmem>>
      %dma_start3A_87 = arith.constant 0 : i32
      %dma_start3A_88 = arith.constant 0 : i32
      %dma_start3A_89 = tpu.memref_slice %arg2[%dma_start3A_87, %dma_start3A_88] : memref<10000x128xf32, #tpu.memory_space<hbm>> -> memref<10000x128xf32, #tpu.memory_space<hbm>>
      tpu.enqueue_indirect_dma source(%dma_start3A_89 : memref<10000x128xf32, #tpu.memory_space<hbm>>) target(%arg8 : memref<128x128xf32, #tpu.memory_space<vmem>>) offsets(%dma_start3A_86 : memref<128xi32, #tpu.memory_space<vmem>>) semaphore(%arg11 : memref<!tpu.dma_semaphore, #tpu.memory_space<semaphore_mem>>)
      %dma_wait3A_90 = arith.constant 0 : i32
      %dma_wait3A_91 = arith.constant 0 : i32
      %dma_wait3A_92 = tpu.memref_slice %arg6[%dma_wait3A_90, %dma_wait3A_91] : memref<40x128xi32, #tpu.memory_space<vmem>> -> memref<1x128xi32, #tpu.memory_space<vmem>>
      %dma_wait3A_93 = tpu.memref_squeeze %dma_wait3A_92 : memref<1x128xi32, #tpu.memory_space<vmem>> -> memref<128xi32, #tpu.memory_space<vmem>>
      %dma_wait3A_94 = arith.constant 0 : i32
      %dma_wait3A_95 = arith.constant 0 : i32
      %dma_wait3A_96 = tpu.memref_slice %arg2[%dma_wait3A_94, %dma_wait3A_95] : memref<10000x128xf32, #tpu.memory_space<hbm>> -> memref<10000x128xf32, #tpu.memory_space<hbm>>
      tpu.wait_indirect_dma semaphore(%arg12 : memref<!tpu.dma_semaphore, #tpu.memory_space<semaphore_mem>>) src(%dma_wait3A_96 : memref<10000x128xf32, #tpu.memory_space<hbm>>) dst(%arg9 : memref<128x128xf32, #tpu.memory_space<vmem>>)
      "tpu.region"() ({
        %run_scoped3A = tpu.sem_alloc : memref<!tpu.dma_semaphore, #tpu.memory_space<semaphore_mem>>
        %dma_start3A_97 = arith.constant 0 : i32
        %dma_start3A_98 = tpu.memref_slice %arg7[%add3A_67, %dma_start3A_97] : memref<40x128xi32, #tpu.memory_space<vmem>> -> memref<1x128xi32, #tpu.memory_space<vmem>>
        %dma_start3A_99 = tpu.memref_squeeze %dma_start3A_98 : memref<1x128xi32, #tpu.memory_space<vmem>> -> memref<128xi32, #tpu.memory_space<vmem>>
        %dma_start3A_100 = arith.constant 0 : i32
        %dma_start3A_101 = arith.constant 0 : i32
        %dma_start3A_102 = tpu.memref_slice %arg10[%dma_start3A_100, %dma_start3A_101] : memref<10240x128xf32, #tpu.memory_space<vmem_shared>> -> memref<10240x128xf32, #tpu.memory_space<vmem_shared>>
        tpu.enqueue_indirect_dma source(%arg9 : memref<128x128xf32, #tpu.memory_space<vmem>>) target(%dma_start3A_102 : memref<10240x128xf32, #tpu.memory_space<vmem_shared>>) offsets(%dma_start3A_99 : memref<128xi32, #tpu.memory_space<vmem>>) semaphore(%run_scoped3A : memref<!tpu.dma_semaphore, #tpu.memory_space<semaphore_mem>>) {add = true}
        %dma_wait3A_103 = arith.constant 0 : i32
        %dma_wait3A_104 = tpu.memref_slice %arg7[%add3A_67, %dma_wait3A_103] : memref<40x128xi32, #tpu.memory_space<vmem>> -> memref<1x128xi32, #tpu.memory_space<vmem>>
        %dma_wait3A_105 = tpu.memref_squeeze %dma_wait3A_104 : memref<1x128xi32, #tpu.memory_space<vmem>> -> memref<128xi32, #tpu.memory_space<vmem>>
        %dma_wait3A_106 = arith.constant 0 : i32
        %dma_wait3A_107 = arith.constant 0 : i32
        %dma_wait3A_108 = tpu.memref_slice %arg10[%dma_wait3A_106, %dma_wait3A_107] : memref<10240x128xf32, #tpu.memory_space<vmem_shared>> -> memref<10240x128xf32, #tpu.memory_space<vmem_shared>>
        tpu.wait_indirect_dma semaphore(%run_scoped3A : memref<!tpu.dma_semaphore, #tpu.memory_space<semaphore_mem>>) src(%arg9 : memref<128x128xf32, #tpu.memory_space<vmem>>) dst(%dma_wait3A_108 : memref<10240x128xf32, #tpu.memory_space<vmem_shared>>)
        tpu.yield
      }) : () -> ()
    }
    %scan3A_52 = arith.constant 20 : i32
    %dma_wait3A_53 = arith.constant 0 : i32
    %dma_wait3A_54 = arith.constant 0 : i32
    %dma_wait3A_55 = tpu.memref_slice %arg6[%dma_wait3A_53, %dma_wait3A_54] : memref<40x128xi32, #tpu.memory_space<vmem>> -> memref<1x128xi32, #tpu.memory_space<vmem>>
    %dma_wait3A_56 = tpu.memref_squeeze %dma_wait3A_55 : memref<1x128xi32, #tpu.memory_space<vmem>> -> memref<128xi32, #tpu.memory_space<vmem>>
    %dma_wait3A_57 = arith.constant 0 : i32
    %dma_wait3A_58 = arith.constant 0 : i32
    %dma_wait3A_59 = tpu.memref_slice %arg2[%dma_wait3A_57, %dma_wait3A_58] : memref<10000x128xf32, #tpu.memory_space<hbm>> -> memref<10000x128xf32, #tpu.memory_space<hbm>>
    tpu.wait_indirect_dma semaphore(%arg11 : memref<!tpu.dma_semaphore, #tpu.memory_space<semaphore_mem>>) src(%dma_wait3A_59 : memref<10000x128xf32, #tpu.memory_space<hbm>>) dst(%arg8 : memref<128x128xf32, #tpu.memory_space<vmem>>)
    %add3A_60 = arith.constant 40 : i32
    %add3A_61 = arith.addi %add3A_39, %add3A_60 : i32
    %barrier3A_62 = arith.constant 0 : index
    tpu.barrier barrier_id(%barrier3A_62)
    "tpu.region"() ({
      %run_scoped3A = tpu.sem_alloc : memref<!tpu.dma_semaphore, #tpu.memory_space<semaphore_mem>>
      %dma_start3A_63 = arith.constant 0 : i32
      %dma_start3A_64 = tpu.memref_slice %arg5[%arg0, %mul3A_0, %dma_start3A_63] : memref<2x10240x128xf32, #tpu.memory_space<hbm>> -> memref<1x640x128xf32, #tpu.memory_space<hbm>>
      %dma_start3A_65 = tpu.memref_squeeze %dma_start3A_64 : memref<1x640x128xf32, #tpu.memory_space<hbm>> -> memref<640x128xf32, #tpu.memory_space<hbm>>
      %dma_start3A_66 = arith.constant 0 : i32
      %dma_start3A_67 = tpu.memref_slice %arg10[%mul3A_0, %dma_start3A_66] : memref<10240x128xf32, #tpu.memory_space<vmem_shared>> -> memref<640x128xf32, #tpu.memory_space<vmem_shared>>
      tpu.enqueue_dma source(%dma_start3A_67 : memref<640x128xf32, #tpu.memory_space<vmem_shared>>) target(%dma_start3A_65 : memref<640x128xf32, #tpu.memory_space<hbm>>) target_semaphore(%run_scoped3A : memref<!tpu.dma_semaphore, #tpu.memory_space<semaphore_mem>>)
      %dma_wait3A_68 = arith.constant 0 : i32
      %dma_wait3A_69 = tpu.memref_slice %arg5[%arg0, %mul3A_0, %dma_wait3A_68] : memref<2x10240x128xf32, #tpu.memory_space<hbm>> -> memref<1x640x128xf32, #tpu.memory_space<hbm>>
      %dma_wait3A_70 = tpu.memref_squeeze %dma_wait3A_69 : memref<1x640x128xf32, #tpu.memory_space<hbm>> -> memref<640x128xf32, #tpu.memory_space<hbm>>
      %dma_wait3A_71 = arith.constant 0 : i32
      %dma_wait3A_72 = tpu.memref_slice %arg10[%mul3A_0, %dma_wait3A_71] : memref<10240x128xf32, #tpu.memory_space<vmem_shared>> -> memref<640x128xf32, #tpu.memory_space<vmem_shared>>
      tpu.wait_dma2 semaphore(%run_scoped3A : memref<!tpu.dma_semaphore, #tpu.memory_space<semaphore_mem>>) src(%dma_wait3A_72 : memref<640x128xf32, #tpu.memory_space<vmem_shared>>) dst(%dma_wait3A_70 : memref<640x128xf32, #tpu.memory_space<hbm>>)
      tpu.yield
    }) : () -> ()
    return
  }
}

#map = affine_map<(d0, d1) -> (0, 0)>
module attributes {stable_mosaic.version = 14 : i64} {
  func.func @body(%arg0: i32, %arg1: i32, %arg2: memref<2560x128xi32, #tpu.memory_space<hbm>>, %arg3: memref<2x10240xf32, #tpu.memory_space<hbm>>, %arg4: memref<80x128xi32, #tpu.memory_space<vmem>>, %arg5: memref<10240xf32, #tpu.memory_space<vmem>>, %arg6: memref<16x640xf32, #tpu.memory_space<vmem>>, %arg7: memref<16x16x640xf32, #tpu.memory_space<vmem_shared>>) attributes {dimension_semantics = [#tpu.dimension_semantics<core_parallel>, #tpu.dimension_semantics<subcore_parallel>], iteration_bounds = array<i64: 2, 16>, scalar_prefetch = 0 : i64, scratch_operands = 4 : i64, tpu.core_type = #tpu.core_type<sc_vector_subcore>, window_params = [{transform_indices = #map}, {transform_indices = #map}]} {
    %mul3A = arith.constant 2 : i32
    %mul3A_0 = arith.muli %arg1, %mul3A : i32
    %add3A = arith.addi %mul3A_0, %arg0 : i32
    %mul3A_1 = arith.constant 640 : i32
    %mul3A_2 = arith.muli %arg1, %mul3A_1 : i32
    %mul3A_3 = arith.constant 80 : i32
    %mul3A_4 = arith.muli %add3A, %mul3A_3 : i32
    "tpu.region"() ({
      %run_scoped3A_38 = tpu.sem_alloc : memref<!tpu.dma_semaphore, #tpu.memory_space<semaphore_mem>>
      %dma_start3A = arith.constant 0 : i32
      %dma_start3A_39 = tpu.memref_slice %arg2[%mul3A_4, %dma_start3A] : memref<2560x128xi32, #tpu.memory_space<hbm>> -> memref<80x128xi32, #tpu.memory_space<hbm>>
      %dma_start3A_40 = arith.constant 0 : i32
      %dma_start3A_41 = tpu.memref_slice %arg2[%mul3A_4, %dma_start3A_40] : memref<2560x128xi32, #tpu.memory_space<hbm>> -> memref<80x128xi32, #tpu.memory_space<hbm>>
      tpu.enqueue_dma source(%dma_start3A_41 : memref<80x128xi32, #tpu.memory_space<hbm>>) target(%arg4 : memref<80x128xi32, #tpu.memory_space<vmem>>) target_semaphore(%run_scoped3A_38 : memref<!tpu.dma_semaphore, #tpu.memory_space<semaphore_mem>>)
      %dma_wait3A = arith.constant 0 : i32
      %dma_wait3A_42 = tpu.memref_slice %arg2[%mul3A_4, %dma_wait3A] : memref<2560x128xi32, #tpu.memory_space<hbm>> -> memref<80x128xi32, #tpu.memory_space<hbm>>
      %dma_wait3A_43 = arith.constant 0 : i32
      %dma_wait3A_44 = tpu.memref_slice %arg2[%mul3A_4, %dma_wait3A_43] : memref<2560x128xi32, #tpu.memory_space<hbm>> -> memref<80x128xi32, #tpu.memory_space<hbm>>
      tpu.wait_dma2 semaphore(%run_scoped3A_38 : memref<!tpu.dma_semaphore, #tpu.memory_space<semaphore_mem>>) src(%dma_wait3A_44 : memref<80x128xi32, #tpu.memory_space<hbm>>) dst(%arg4 : memref<80x128xi32, #tpu.memory_space<vmem>>)
      tpu.yield
    }) : () -> ()
    %scan3A = arith.constant 0 : i32
    %scan3A_5 = arith.constant 0 : i32
    %scan3A_6 = arith.constant 640 : i32
    %scan3A_7 = arith.addi %scan3A_5, %scan3A_6 : i32
    %scan3A_8 = arith.constant 1 : i32
    scf.for %scan3A_38 = %scan3A_5 to %scan3A_7 step %scan3A_8  : i32 {
      %broadcast_in_dim3A_39 = arith.constant 0.000000e+00 : f32
      %broadcast_in_dim3A_40 = vector.broadcast %broadcast_in_dim3A_39 : f32 to vector<16xf32>
      %mul3A_41 = arith.constant 16 : i32
      %mul3A_42 = arith.muli %scan3A_38, %mul3A_41 : i32
      %swap3A = arith.index_cast %mul3A_42 : i32 to index
      %swap3A_43 = tpu.vector_load %arg5[%swap3A] {strides = array<i32>} : memref<10240xf32, #tpu.memory_space<vmem>>, vector<16xf32>,
      tpu.vector_store %arg5[%swap3A], %broadcast_in_dim3A_40 {strides = array<i32>} : memref<10240xf32, #tpu.memory_space<vmem>>, vector<16xf32>,
    }
    %scan3A_9 = arith.constant 640 : i32
    %broadcast_in_dim3A = arith.constant 1.000000e+00 : f32
    %broadcast_in_dim3A_10 = vector.broadcast %broadcast_in_dim3A : f32 to vector<16xf32>
    %scan3A_11 = arith.constant 0 : i32
    %scan3A_12 = arith.constant 0 : i32
    %scan3A_13 = arith.constant 640 : i32
    %scan3A_14 = arith.addi %scan3A_12, %scan3A_13 : i32
    %scan3A_15 = arith.constant 1 : i32
    scf.for %scan3A_38 = %scan3A_12 to %scan3A_14 step %scan3A_15  : i32 {
      %jit3A = arith.constant 8 : i32
      %div3A = arith.divsi %scan3A_38, %jit3A : i32
      %sign3A = arith.constant 0 : i32
      %sign3A_39 = arith.cmpi sgt, %scan3A_38, %sign3A : i32
      %sign3A_40 = arith.extui %sign3A_39 : i1 to i32
      %sign3A_41 = arith.constant 0 : i32
      %sign3A_42 = arith.cmpi slt, %scan3A_38, %sign3A_41 : i32
      %sign3A_43 = arith.extui %sign3A_42 : i1 to i32
      %sign3A_44 = arith.subi %sign3A_40, %sign3A_43 : i32
      %sign3A_45 = arith.constant 0 : i32
      %sign3A_46 = arith.cmpi sgt, %jit3A, %sign3A_45 : i32
      %sign3A_47 = arith.extui %sign3A_46 : i1 to i32
      %sign3A_48 = arith.constant 0 : i32
      %sign3A_49 = arith.cmpi slt, %jit3A, %sign3A_48 : i32
      %sign3A_50 = arith.extui %sign3A_49 : i1 to i32
      %sign3A_51 = arith.subi %sign3A_47, %sign3A_50 : i32
      %ne3A = arith.cmpi ne, %sign3A_44, %sign3A_51 : i32
      %rem3A = arith.remsi %scan3A_38, %jit3A : i32
      %ne3A_52 = arith.constant 0 : i32
      %ne3A_53 = arith.cmpi ne, %rem3A, %ne3A_52 : i32
      %and3A = arith.andi %ne3A, %ne3A_53 : i1
      %sub3A = arith.constant 1 : i32
      %sub3A_54 = arith.subi %div3A, %sub3A : i32
      %select_n3A = arith.select %and3A, %sub3A_54, %div3A : i32
      %jit3A_55 = arith.constant 8 : i32
      %eq3A = arith.constant 0 : i32
      %eq3A_56 = arith.cmpi eq, %jit3A_55, %eq3A : i32
      %jit3A_57 = arith.constant 1 : i32
      %select_n3A_58 = arith.select %eq3A_56, %jit3A_57, %jit3A_55 : i32
      %rem3A_59 = arith.remsi %scan3A_38, %select_n3A_58 : i32
      %ne3A_60 = arith.constant 0 : i32
      %ne3A_61 = arith.cmpi ne, %rem3A_59, %ne3A_60 : i32
      %lt3A = arith.constant 0 : i32
      %lt3A_62 = arith.cmpi slt, %rem3A_59, %lt3A : i32
      %lt3A_63 = arith.constant 0 : i32
      %lt3A_64 = arith.cmpi slt, %select_n3A_58, %lt3A_63 : i32
      %ne3A_65 = arith.xori %lt3A_62, %lt3A_64 : i1
      %and3A_66 = arith.andi %ne3A_65, %ne3A_61 : i1
      %add3A_67 = arith.addi %rem3A_59, %select_n3A_58 : i32
      %select_n3A_68 = arith.select %and3A_66, %add3A_67, %rem3A_59 : i32
      %mul3A_69 = arith.constant 16 : i32
      %mul3A_70 = arith.muli %select_n3A_68, %mul3A_69 : i32
      %get3A = arith.index_cast %select_n3A : i32 to index
      %get3A_71 = arith.index_cast %mul3A_70 : i32 to index
      %get3A_72 = tpu.vector_load %arg4[%get3A, %get3A_71] {strides = array<i32>} : memref<80x128xi32, #tpu.memory_space<vmem>>, vector<16xi32>,
      tpu.vector_store_idx %arg5[%get3A_72], %broadcast_in_dim3A_10 {add = true} : memref<10240xf32, #tpu.memory_space<vmem>>[vector<16xi32>], vector<16xf32>,
    }
    %scan3A_16 = arith.constant 640 : i32
    %run_scoped3A = arith.constant 0 : i32
    "tpu.region"() ({
      %run_scoped3A_38 = tpu.sem_alloc : memref<!tpu.dma_semaphore, #tpu.memory_space<semaphore_mem>>
      %dma_start3A = arith.constant 0 : i32
      %dma_start3A_39 = tpu.memref_slice %arg5[%dma_start3A] : memref<10240xf32, #tpu.memory_space<vmem>> -> memref<640xf32, #tpu.memory_space<vmem>>
      %dma_start3A_40 = arith.constant 0 : i32
      %dma_start3A_41 = tpu.memref_slice %arg7[%run_scoped3A, %arg1, %dma_start3A_40] : memref<16x16x640xf32, #tpu.memory_space<vmem_shared>> -> memref<1x1x640xf32, #tpu.memory_space<vmem_shared>>
      %dma_start3A_42 = tpu.memref_squeeze %dma_start3A_41 : memref<1x1x640xf32, #tpu.memory_space<vmem_shared>> -> memref<640xf32, #tpu.memory_space<vmem_shared>>
      %dma_start3A_43 = arith.constant 0 : i32
      %dma_start3A_44 = tpu.memref_slice %arg7[%run_scoped3A, %arg1, %dma_start3A_43] : memref<16x16x640xf32, #tpu.memory_space<vmem_shared>> -> memref<1x1x640xf32, #tpu.memory_space<vmem_shared>>
      %dma_start3A_45 = tpu.memref_squeeze %dma_start3A_44 : memref<1x1x640xf32, #tpu.memory_space<vmem_shared>> -> memref<640xf32, #tpu.memory_space<vmem_shared>>
      %dma_start3A_46 = arith.constant 0 : i32
      %dma_start3A_47 = tpu.memref_slice %arg5[%dma_start3A_46] : memref<10240xf32, #tpu.memory_space<vmem>> -> memref<640xf32, #tpu.memory_space<vmem>>
      tpu.enqueue_dma source(%dma_start3A_47 : memref<640xf32, #tpu.memory_space<vmem>>) target(%dma_start3A_45 : memref<640xf32, #tpu.memory_space<vmem_shared>>) target_semaphore(%run_scoped3A_38 : memref<!tpu.dma_semaphore, #tpu.memory_space<semaphore_mem>>)
      %dma_wait3A = arith.constant 0 : i32
      %dma_wait3A_48 = tpu.memref_slice %arg5[%dma_wait3A] : memref<10240xf32, #tpu.memory_space<vmem>> -> memref<640xf32, #tpu.memory_space<vmem>>
      %dma_wait3A_49 = arith.constant 0 : i32
      %dma_wait3A_50 = tpu.memref_slice %arg7[%run_scoped3A, %arg1, %dma_wait3A_49] : memref<16x16x640xf32, #tpu.memory_space<vmem_shared>> -> memref<1x1x640xf32, #tpu.memory_space<vmem_shared>>
      %dma_wait3A_51 = tpu.memref_squeeze %dma_wait3A_50 : memref<1x1x640xf32, #tpu.memory_space<vmem_shared>> -> memref<640xf32, #tpu.memory_space<vmem_shared>>
      %dma_wait3A_52 = arith.constant 0 : i32
      %dma_wait3A_53 = tpu.memref_slice %arg7[%run_scoped3A, %arg1, %dma_wait3A_52] : memref<16x16x640xf32, #tpu.memory_space<vmem_shared>> -> memref<1x1x640xf32, #tpu.memory_space<vmem_shared>>
      %dma_wait3A_54 = tpu.memref_squeeze %dma_wait3A_53 : memref<1x1x640xf32, #tpu.memory_space<vmem_shared>> -> memref<640xf32, #tpu.memory_space<vmem_shared>>
      %dma_wait3A_55 = arith.constant 0 : i32
      %dma_wait3A_56 = tpu.memref_slice %arg5[%dma_wait3A_55] : memref<10240xf32, #tpu.memory_space<vmem>> -> memref<640xf32, #tpu.memory_space<vmem>>
      tpu.wait_dma2 semaphore(%run_scoped3A_38 : memref<!tpu.dma_semaphore, #tpu.memory_space<semaphore_mem>>) src(%dma_wait3A_56 : memref<640xf32, #tpu.memory_space<vmem>>) dst(%dma_wait3A_54 : memref<640xf32, #tpu.memory_space<vmem_shared>>)
      tpu.yield
    }) : () -> ()
    %run_scoped3A_17 = arith.constant 1 : i32
    "tpu.region"() ({
      %run_scoped3A_38 = tpu.sem_alloc : memref<!tpu.dma_semaphore, #tpu.memory_space<semaphore_mem>>
      %dma_start3A = arith.constant 640 : i32
      %dma_start3A_39 = tpu.memref_slice %arg5[%dma_start3A] : memref<10240xf32, #tpu.memory_space<vmem>> -> memref<640xf32, #tpu.memory_space<vmem>>
      %dma_start3A_40 = arith.constant 0 : i32
      %dma_start3A_41 = tpu.memref_slice %arg7[%run_scoped3A_17, %arg1, %dma_start3A_40] : memref<16x16x640xf32, #tpu.memory_space<vmem_shared>> -> memref<1x1x640xf32, #tpu.memory_space<vmem_shared>>
      %dma_start3A_42 = tpu.memref_squeeze %dma_start3A_41 : memref<1x1x640xf32, #tpu.memory_space<vmem_shared>> -> memref<640xf32, #tpu.memory_space<vmem_shared>>
      %dma_start3A_43 = arith.constant 0 : i32
      %dma_start3A_44 = tpu.memref_slice %arg7[%run_scoped3A_17, %arg1, %dma_start3A_43] : memref<16x16x640xf32, #tpu.memory_space<vmem_shared>> -> memref<1x1x640xf32, #tpu.memory_space<vmem_shared>>
      %dma_start3A_45 = tpu.memref_squeeze %dma_start3A_44 : memref<1x1x640xf32, #tpu.memory_space<vmem_shared>> -> memref<640xf32, #tpu.memory_space<vmem_shared>>
      %dma_start3A_46 = arith.constant 640 : i32
      %dma_start3A_47 = tpu.memref_slice %arg5[%dma_start3A_46] : memref<10240xf32, #tpu.memory_space<vmem>> -> memref<640xf32, #tpu.memory_space<vmem>>
      tpu.enqueue_dma source(%dma_start3A_47 : memref<640xf32, #tpu.memory_space<vmem>>) target(%dma_start3A_45 : memref<640xf32, #tpu.memory_space<vmem_shared>>) target_semaphore(%run_scoped3A_38 : memref<!tpu.dma_semaphore, #tpu.memory_space<semaphore_mem>>)
      %dma_wait3A = arith.constant 640 : i32
      %dma_wait3A_48 = tpu.memref_slice %arg5[%dma_wait3A] : memref<10240xf32, #tpu.memory_space<vmem>> -> memref<640xf32, #tpu.memory_space<vmem>>
      %dma_wait3A_49 = arith.constant 0 : i32
      %dma_wait3A_50 = tpu.memref_slice %arg7[%run_scoped3A_17, %arg1, %dma_wait3A_49] : memref<16x16x640xf32, #tpu.memory_space<vmem_shared>> -> memref<1x1x640xf32, #tpu.memory_space<vmem_shared>>
      %dma_wait3A_51 = tpu.memref_squeeze %dma_wait3A_50 : memref<1x1x640xf32, #tpu.memory_space<vmem_shared>> -> memref<640xf32, #tpu.memory_space<vmem_shared>>
      %dma_wait3A_52 = arith.constant 0 : i32
      %dma_wait3A_53 = tpu.memref_slice %arg7[%run_scoped3A_17, %arg1, %dma_wait3A_52] : memref<16x16x640xf32, #tpu.memory_space<vmem_shared>> -> memref<1x1x640xf32, #tpu.memory_space<vmem_shared>>
      %dma_wait3A_54 = tpu.memref_squeeze %dma_wait3A_53 : memref<1x1x640xf32, #tpu.memory_space<vmem_shared>> -> memref<640xf32, #tpu.memory_space<vmem_shared>>
      %dma_wait3A_55 = arith.constant 640 : i32
      %dma_wait3A_56 = tpu.memref_slice %arg5[%dma_wait3A_55] : memref<10240xf32, #tpu.memory_space<vmem>> -> memref<640xf32, #tpu.memory_space<vmem>>
      tpu.wait_dma2 semaphore(%run_scoped3A_38 : memref<!tpu.dma_semaphore, #tpu.memory_space<semaphore_mem>>) src(%dma_wait3A_56 : memref<640xf32, #tpu.memory_space<vmem>>) dst(%dma_wait3A_54 : memref<640xf32, #tpu.memory_space<vmem_shared>>)
      tpu.yield
    }) : () -> ()
    %run_scoped3A_18 = arith.constant 2 : i32
    "tpu.region"() ({
      %run_scoped3A_38 = tpu.sem_alloc : memref<!tpu.dma_semaphore, #tpu.memory_space<semaphore_mem>>
      %dma_start3A = arith.constant 1280 : i32
      %dma_start3A_39 = tpu.memref_slice %arg5[%dma_start3A] : memref<10240xf32, #tpu.memory_space<vmem>> -> memref<640xf32, #tpu.memory_space<vmem>>
      %dma_start3A_40 = arith.constant 0 : i32
      %dma_start3A_41 = tpu.memref_slice %arg7[%run_scoped3A_18, %arg1, %dma_start3A_40] : memref<16x16x640xf32, #tpu.memory_space<vmem_shared>> -> memref<1x1x640xf32, #tpu.memory_space<vmem_shared>>
      %dma_start3A_42 = tpu.memref_squeeze %dma_start3A_41 : memref<1x1x640xf32, #tpu.memory_space<vmem_shared>> -> memref<640xf32, #tpu.memory_space<vmem_shared>>
      %dma_start3A_43 = arith.constant 0 : i32
      %dma_start3A_44 = tpu.memref_slice %arg7[%run_scoped3A_18, %arg1, %dma_start3A_43] : memref<16x16x640xf32, #tpu.memory_space<vmem_shared>> -> memref<1x1x640xf32, #tpu.memory_space<vmem_shared>>
      %dma_start3A_45 = tpu.memref_squeeze %dma_start3A_44 : memref<1x1x640xf32, #tpu.memory_space<vmem_shared>> -> memref<640xf32, #tpu.memory_space<vmem_shared>>
      %dma_start3A_46 = arith.constant 1280 : i32
      %dma_start3A_47 = tpu.memref_slice %arg5[%dma_start3A_46] : memref<10240xf32, #tpu.memory_space<vmem>> -> memref<640xf32, #tpu.memory_space<vmem>>
      tpu.enqueue_dma source(%dma_start3A_47 : memref<640xf32, #tpu.memory_space<vmem>>) target(%dma_start3A_45 : memref<640xf32, #tpu.memory_space<vmem_shared>>) target_semaphore(%run_scoped3A_38 : memref<!tpu.dma_semaphore, #tpu.memory_space<semaphore_mem>>)
      %dma_wait3A = arith.constant 1280 : i32
      %dma_wait3A_48 = tpu.memref_slice %arg5[%dma_wait3A] : memref<10240xf32, #tpu.memory_space<vmem>> -> memref<640xf32, #tpu.memory_space<vmem>>
      %dma_wait3A_49 = arith.constant 0 : i32
      %dma_wait3A_50 = tpu.memref_slice %arg7[%run_scoped3A_18, %arg1, %dma_wait3A_49] : memref<16x16x640xf32, #tpu.memory_space<vmem_shared>> -> memref<1x1x640xf32, #tpu.memory_space<vmem_shared>>
      %dma_wait3A_51 = tpu.memref_squeeze %dma_wait3A_50 : memref<1x1x640xf32, #tpu.memory_space<vmem_shared>> -> memref<640xf32, #tpu.memory_space<vmem_shared>>
      %dma_wait3A_52 = arith.constant 0 : i32
      %dma_wait3A_53 = tpu.memref_slice %arg7[%run_scoped3A_18, %arg1, %dma_wait3A_52] : memref<16x16x640xf32, #tpu.memory_space<vmem_shared>> -> memref<1x1x640xf32, #tpu.memory_space<vmem_shared>>
      %dma_wait3A_54 = tpu.memref_squeeze %dma_wait3A_53 : memref<1x1x640xf32, #tpu.memory_space<vmem_shared>> -> memref<640xf32, #tpu.memory_space<vmem_shared>>
      %dma_wait3A_55 = arith.constant 1280 : i32
      %dma_wait3A_56 = tpu.memref_slice %arg5[%dma_wait3A_55] : memref<10240xf32, #tpu.memory_space<vmem>> -> memref<640xf32, #tpu.memory_space<vmem>>
      tpu.wait_dma2 semaphore(%run_scoped3A_38 : memref<!tpu.dma_semaphore, #tpu.memory_space<semaphore_mem>>) src(%dma_wait3A_56 : memref<640xf32, #tpu.memory_space<vmem>>) dst(%dma_wait3A_54 : memref<640xf32, #tpu.memory_space<vmem_shared>>)
      tpu.yield
    }) : () -> ()
    %run_scoped3A_19 = arith.constant 3 : i32
    "tpu.region"() ({
      %run_scoped3A_38 = tpu.sem_alloc : memref<!tpu.dma_semaphore, #tpu.memory_space<semaphore_mem>>
      %dma_start3A = arith.constant 1920 : i32
      %dma_start3A_39 = tpu.memref_slice %arg5[%dma_start3A] : memref<10240xf32, #tpu.memory_space<vmem>> -> memref<640xf32, #tpu.memory_space<vmem>>
      %dma_start3A_40 = arith.constant 0 : i32
      %dma_start3A_41 = tpu.memref_slice %arg7[%run_scoped3A_19, %arg1, %dma_start3A_40] : memref<16x16x640xf32, #tpu.memory_space<vmem_shared>> -> memref<1x1x640xf32, #tpu.memory_space<vmem_shared>>
      %dma_start3A_42 = tpu.memref_squeeze %dma_start3A_41 : memref<1x1x640xf32, #tpu.memory_space<vmem_shared>> -> memref<640xf32, #tpu.memory_space<vmem_shared>>
      %dma_start3A_43 = arith.constant 0 : i32
      %dma_start3A_44 = tpu.memref_slice %arg7[%run_scoped3A_19, %arg1, %dma_start3A_43] : memref<16x16x640xf32, #tpu.memory_space<vmem_shared>> -> memref<1x1x640xf32, #tpu.memory_space<vmem_shared>>
      %dma_start3A_45 = tpu.memref_squeeze %dma_start3A_44 : memref<1x1x640xf32, #tpu.memory_space<vmem_shared>> -> memref<640xf32, #tpu.memory_space<vmem_shared>>
      %dma_start3A_46 = arith.constant 1920 : i32
      %dma_start3A_47 = tpu.memref_slice %arg5[%dma_start3A_46] : memref<10240xf32, #tpu.memory_space<vmem>> -> memref<640xf32, #tpu.memory_space<vmem>>
      tpu.enqueue_dma source(%dma_start3A_47 : memref<640xf32, #tpu.memory_space<vmem>>) target(%dma_start3A_45 : memref<640xf32, #tpu.memory_space<vmem_shared>>) target_semaphore(%run_scoped3A_38 : memref<!tpu.dma_semaphore, #tpu.memory_space<semaphore_mem>>)
      %dma_wait3A = arith.constant 1920 : i32
      %dma_wait3A_48 = tpu.memref_slice %arg5[%dma_wait3A] : memref<10240xf32, #tpu.memory_space<vmem>> -> memref<640xf32, #tpu.memory_space<vmem>>
      %dma_wait3A_49 = arith.constant 0 : i32
      %dma_wait3A_50 = tpu.memref_slice %arg7[%run_scoped3A_19, %arg1, %dma_wait3A_49] : memref<16x16x640xf32, #tpu.memory_space<vmem_shared>> -> memref<1x1x640xf32, #tpu.memory_space<vmem_shared>>
      %dma_wait3A_51 = tpu.memref_squeeze %dma_wait3A_50 : memref<1x1x640xf32, #tpu.memory_space<vmem_shared>> -> memref<640xf32, #tpu.memory_space<vmem_shared>>
      %dma_wait3A_52 = arith.constant 0 : i32
      %dma_wait3A_53 = tpu.memref_slice %arg7[%run_scoped3A_19, %arg1, %dma_wait3A_52] : memref<16x16x640xf32, #tpu.memory_space<vmem_shared>> -> memref<1x1x640xf32, #tpu.memory_space<vmem_shared>>
      %dma_wait3A_54 = tpu.memref_squeeze %dma_wait3A_53 : memref<1x1x640xf32, #tpu.memory_space<vmem_shared>> -> memref<640xf32, #tpu.memory_space<vmem_shared>>
      %dma_wait3A_55 = arith.constant 1920 : i32
      %dma_wait3A_56 = tpu.memref_slice %arg5[%dma_wait3A_55] : memref<10240xf32, #tpu.memory_space<vmem>> -> memref<640xf32, #tpu.memory_space<vmem>>
      tpu.wait_dma2 semaphore(%run_scoped3A_38 : memref<!tpu.dma_semaphore, #tpu.memory_space<semaphore_mem>>) src(%dma_wait3A_56 : memref<640xf32, #tpu.memory_space<vmem>>) dst(%dma_wait3A_54 : memref<640xf32, #tpu.memory_space<vmem_shared>>)
      tpu.yield
    }) : () -> ()
    %run_scoped3A_20 = arith.constant 4 : i32
    "tpu.region"() ({
      %run_scoped3A_38 = tpu.sem_alloc : memref<!tpu.dma_semaphore, #tpu.memory_space<semaphore_mem>>
      %dma_start3A = arith.constant 2560 : i32
      %dma_start3A_39 = tpu.memref_slice %arg5[%dma_start3A] : memref<10240xf32, #tpu.memory_space<vmem>> -> memref<640xf32, #tpu.memory_space<vmem>>
      %dma_start3A_40 = arith.constant 0 : i32
      %dma_start3A_41 = tpu.memref_slice %arg7[%run_scoped3A_20, %arg1, %dma_start3A_40] : memref<16x16x640xf32, #tpu.memory_space<vmem_shared>> -> memref<1x1x640xf32, #tpu.memory_space<vmem_shared>>
      %dma_start3A_42 = tpu.memref_squeeze %dma_start3A_41 : memref<1x1x640xf32, #tpu.memory_space<vmem_shared>> -> memref<640xf32, #tpu.memory_space<vmem_shared>>
      %dma_start3A_43 = arith.constant 0 : i32
      %dma_start3A_44 = tpu.memref_slice %arg7[%run_scoped3A_20, %arg1, %dma_start3A_43] : memref<16x16x640xf32, #tpu.memory_space<vmem_shared>> -> memref<1x1x640xf32, #tpu.memory_space<vmem_shared>>
      %dma_start3A_45 = tpu.memref_squeeze %dma_start3A_44 : memref<1x1x640xf32, #tpu.memory_space<vmem_shared>> -> memref<640xf32, #tpu.memory_space<vmem_shared>>
      %dma_start3A_46 = arith.constant 2560 : i32
      %dma_start3A_47 = tpu.memref_slice %arg5[%dma_start3A_46] : memref<10240xf32, #tpu.memory_space<vmem>> -> memref<640xf32, #tpu.memory_space<vmem>>
      tpu.enqueue_dma source(%dma_start3A_47 : memref<640xf32, #tpu.memory_space<vmem>>) target(%dma_start3A_45 : memref<640xf32, #tpu.memory_space<vmem_shared>>) target_semaphore(%run_scoped3A_38 : memref<!tpu.dma_semaphore, #tpu.memory_space<semaphore_mem>>)
      %dma_wait3A = arith.constant 2560 : i32
      %dma_wait3A_48 = tpu.memref_slice %arg5[%dma_wait3A] : memref<10240xf32, #tpu.memory_space<vmem>> -> memref<640xf32, #tpu.memory_space<vmem>>
      %dma_wait3A_49 = arith.constant 0 : i32
      %dma_wait3A_50 = tpu.memref_slice %arg7[%run_scoped3A_20, %arg1, %dma_wait3A_49] : memref<16x16x640xf32, #tpu.memory_space<vmem_shared>> -> memref<1x1x640xf32, #tpu.memory_space<vmem_shared>>
      %dma_wait3A_51 = tpu.memref_squeeze %dma_wait3A_50 : memref<1x1x640xf32, #tpu.memory_space<vmem_shared>> -> memref<640xf32, #tpu.memory_space<vmem_shared>>
      %dma_wait3A_52 = arith.constant 0 : i32
      %dma_wait3A_53 = tpu.memref_slice %arg7[%run_scoped3A_20, %arg1, %dma_wait3A_52] : memref<16x16x640xf32, #tpu.memory_space<vmem_shared>> -> memref<1x1x640xf32, #tpu.memory_space<vmem_shared>>
      %dma_wait3A_54 = tpu.memref_squeeze %dma_wait3A_53 : memref<1x1x640xf32, #tpu.memory_space<vmem_shared>> -> memref<640xf32, #tpu.memory_space<vmem_shared>>
      %dma_wait3A_55 = arith.constant 2560 : i32
      %dma_wait3A_56 = tpu.memref_slice %arg5[%dma_wait3A_55] : memref<10240xf32, #tpu.memory_space<vmem>> -> memref<640xf32, #tpu.memory_space<vmem>>
      tpu.wait_dma2 semaphore(%run_scoped3A_38 : memref<!tpu.dma_semaphore, #tpu.memory_space<semaphore_mem>>) src(%dma_wait3A_56 : memref<640xf32, #tpu.memory_space<vmem>>) dst(%dma_wait3A_54 : memref<640xf32, #tpu.memory_space<vmem_shared>>)
      tpu.yield
    }) : () -> ()
    %run_scoped3A_21 = arith.constant 5 : i32
    "tpu.region"() ({
      %run_scoped3A_38 = tpu.sem_alloc : memref<!tpu.dma_semaphore, #tpu.memory_space<semaphore_mem>>
      %dma_start3A = arith.constant 3200 : i32
      %dma_start3A_39 = tpu.memref_slice %arg5[%dma_start3A] : memref<10240xf32, #tpu.memory_space<vmem>> -> memref<640xf32, #tpu.memory_space<vmem>>
      %dma_start3A_40 = arith.constant 0 : i32
      %dma_start3A_41 = tpu.memref_slice %arg7[%run_scoped3A_21, %arg1, %dma_start3A_40] : memref<16x16x640xf32, #tpu.memory_space<vmem_shared>> -> memref<1x1x640xf32, #tpu.memory_space<vmem_shared>>
      %dma_start3A_42 = tpu.memref_squeeze %dma_start3A_41 : memref<1x1x640xf32, #tpu.memory_space<vmem_shared>> -> memref<640xf32, #tpu.memory_space<vmem_shared>>
      %dma_start3A_43 = arith.constant 0 : i32
      %dma_start3A_44 = tpu.memref_slice %arg7[%run_scoped3A_21, %arg1, %dma_start3A_43] : memref<16x16x640xf32, #tpu.memory_space<vmem_shared>> -> memref<1x1x640xf32, #tpu.memory_space<vmem_shared>>
      %dma_start3A_45 = tpu.memref_squeeze %dma_start3A_44 : memref<1x1x640xf32, #tpu.memory_space<vmem_shared>> -> memref<640xf32, #tpu.memory_space<vmem_shared>>
      %dma_start3A_46 = arith.constant 3200 : i32
      %dma_start3A_47 = tpu.memref_slice %arg5[%dma_start3A_46] : memref<10240xf32, #tpu.memory_space<vmem>> -> memref<640xf32, #tpu.memory_space<vmem>>
      tpu.enqueue_dma source(%dma_start3A_47 : memref<640xf32, #tpu.memory_space<vmem>>) target(%dma_start3A_45 : memref<640xf32, #tpu.memory_space<vmem_shared>>) target_semaphore(%run_scoped3A_38 : memref<!tpu.dma_semaphore, #tpu.memory_space<semaphore_mem>>)
      %dma_wait3A = arith.constant 3200 : i32
      %dma_wait3A_48 = tpu.memref_slice %arg5[%dma_wait3A] : memref<10240xf32, #tpu.memory_space<vmem>> -> memref<640xf32, #tpu.memory_space<vmem>>
      %dma_wait3A_49 = arith.constant 0 : i32
      %dma_wait3A_50 = tpu.memref_slice %arg7[%run_scoped3A_21, %arg1, %dma_wait3A_49] : memref<16x16x640xf32, #tpu.memory_space<vmem_shared>> -> memref<1x1x640xf32, #tpu.memory_space<vmem_shared>>
      %dma_wait3A_51 = tpu.memref_squeeze %dma_wait3A_50 : memref<1x1x640xf32, #tpu.memory_space<vmem_shared>> -> memref<640xf32, #tpu.memory_space<vmem_shared>>
      %dma_wait3A_52 = arith.constant 0 : i32
      %dma_wait3A_53 = tpu.memref_slice %arg7[%run_scoped3A_21, %arg1, %dma_wait3A_52] : memref<16x16x640xf32, #tpu.memory_space<vmem_shared>> -> memref<1x1x640xf32, #tpu.memory_space<vmem_shared>>
      %dma_wait3A_54 = tpu.memref_squeeze %dma_wait3A_53 : memref<1x1x640xf32, #tpu.memory_space<vmem_shared>> -> memref<640xf32, #tpu.memory_space<vmem_shared>>
      %dma_wait3A_55 = arith.constant 3200 : i32
      %dma_wait3A_56 = tpu.memref_slice %arg5[%dma_wait3A_55] : memref<10240xf32, #tpu.memory_space<vmem>> -> memref<640xf32, #tpu.memory_space<vmem>>
      tpu.wait_dma2 semaphore(%run_scoped3A_38 : memref<!tpu.dma_semaphore, #tpu.memory_space<semaphore_mem>>) src(%dma_wait3A_56 : memref<640xf32, #tpu.memory_space<vmem>>) dst(%dma_wait3A_54 : memref<640xf32, #tpu.memory_space<vmem_shared>>)
      tpu.yield
    }) : () -> ()
    %run_scoped3A_22 = arith.constant 6 : i32
    "tpu.region"() ({
      %run_scoped3A_38 = tpu.sem_alloc : memref<!tpu.dma_semaphore, #tpu.memory_space<semaphore_mem>>
      %dma_start3A = arith.constant 3840 : i32
      %dma_start3A_39 = tpu.memref_slice %arg5[%dma_start3A] : memref<10240xf32, #tpu.memory_space<vmem>> -> memref<640xf32, #tpu.memory_space<vmem>>
      %dma_start3A_40 = arith.constant 0 : i32
      %dma_start3A_41 = tpu.memref_slice %arg7[%run_scoped3A_22, %arg1, %dma_start3A_40] : memref<16x16x640xf32, #tpu.memory_space<vmem_shared>> -> memref<1x1x640xf32, #tpu.memory_space<vmem_shared>>
      %dma_start3A_42 = tpu.memref_squeeze %dma_start3A_41 : memref<1x1x640xf32, #tpu.memory_space<vmem_shared>> -> memref<640xf32, #tpu.memory_space<vmem_shared>>
      %dma_start3A_43 = arith.constant 0 : i32
      %dma_start3A_44 = tpu.memref_slice %arg7[%run_scoped3A_22, %arg1, %dma_start3A_43] : memref<16x16x640xf32, #tpu.memory_space<vmem_shared>> -> memref<1x1x640xf32, #tpu.memory_space<vmem_shared>>
      %dma_start3A_45 = tpu.memref_squeeze %dma_start3A_44 : memref<1x1x640xf32, #tpu.memory_space<vmem_shared>> -> memref<640xf32, #tpu.memory_space<vmem_shared>>
      %dma_start3A_46 = arith.constant 3840 : i32
      %dma_start3A_47 = tpu.memref_slice %arg5[%dma_start3A_46] : memref<10240xf32, #tpu.memory_space<vmem>> -> memref<640xf32, #tpu.memory_space<vmem>>
      tpu.enqueue_dma source(%dma_start3A_47 : memref<640xf32, #tpu.memory_space<vmem>>) target(%dma_start3A_45 : memref<640xf32, #tpu.memory_space<vmem_shared>>) target_semaphore(%run_scoped3A_38 : memref<!tpu.dma_semaphore, #tpu.memory_space<semaphore_mem>>)
      %dma_wait3A = arith.constant 3840 : i32
      %dma_wait3A_48 = tpu.memref_slice %arg5[%dma_wait3A] : memref<10240xf32, #tpu.memory_space<vmem>> -> memref<640xf32, #tpu.memory_space<vmem>>
      %dma_wait3A_49 = arith.constant 0 : i32
      %dma_wait3A_50 = tpu.memref_slice %arg7[%run_scoped3A_22, %arg1, %dma_wait3A_49] : memref<16x16x640xf32, #tpu.memory_space<vmem_shared>> -> memref<1x1x640xf32, #tpu.memory_space<vmem_shared>>
      %dma_wait3A_51 = tpu.memref_squeeze %dma_wait3A_50 : memref<1x1x640xf32, #tpu.memory_space<vmem_shared>> -> memref<640xf32, #tpu.memory_space<vmem_shared>>
      %dma_wait3A_52 = arith.constant 0 : i32
      %dma_wait3A_53 = tpu.memref_slice %arg7[%run_scoped3A_22, %arg1, %dma_wait3A_52] : memref<16x16x640xf32, #tpu.memory_space<vmem_shared>> -> memref<1x1x640xf32, #tpu.memory_space<vmem_shared>>
      %dma_wait3A_54 = tpu.memref_squeeze %dma_wait3A_53 : memref<1x1x640xf32, #tpu.memory_space<vmem_shared>> -> memref<640xf32, #tpu.memory_space<vmem_shared>>
      %dma_wait3A_55 = arith.constant 3840 : i32
      %dma_wait3A_56 = tpu.memref_slice %arg5[%dma_wait3A_55] : memref<10240xf32, #tpu.memory_space<vmem>> -> memref<640xf32, #tpu.memory_space<vmem>>
      tpu.wait_dma2 semaphore(%run_scoped3A_38 : memref<!tpu.dma_semaphore, #tpu.memory_space<semaphore_mem>>) src(%dma_wait3A_56 : memref<640xf32, #tpu.memory_space<vmem>>) dst(%dma_wait3A_54 : memref<640xf32, #tpu.memory_space<vmem_shared>>)
      tpu.yield
    }) : () -> ()
    %run_scoped3A_23 = arith.constant 7 : i32
    "tpu.region"() ({
      %run_scoped3A_38 = tpu.sem_alloc : memref<!tpu.dma_semaphore, #tpu.memory_space<semaphore_mem>>
      %dma_start3A = arith.constant 4480 : i32
      %dma_start3A_39 = tpu.memref_slice %arg5[%dma_start3A] : memref<10240xf32, #tpu.memory_space<vmem>> -> memref<640xf32, #tpu.memory_space<vmem>>
      %dma_start3A_40 = arith.constant 0 : i32
      %dma_start3A_41 = tpu.memref_slice %arg7[%run_scoped3A_23, %arg1, %dma_start3A_40] : memref<16x16x640xf32, #tpu.memory_space<vmem_shared>> -> memref<1x1x640xf32, #tpu.memory_space<vmem_shared>>
      %dma_start3A_42 = tpu.memref_squeeze %dma_start3A_41 : memref<1x1x640xf32, #tpu.memory_space<vmem_shared>> -> memref<640xf32, #tpu.memory_space<vmem_shared>>
      %dma_start3A_43 = arith.constant 0 : i32
      %dma_start3A_44 = tpu.memref_slice %arg7[%run_scoped3A_23, %arg1, %dma_start3A_43] : memref<16x16x640xf32, #tpu.memory_space<vmem_shared>> -> memref<1x1x640xf32, #tpu.memory_space<vmem_shared>>
      %dma_start3A_45 = tpu.memref_squeeze %dma_start3A_44 : memref<1x1x640xf32, #tpu.memory_space<vmem_shared>> -> memref<640xf32, #tpu.memory_space<vmem_shared>>
      %dma_start3A_46 = arith.constant 4480 : i32
      %dma_start3A_47 = tpu.memref_slice %arg5[%dma_start3A_46] : memref<10240xf32, #tpu.memory_space<vmem>> -> memref<640xf32, #tpu.memory_space<vmem>>
      tpu.enqueue_dma source(%dma_start3A_47 : memref<640xf32, #tpu.memory_space<vmem>>) target(%dma_start3A_45 : memref<640xf32, #tpu.memory_space<vmem_shared>>) target_semaphore(%run_scoped3A_38 : memref<!tpu.dma_semaphore, #tpu.memory_space<semaphore_mem>>)
      %dma_wait3A = arith.constant 4480 : i32
      %dma_wait3A_48 = tpu.memref_slice %arg5[%dma_wait3A] : memref<10240xf32, #tpu.memory_space<vmem>> -> memref<640xf32, #tpu.memory_space<vmem>>
      %dma_wait3A_49 = arith.constant 0 : i32
      %dma_wait3A_50 = tpu.memref_slice %arg7[%run_scoped3A_23, %arg1, %dma_wait3A_49] : memref<16x16x640xf32, #tpu.memory_space<vmem_shared>> -> memref<1x1x640xf32, #tpu.memory_space<vmem_shared>>
      %dma_wait3A_51 = tpu.memref_squeeze %dma_wait3A_50 : memref<1x1x640xf32, #tpu.memory_space<vmem_shared>> -> memref<640xf32, #tpu.memory_space<vmem_shared>>
      %dma_wait3A_52 = arith.constant 0 : i32
      %dma_wait3A_53 = tpu.memref_slice %arg7[%run_scoped3A_23, %arg1, %dma_wait3A_52] : memref<16x16x640xf32, #tpu.memory_space<vmem_shared>> -> memref<1x1x640xf32, #tpu.memory_space<vmem_shared>>
      %dma_wait3A_54 = tpu.memref_squeeze %dma_wait3A_53 : memref<1x1x640xf32, #tpu.memory_space<vmem_shared>> -> memref<640xf32, #tpu.memory_space<vmem_shared>>
      %dma_wait3A_55 = arith.constant 4480 : i32
      %dma_wait3A_56 = tpu.memref_slice %arg5[%dma_wait3A_55] : memref<10240xf32, #tpu.memory_space<vmem>> -> memref<640xf32, #tpu.memory_space<vmem>>
      tpu.wait_dma2 semaphore(%run_scoped3A_38 : memref<!tpu.dma_semaphore, #tpu.memory_space<semaphore_mem>>) src(%dma_wait3A_56 : memref<640xf32, #tpu.memory_space<vmem>>) dst(%dma_wait3A_54 : memref<640xf32, #tpu.memory_space<vmem_shared>>)
      tpu.yield
    }) : () -> ()
    %run_scoped3A_24 = arith.constant 8 : i32
    "tpu.region"() ({
      %run_scoped3A_38 = tpu.sem_alloc : memref<!tpu.dma_semaphore, #tpu.memory_space<semaphore_mem>>
      %dma_start3A = arith.constant 5120 : i32
      %dma_start3A_39 = tpu.memref_slice %arg5[%dma_start3A] : memref<10240xf32, #tpu.memory_space<vmem>> -> memref<640xf32, #tpu.memory_space<vmem>>
      %dma_start3A_40 = arith.constant 0 : i32
      %dma_start3A_41 = tpu.memref_slice %arg7[%run_scoped3A_24, %arg1, %dma_start3A_40] : memref<16x16x640xf32, #tpu.memory_space<vmem_shared>> -> memref<1x1x640xf32, #tpu.memory_space<vmem_shared>>
      %dma_start3A_42 = tpu.memref_squeeze %dma_start3A_41 : memref<1x1x640xf32, #tpu.memory_space<vmem_shared>> -> memref<640xf32, #tpu.memory_space<vmem_shared>>
      %dma_start3A_43 = arith.constant 0 : i32
      %dma_start3A_44 = tpu.memref_slice %arg7[%run_scoped3A_24, %arg1, %dma_start3A_43] : memref<16x16x640xf32, #tpu.memory_space<vmem_shared>> -> memref<1x1x640xf32, #tpu.memory_space<vmem_shared>>
      %dma_start3A_45 = tpu.memref_squeeze %dma_start3A_44 : memref<1x1x640xf32, #tpu.memory_space<vmem_shared>> -> memref<640xf32, #tpu.memory_space<vmem_shared>>
      %dma_start3A_46 = arith.constant 5120 : i32
      %dma_start3A_47 = tpu.memref_slice %arg5[%dma_start3A_46] : memref<10240xf32, #tpu.memory_space<vmem>> -> memref<640xf32, #tpu.memory_space<vmem>>
      tpu.enqueue_dma source(%dma_start3A_47 : memref<640xf32, #tpu.memory_space<vmem>>) target(%dma_start3A_45 : memref<640xf32, #tpu.memory_space<vmem_shared>>) target_semaphore(%run_scoped3A_38 : memref<!tpu.dma_semaphore, #tpu.memory_space<semaphore_mem>>)
      %dma_wait3A = arith.constant 5120 : i32
      %dma_wait3A_48 = tpu.memref_slice %arg5[%dma_wait3A] : memref<10240xf32, #tpu.memory_space<vmem>> -> memref<640xf32, #tpu.memory_space<vmem>>
      %dma_wait3A_49 = arith.constant 0 : i32
      %dma_wait3A_50 = tpu.memref_slice %arg7[%run_scoped3A_24, %arg1, %dma_wait3A_49] : memref<16x16x640xf32, #tpu.memory_space<vmem_shared>> -> memref<1x1x640xf32, #tpu.memory_space<vmem_shared>>
      %dma_wait3A_51 = tpu.memref_squeeze %dma_wait3A_50 : memref<1x1x640xf32, #tpu.memory_space<vmem_shared>> -> memref<640xf32, #tpu.memory_space<vmem_shared>>
      %dma_wait3A_52 = arith.constant 0 : i32
      %dma_wait3A_53 = tpu.memref_slice %arg7[%run_scoped3A_24, %arg1, %dma_wait3A_52] : memref<16x16x640xf32, #tpu.memory_space<vmem_shared>> -> memref<1x1x640xf32, #tpu.memory_space<vmem_shared>>
      %dma_wait3A_54 = tpu.memref_squeeze %dma_wait3A_53 : memref<1x1x640xf32, #tpu.memory_space<vmem_shared>> -> memref<640xf32, #tpu.memory_space<vmem_shared>>
      %dma_wait3A_55 = arith.constant 5120 : i32
      %dma_wait3A_56 = tpu.memref_slice %arg5[%dma_wait3A_55] : memref<10240xf32, #tpu.memory_space<vmem>> -> memref<640xf32, #tpu.memory_space<vmem>>
      tpu.wait_dma2 semaphore(%run_scoped3A_38 : memref<!tpu.dma_semaphore, #tpu.memory_space<semaphore_mem>>) src(%dma_wait3A_56 : memref<640xf32, #tpu.memory_space<vmem>>) dst(%dma_wait3A_54 : memref<640xf32, #tpu.memory_space<vmem_shared>>)
      tpu.yield
    }) : () -> ()
    %run_scoped3A_25 = arith.constant 9 : i32
    "tpu.region"() ({
      %run_scoped3A_38 = tpu.sem_alloc : memref<!tpu.dma_semaphore, #tpu.memory_space<semaphore_mem>>
      %dma_start3A = arith.constant 5760 : i32
      %dma_start3A_39 = tpu.memref_slice %arg5[%dma_start3A] : memref<10240xf32, #tpu.memory_space<vmem>> -> memref<640xf32, #tpu.memory_space<vmem>>
      %dma_start3A_40 = arith.constant 0 : i32
      %dma_start3A_41 = tpu.memref_slice %arg7[%run_scoped3A_25, %arg1, %dma_start3A_40] : memref<16x16x640xf32, #tpu.memory_space<vmem_shared>> -> memref<1x1x640xf32, #tpu.memory_space<vmem_shared>>
      %dma_start3A_42 = tpu.memref_squeeze %dma_start3A_41 : memref<1x1x640xf32, #tpu.memory_space<vmem_shared>> -> memref<640xf32, #tpu.memory_space<vmem_shared>>
      %dma_start3A_43 = arith.constant 0 : i32
      %dma_start3A_44 = tpu.memref_slice %arg7[%run_scoped3A_25, %arg1, %dma_start3A_43] : memref<16x16x640xf32, #tpu.memory_space<vmem_shared>> -> memref<1x1x640xf32, #tpu.memory_space<vmem_shared>>
      %dma_start3A_45 = tpu.memref_squeeze %dma_start3A_44 : memref<1x1x640xf32, #tpu.memory_space<vmem_shared>> -> memref<640xf32, #tpu.memory_space<vmem_shared>>
      %dma_start3A_46 = arith.constant 5760 : i32
      %dma_start3A_47 = tpu.memref_slice %arg5[%dma_start3A_46] : memref<10240xf32, #tpu.memory_space<vmem>> -> memref<640xf32, #tpu.memory_space<vmem>>
      tpu.enqueue_dma source(%dma_start3A_47 : memref<640xf32, #tpu.memory_space<vmem>>) target(%dma_start3A_45 : memref<640xf32, #tpu.memory_space<vmem_shared>>) target_semaphore(%run_scoped3A_38 : memref<!tpu.dma_semaphore, #tpu.memory_space<semaphore_mem>>)
      %dma_wait3A = arith.constant 5760 : i32
      %dma_wait3A_48 = tpu.memref_slice %arg5[%dma_wait3A] : memref<10240xf32, #tpu.memory_space<vmem>> -> memref<640xf32, #tpu.memory_space<vmem>>
      %dma_wait3A_49 = arith.constant 0 : i32
      %dma_wait3A_50 = tpu.memref_slice %arg7[%run_scoped3A_25, %arg1, %dma_wait3A_49] : memref<16x16x640xf32, #tpu.memory_space<vmem_shared>> -> memref<1x1x640xf32, #tpu.memory_space<vmem_shared>>
      %dma_wait3A_51 = tpu.memref_squeeze %dma_wait3A_50 : memref<1x1x640xf32, #tpu.memory_space<vmem_shared>> -> memref<640xf32, #tpu.memory_space<vmem_shared>>
      %dma_wait3A_52 = arith.constant 0 : i32
      %dma_wait3A_53 = tpu.memref_slice %arg7[%run_scoped3A_25, %arg1, %dma_wait3A_52] : memref<16x16x640xf32, #tpu.memory_space<vmem_shared>> -> memref<1x1x640xf32, #tpu.memory_space<vmem_shared>>
      %dma_wait3A_54 = tpu.memref_squeeze %dma_wait3A_53 : memref<1x1x640xf32, #tpu.memory_space<vmem_shared>> -> memref<640xf32, #tpu.memory_space<vmem_shared>>
      %dma_wait3A_55 = arith.constant 5760 : i32
      %dma_wait3A_56 = tpu.memref_slice %arg5[%dma_wait3A_55] : memref<10240xf32, #tpu.memory_space<vmem>> -> memref<640xf32, #tpu.memory_space<vmem>>
      tpu.wait_dma2 semaphore(%run_scoped3A_38 : memref<!tpu.dma_semaphore, #tpu.memory_space<semaphore_mem>>) src(%dma_wait3A_56 : memref<640xf32, #tpu.memory_space<vmem>>) dst(%dma_wait3A_54 : memref<640xf32, #tpu.memory_space<vmem_shared>>)
      tpu.yield
    }) : () -> ()
    %run_scoped3A_26 = arith.constant 10 : i32
    "tpu.region"() ({
      %run_scoped3A_38 = tpu.sem_alloc : memref<!tpu.dma_semaphore, #tpu.memory_space<semaphore_mem>>
      %dma_start3A = arith.constant 6400 : i32
      %dma_start3A_39 = tpu.memref_slice %arg5[%dma_start3A] : memref<10240xf32, #tpu.memory_space<vmem>> -> memref<640xf32, #tpu.memory_space<vmem>>
      %dma_start3A_40 = arith.constant 0 : i32
      %dma_start3A_41 = tpu.memref_slice %arg7[%run_scoped3A_26, %arg1, %dma_start3A_40] : memref<16x16x640xf32, #tpu.memory_space<vmem_shared>> -> memref<1x1x640xf32, #tpu.memory_space<vmem_shared>>
      %dma_start3A_42 = tpu.memref_squeeze %dma_start3A_41 : memref<1x1x640xf32, #tpu.memory_space<vmem_shared>> -> memref<640xf32, #tpu.memory_space<vmem_shared>>
      %dma_start3A_43 = arith.constant 0 : i32
      %dma_start3A_44 = tpu.memref_slice %arg7[%run_scoped3A_26, %arg1, %dma_start3A_43] : memref<16x16x640xf32, #tpu.memory_space<vmem_shared>> -> memref<1x1x640xf32, #tpu.memory_space<vmem_shared>>
      %dma_start3A_45 = tpu.memref_squeeze %dma_start3A_44 : memref<1x1x640xf32, #tpu.memory_space<vmem_shared>> -> memref<640xf32, #tpu.memory_space<vmem_shared>>
      %dma_start3A_46 = arith.constant 6400 : i32
      %dma_start3A_47 = tpu.memref_slice %arg5[%dma_start3A_46] : memref<10240xf32, #tpu.memory_space<vmem>> -> memref<640xf32, #tpu.memory_space<vmem>>
      tpu.enqueue_dma source(%dma_start3A_47 : memref<640xf32, #tpu.memory_space<vmem>>) target(%dma_start3A_45 : memref<640xf32, #tpu.memory_space<vmem_shared>>) target_semaphore(%run_scoped3A_38 : memref<!tpu.dma_semaphore, #tpu.memory_space<semaphore_mem>>)
      %dma_wait3A = arith.constant 6400 : i32
      %dma_wait3A_48 = tpu.memref_slice %arg5[%dma_wait3A] : memref<10240xf32, #tpu.memory_space<vmem>> -> memref<640xf32, #tpu.memory_space<vmem>>
      %dma_wait3A_49 = arith.constant 0 : i32
      %dma_wait3A_50 = tpu.memref_slice %arg7[%run_scoped3A_26, %arg1, %dma_wait3A_49] : memref<16x16x640xf32, #tpu.memory_space<vmem_shared>> -> memref<1x1x640xf32, #tpu.memory_space<vmem_shared>>
      %dma_wait3A_51 = tpu.memref_squeeze %dma_wait3A_50 : memref<1x1x640xf32, #tpu.memory_space<vmem_shared>> -> memref<640xf32, #tpu.memory_space<vmem_shared>>
      %dma_wait3A_52 = arith.constant 0 : i32
      %dma_wait3A_53 = tpu.memref_slice %arg7[%run_scoped3A_26, %arg1, %dma_wait3A_52] : memref<16x16x640xf32, #tpu.memory_space<vmem_shared>> -> memref<1x1x640xf32, #tpu.memory_space<vmem_shared>>
      %dma_wait3A_54 = tpu.memref_squeeze %dma_wait3A_53 : memref<1x1x640xf32, #tpu.memory_space<vmem_shared>> -> memref<640xf32, #tpu.memory_space<vmem_shared>>
      %dma_wait3A_55 = arith.constant 6400 : i32
      %dma_wait3A_56 = tpu.memref_slice %arg5[%dma_wait3A_55] : memref<10240xf32, #tpu.memory_space<vmem>> -> memref<640xf32, #tpu.memory_space<vmem>>
      tpu.wait_dma2 semaphore(%run_scoped3A_38 : memref<!tpu.dma_semaphore, #tpu.memory_space<semaphore_mem>>) src(%dma_wait3A_56 : memref<640xf32, #tpu.memory_space<vmem>>) dst(%dma_wait3A_54 : memref<640xf32, #tpu.memory_space<vmem_shared>>)
      tpu.yield
    }) : () -> ()
    %run_scoped3A_27 = arith.constant 11 : i32
    "tpu.region"() ({
      %run_scoped3A_38 = tpu.sem_alloc : memref<!tpu.dma_semaphore, #tpu.memory_space<semaphore_mem>>
      %dma_start3A = arith.constant 7040 : i32
      %dma_start3A_39 = tpu.memref_slice %arg5[%dma_start3A] : memref<10240xf32, #tpu.memory_space<vmem>> -> memref<640xf32, #tpu.memory_space<vmem>>
      %dma_start3A_40 = arith.constant 0 : i32
      %dma_start3A_41 = tpu.memref_slice %arg7[%run_scoped3A_27, %arg1, %dma_start3A_40] : memref<16x16x640xf32, #tpu.memory_space<vmem_shared>> -> memref<1x1x640xf32, #tpu.memory_space<vmem_shared>>
      %dma_start3A_42 = tpu.memref_squeeze %dma_start3A_41 : memref<1x1x640xf32, #tpu.memory_space<vmem_shared>> -> memref<640xf32, #tpu.memory_space<vmem_shared>>
      %dma_start3A_43 = arith.constant 0 : i32
      %dma_start3A_44 = tpu.memref_slice %arg7[%run_scoped3A_27, %arg1, %dma_start3A_43] : memref<16x16x640xf32, #tpu.memory_space<vmem_shared>> -> memref<1x1x640xf32, #tpu.memory_space<vmem_shared>>
      %dma_start3A_45 = tpu.memref_squeeze %dma_start3A_44 : memref<1x1x640xf32, #tpu.memory_space<vmem_shared>> -> memref<640xf32, #tpu.memory_space<vmem_shared>>
      %dma_start3A_46 = arith.constant 7040 : i32
      %dma_start3A_47 = tpu.memref_slice %arg5[%dma_start3A_46] : memref<10240xf32, #tpu.memory_space<vmem>> -> memref<640xf32, #tpu.memory_space<vmem>>
      tpu.enqueue_dma source(%dma_start3A_47 : memref<640xf32, #tpu.memory_space<vmem>>) target(%dma_start3A_45 : memref<640xf32, #tpu.memory_space<vmem_shared>>) target_semaphore(%run_scoped3A_38 : memref<!tpu.dma_semaphore, #tpu.memory_space<semaphore_mem>>)
      %dma_wait3A = arith.constant 7040 : i32
      %dma_wait3A_48 = tpu.memref_slice %arg5[%dma_wait3A] : memref<10240xf32, #tpu.memory_space<vmem>> -> memref<640xf32, #tpu.memory_space<vmem>>
      %dma_wait3A_49 = arith.constant 0 : i32
      %dma_wait3A_50 = tpu.memref_slice %arg7[%run_scoped3A_27, %arg1, %dma_wait3A_49] : memref<16x16x640xf32, #tpu.memory_space<vmem_shared>> -> memref<1x1x640xf32, #tpu.memory_space<vmem_shared>>
      %dma_wait3A_51 = tpu.memref_squeeze %dma_wait3A_50 : memref<1x1x640xf32, #tpu.memory_space<vmem_shared>> -> memref<640xf32, #tpu.memory_space<vmem_shared>>
      %dma_wait3A_52 = arith.constant 0 : i32
      %dma_wait3A_53 = tpu.memref_slice %arg7[%run_scoped3A_27, %arg1, %dma_wait3A_52] : memref<16x16x640xf32, #tpu.memory_space<vmem_shared>> -> memref<1x1x640xf32, #tpu.memory_space<vmem_shared>>
      %dma_wait3A_54 = tpu.memref_squeeze %dma_wait3A_53 : memref<1x1x640xf32, #tpu.memory_space<vmem_shared>> -> memref<640xf32, #tpu.memory_space<vmem_shared>>
      %dma_wait3A_55 = arith.constant 7040 : i32
      %dma_wait3A_56 = tpu.memref_slice %arg5[%dma_wait3A_55] : memref<10240xf32, #tpu.memory_space<vmem>> -> memref<640xf32, #tpu.memory_space<vmem>>
      tpu.wait_dma2 semaphore(%run_scoped3A_38 : memref<!tpu.dma_semaphore, #tpu.memory_space<semaphore_mem>>) src(%dma_wait3A_56 : memref<640xf32, #tpu.memory_space<vmem>>) dst(%dma_wait3A_54 : memref<640xf32, #tpu.memory_space<vmem_shared>>)
      tpu.yield
    }) : () -> ()
    %run_scoped3A_28 = arith.constant 12 : i32
    "tpu.region"() ({
      %run_scoped3A_38 = tpu.sem_alloc : memref<!tpu.dma_semaphore, #tpu.memory_space<semaphore_mem>>
      %dma_start3A = arith.constant 7680 : i32
      %dma_start3A_39 = tpu.memref_slice %arg5[%dma_start3A] : memref<10240xf32, #tpu.memory_space<vmem>> -> memref<640xf32, #tpu.memory_space<vmem>>
      %dma_start3A_40 = arith.constant 0 : i32
      %dma_start3A_41 = tpu.memref_slice %arg7[%run_scoped3A_28, %arg1, %dma_start3A_40] : memref<16x16x640xf32, #tpu.memory_space<vmem_shared>> -> memref<1x1x640xf32, #tpu.memory_space<vmem_shared>>
      %dma_start3A_42 = tpu.memref_squeeze %dma_start3A_41 : memref<1x1x640xf32, #tpu.memory_space<vmem_shared>> -> memref<640xf32, #tpu.memory_space<vmem_shared>>
      %dma_start3A_43 = arith.constant 0 : i32
      %dma_start3A_44 = tpu.memref_slice %arg7[%run_scoped3A_28, %arg1, %dma_start3A_43] : memref<16x16x640xf32, #tpu.memory_space<vmem_shared>> -> memref<1x1x640xf32, #tpu.memory_space<vmem_shared>>
      %dma_start3A_45 = tpu.memref_squeeze %dma_start3A_44 : memref<1x1x640xf32, #tpu.memory_space<vmem_shared>> -> memref<640xf32, #tpu.memory_space<vmem_shared>>
      %dma_start3A_46 = arith.constant 7680 : i32
      %dma_start3A_47 = tpu.memref_slice %arg5[%dma_start3A_46] : memref<10240xf32, #tpu.memory_space<vmem>> -> memref<640xf32, #tpu.memory_space<vmem>>
      tpu.enqueue_dma source(%dma_start3A_47 : memref<640xf32, #tpu.memory_space<vmem>>) target(%dma_start3A_45 : memref<640xf32, #tpu.memory_space<vmem_shared>>) target_semaphore(%run_scoped3A_38 : memref<!tpu.dma_semaphore, #tpu.memory_space<semaphore_mem>>)
      %dma_wait3A = arith.constant 7680 : i32
      %dma_wait3A_48 = tpu.memref_slice %arg5[%dma_wait3A] : memref<10240xf32, #tpu.memory_space<vmem>> -> memref<640xf32, #tpu.memory_space<vmem>>
      %dma_wait3A_49 = arith.constant 0 : i32
      %dma_wait3A_50 = tpu.memref_slice %arg7[%run_scoped3A_28, %arg1, %dma_wait3A_49] : memref<16x16x640xf32, #tpu.memory_space<vmem_shared>> -> memref<1x1x640xf32, #tpu.memory_space<vmem_shared>>
      %dma_wait3A_51 = tpu.memref_squeeze %dma_wait3A_50 : memref<1x1x640xf32, #tpu.memory_space<vmem_shared>> -> memref<640xf32, #tpu.memory_space<vmem_shared>>
      %dma_wait3A_52 = arith.constant 0 : i32
      %dma_wait3A_53 = tpu.memref_slice %arg7[%run_scoped3A_28, %arg1, %dma_wait3A_52] : memref<16x16x640xf32, #tpu.memory_space<vmem_shared>> -> memref<1x1x640xf32, #tpu.memory_space<vmem_shared>>
      %dma_wait3A_54 = tpu.memref_squeeze %dma_wait3A_53 : memref<1x1x640xf32, #tpu.memory_space<vmem_shared>> -> memref<640xf32, #tpu.memory_space<vmem_shared>>
      %dma_wait3A_55 = arith.constant 7680 : i32
      %dma_wait3A_56 = tpu.memref_slice %arg5[%dma_wait3A_55] : memref<10240xf32, #tpu.memory_space<vmem>> -> memref<640xf32, #tpu.memory_space<vmem>>
      tpu.wait_dma2 semaphore(%run_scoped3A_38 : memref<!tpu.dma_semaphore, #tpu.memory_space<semaphore_mem>>) src(%dma_wait3A_56 : memref<640xf32, #tpu.memory_space<vmem>>) dst(%dma_wait3A_54 : memref<640xf32, #tpu.memory_space<vmem_shared>>)
      tpu.yield
    }) : () -> ()
    %run_scoped3A_29 = arith.constant 13 : i32
    "tpu.region"() ({
      %run_scoped3A_38 = tpu.sem_alloc : memref<!tpu.dma_semaphore, #tpu.memory_space<semaphore_mem>>
      %dma_start3A = arith.constant 8320 : i32
      %dma_start3A_39 = tpu.memref_slice %arg5[%dma_start3A] : memref<10240xf32, #tpu.memory_space<vmem>> -> memref<640xf32, #tpu.memory_space<vmem>>
      %dma_start3A_40 = arith.constant 0 : i32
      %dma_start3A_41 = tpu.memref_slice %arg7[%run_scoped3A_29, %arg1, %dma_start3A_40] : memref<16x16x640xf32, #tpu.memory_space<vmem_shared>> -> memref<1x1x640xf32, #tpu.memory_space<vmem_shared>>
      %dma_start3A_42 = tpu.memref_squeeze %dma_start3A_41 : memref<1x1x640xf32, #tpu.memory_space<vmem_shared>> -> memref<640xf32, #tpu.memory_space<vmem_shared>>
      %dma_start3A_43 = arith.constant 0 : i32
      %dma_start3A_44 = tpu.memref_slice %arg7[%run_scoped3A_29, %arg1, %dma_start3A_43] : memref<16x16x640xf32, #tpu.memory_space<vmem_shared>> -> memref<1x1x640xf32, #tpu.memory_space<vmem_shared>>
      %dma_start3A_45 = tpu.memref_squeeze %dma_start3A_44 : memref<1x1x640xf32, #tpu.memory_space<vmem_shared>> -> memref<640xf32, #tpu.memory_space<vmem_shared>>
      %dma_start3A_46 = arith.constant 8320 : i32
      %dma_start3A_47 = tpu.memref_slice %arg5[%dma_start3A_46] : memref<10240xf32, #tpu.memory_space<vmem>> -> memref<640xf32, #tpu.memory_space<vmem>>
      tpu.enqueue_dma source(%dma_start3A_47 : memref<640xf32, #tpu.memory_space<vmem>>) target(%dma_start3A_45 : memref<640xf32, #tpu.memory_space<vmem_shared>>) target_semaphore(%run_scoped3A_38 : memref<!tpu.dma_semaphore, #tpu.memory_space<semaphore_mem>>)
      %dma_wait3A = arith.constant 8320 : i32
      %dma_wait3A_48 = tpu.memref_slice %arg5[%dma_wait3A] : memref<10240xf32, #tpu.memory_space<vmem>> -> memref<640xf32, #tpu.memory_space<vmem>>
      %dma_wait3A_49 = arith.constant 0 : i32
      %dma_wait3A_50 = tpu.memref_slice %arg7[%run_scoped3A_29, %arg1, %dma_wait3A_49] : memref<16x16x640xf32, #tpu.memory_space<vmem_shared>> -> memref<1x1x640xf32, #tpu.memory_space<vmem_shared>>
      %dma_wait3A_51 = tpu.memref_squeeze %dma_wait3A_50 : memref<1x1x640xf32, #tpu.memory_space<vmem_shared>> -> memref<640xf32, #tpu.memory_space<vmem_shared>>
      %dma_wait3A_52 = arith.constant 0 : i32
      %dma_wait3A_53 = tpu.memref_slice %arg7[%run_scoped3A_29, %arg1, %dma_wait3A_52] : memref<16x16x640xf32, #tpu.memory_space<vmem_shared>> -> memref<1x1x640xf32, #tpu.memory_space<vmem_shared>>
      %dma_wait3A_54 = tpu.memref_squeeze %dma_wait3A_53 : memref<1x1x640xf32, #tpu.memory_space<vmem_shared>> -> memref<640xf32, #tpu.memory_space<vmem_shared>>
      %dma_wait3A_55 = arith.constant 8320 : i32
      %dma_wait3A_56 = tpu.memref_slice %arg5[%dma_wait3A_55] : memref<10240xf32, #tpu.memory_space<vmem>> -> memref<640xf32, #tpu.memory_space<vmem>>
      tpu.wait_dma2 semaphore(%run_scoped3A_38 : memref<!tpu.dma_semaphore, #tpu.memory_space<semaphore_mem>>) src(%dma_wait3A_56 : memref<640xf32, #tpu.memory_space<vmem>>) dst(%dma_wait3A_54 : memref<640xf32, #tpu.memory_space<vmem_shared>>)
      tpu.yield
    }) : () -> ()
    %run_scoped3A_30 = arith.constant 14 : i32
    "tpu.region"() ({
      %run_scoped3A_38 = tpu.sem_alloc : memref<!tpu.dma_semaphore, #tpu.memory_space<semaphore_mem>>
      %dma_start3A = arith.constant 8960 : i32
      %dma_start3A_39 = tpu.memref_slice %arg5[%dma_start3A] : memref<10240xf32, #tpu.memory_space<vmem>> -> memref<640xf32, #tpu.memory_space<vmem>>
      %dma_start3A_40 = arith.constant 0 : i32
      %dma_start3A_41 = tpu.memref_slice %arg7[%run_scoped3A_30, %arg1, %dma_start3A_40] : memref<16x16x640xf32, #tpu.memory_space<vmem_shared>> -> memref<1x1x640xf32, #tpu.memory_space<vmem_shared>>
      %dma_start3A_42 = tpu.memref_squeeze %dma_start3A_41 : memref<1x1x640xf32, #tpu.memory_space<vmem_shared>> -> memref<640xf32, #tpu.memory_space<vmem_shared>>
      %dma_start3A_43 = arith.constant 0 : i32
      %dma_start3A_44 = tpu.memref_slice %arg7[%run_scoped3A_30, %arg1, %dma_start3A_43] : memref<16x16x640xf32, #tpu.memory_space<vmem_shared>> -> memref<1x1x640xf32, #tpu.memory_space<vmem_shared>>
      %dma_start3A_45 = tpu.memref_squeeze %dma_start3A_44 : memref<1x1x640xf32, #tpu.memory_space<vmem_shared>> -> memref<640xf32, #tpu.memory_space<vmem_shared>>
      %dma_start3A_46 = arith.constant 8960 : i32
      %dma_start3A_47 = tpu.memref_slice %arg5[%dma_start3A_46] : memref<10240xf32, #tpu.memory_space<vmem>> -> memref<640xf32, #tpu.memory_space<vmem>>
      tpu.enqueue_dma source(%dma_start3A_47 : memref<640xf32, #tpu.memory_space<vmem>>) target(%dma_start3A_45 : memref<640xf32, #tpu.memory_space<vmem_shared>>) target_semaphore(%run_scoped3A_38 : memref<!tpu.dma_semaphore, #tpu.memory_space<semaphore_mem>>)
      %dma_wait3A = arith.constant 8960 : i32
      %dma_wait3A_48 = tpu.memref_slice %arg5[%dma_wait3A] : memref<10240xf32, #tpu.memory_space<vmem>> -> memref<640xf32, #tpu.memory_space<vmem>>
      %dma_wait3A_49 = arith.constant 0 : i32
      %dma_wait3A_50 = tpu.memref_slice %arg7[%run_scoped3A_30, %arg1, %dma_wait3A_49] : memref<16x16x640xf32, #tpu.memory_space<vmem_shared>> -> memref<1x1x640xf32, #tpu.memory_space<vmem_shared>>
      %dma_wait3A_51 = tpu.memref_squeeze %dma_wait3A_50 : memref<1x1x640xf32, #tpu.memory_space<vmem_shared>> -> memref<640xf32, #tpu.memory_space<vmem_shared>>
      %dma_wait3A_52 = arith.constant 0 : i32
      %dma_wait3A_53 = tpu.memref_slice %arg7[%run_scoped3A_30, %arg1, %dma_wait3A_52] : memref<16x16x640xf32, #tpu.memory_space<vmem_shared>> -> memref<1x1x640xf32, #tpu.memory_space<vmem_shared>>
      %dma_wait3A_54 = tpu.memref_squeeze %dma_wait3A_53 : memref<1x1x640xf32, #tpu.memory_space<vmem_shared>> -> memref<640xf32, #tpu.memory_space<vmem_shared>>
      %dma_wait3A_55 = arith.constant 8960 : i32
      %dma_wait3A_56 = tpu.memref_slice %arg5[%dma_wait3A_55] : memref<10240xf32, #tpu.memory_space<vmem>> -> memref<640xf32, #tpu.memory_space<vmem>>
      tpu.wait_dma2 semaphore(%run_scoped3A_38 : memref<!tpu.dma_semaphore, #tpu.memory_space<semaphore_mem>>) src(%dma_wait3A_56 : memref<640xf32, #tpu.memory_space<vmem>>) dst(%dma_wait3A_54 : memref<640xf32, #tpu.memory_space<vmem_shared>>)
      tpu.yield
    }) : () -> ()
    %run_scoped3A_31 = arith.constant 15 : i32
    "tpu.region"() ({
      %run_scoped3A_38 = tpu.sem_alloc : memref<!tpu.dma_semaphore, #tpu.memory_space<semaphore_mem>>
      %dma_start3A = arith.constant 9600 : i32
      %dma_start3A_39 = tpu.memref_slice %arg5[%dma_start3A] : memref<10240xf32, #tpu.memory_space<vmem>> -> memref<640xf32, #tpu.memory_space<vmem>>
      %dma_start3A_40 = arith.constant 0 : i32
      %dma_start3A_41 = tpu.memref_slice %arg7[%run_scoped3A_31, %arg1, %dma_start3A_40] : memref<16x16x640xf32, #tpu.memory_space<vmem_shared>> -> memref<1x1x640xf32, #tpu.memory_space<vmem_shared>>
      %dma_start3A_42 = tpu.memref_squeeze %dma_start3A_41 : memref<1x1x640xf32, #tpu.memory_space<vmem_shared>> -> memref<640xf32, #tpu.memory_space<vmem_shared>>
      %dma_start3A_43 = arith.constant 0 : i32
      %dma_start3A_44 = tpu.memref_slice %arg7[%run_scoped3A_31, %arg1, %dma_start3A_43] : memref<16x16x640xf32, #tpu.memory_space<vmem_shared>> -> memref<1x1x640xf32, #tpu.memory_space<vmem_shared>>
      %dma_start3A_45 = tpu.memref_squeeze %dma_start3A_44 : memref<1x1x640xf32, #tpu.memory_space<vmem_shared>> -> memref<640xf32, #tpu.memory_space<vmem_shared>>
      %dma_start3A_46 = arith.constant 9600 : i32
      %dma_start3A_47 = tpu.memref_slice %arg5[%dma_start3A_46] : memref<10240xf32, #tpu.memory_space<vmem>> -> memref<640xf32, #tpu.memory_space<vmem>>
      tpu.enqueue_dma source(%dma_start3A_47 : memref<640xf32, #tpu.memory_space<vmem>>) target(%dma_start3A_45 : memref<640xf32, #tpu.memory_space<vmem_shared>>) target_semaphore(%run_scoped3A_38 : memref<!tpu.dma_semaphore, #tpu.memory_space<semaphore_mem>>)
      %dma_wait3A = arith.constant 9600 : i32
      %dma_wait3A_48 = tpu.memref_slice %arg5[%dma_wait3A] : memref<10240xf32, #tpu.memory_space<vmem>> -> memref<640xf32, #tpu.memory_space<vmem>>
      %dma_wait3A_49 = arith.constant 0 : i32
      %dma_wait3A_50 = tpu.memref_slice %arg7[%run_scoped3A_31, %arg1, %dma_wait3A_49] : memref<16x16x640xf32, #tpu.memory_space<vmem_shared>> -> memref<1x1x640xf32, #tpu.memory_space<vmem_shared>>
      %dma_wait3A_51 = tpu.memref_squeeze %dma_wait3A_50 : memref<1x1x640xf32, #tpu.memory_space<vmem_shared>> -> memref<640xf32, #tpu.memory_space<vmem_shared>>
      %dma_wait3A_52 = arith.constant 0 : i32
      %dma_wait3A_53 = tpu.memref_slice %arg7[%run_scoped3A_31, %arg1, %dma_wait3A_52] : memref<16x16x640xf32, #tpu.memory_space<vmem_shared>> -> memref<1x1x640xf32, #tpu.memory_space<vmem_shared>>
      %dma_wait3A_54 = tpu.memref_squeeze %dma_wait3A_53 : memref<1x1x640xf32, #tpu.memory_space<vmem_shared>> -> memref<640xf32, #tpu.memory_space<vmem_shared>>
      %dma_wait3A_55 = arith.constant 9600 : i32
      %dma_wait3A_56 = tpu.memref_slice %arg5[%dma_wait3A_55] : memref<10240xf32, #tpu.memory_space<vmem>> -> memref<640xf32, #tpu.memory_space<vmem>>
      tpu.wait_dma2 semaphore(%run_scoped3A_38 : memref<!tpu.dma_semaphore, #tpu.memory_space<semaphore_mem>>) src(%dma_wait3A_56 : memref<640xf32, #tpu.memory_space<vmem>>) dst(%dma_wait3A_54 : memref<640xf32, #tpu.memory_space<vmem_shared>>)
      tpu.yield
    }) : () -> ()
    %barrier3A = arith.constant 0 : index
    tpu.barrier barrier_id(%barrier3A)
    "tpu.region"() ({
      %run_scoped3A_38 = tpu.sem_alloc : memref<!tpu.dma_semaphore, #tpu.memory_space<semaphore_mem>>
      %dma_start3A = arith.constant 0 : i32
      %dma_start3A_39 = arith.constant 0 : i32
      %dma_start3A_40 = tpu.memref_slice %arg7[%arg1, %dma_start3A, %dma_start3A_39] : memref<16x16x640xf32, #tpu.memory_space<vmem_shared>> -> memref<1x16x640xf32, #tpu.memory_space<vmem_shared>>
      %dma_start3A_41 = tpu.memref_squeeze %dma_start3A_40 : memref<1x16x640xf32, #tpu.memory_space<vmem_shared>> -> memref<16x640xf32, #tpu.memory_space<vmem_shared>>
      %dma_start3A_42 = arith.constant 0 : i32
      %dma_start3A_43 = arith.constant 0 : i32
      %dma_start3A_44 = tpu.memref_slice %arg7[%arg1, %dma_start3A_42, %dma_start3A_43] : memref<16x16x640xf32, #tpu.memory_space<vmem_shared>> -> memref<1x16x640xf32, #tpu.memory_space<vmem_shared>>
      %dma_start3A_45 = tpu.memref_squeeze %dma_start3A_44 : memref<1x16x640xf32, #tpu.memory_space<vmem_shared>> -> memref<16x640xf32, #tpu.memory_space<vmem_shared>>
      tpu.enqueue_dma source(%dma_start3A_45 : memref<16x640xf32, #tpu.memory_space<vmem_shared>>) target(%arg6 : memref<16x640xf32, #tpu.memory_space<vmem>>) target_semaphore(%run_scoped3A_38 : memref<!tpu.dma_semaphore, #tpu.memory_space<semaphore_mem>>)
      %dma_wait3A = arith.constant 0 : i32
      %dma_wait3A_46 = arith.constant 0 : i32
      %dma_wait3A_47 = tpu.memref_slice %arg7[%arg1, %dma_wait3A, %dma_wait3A_46] : memref<16x16x640xf32, #tpu.memory_space<vmem_shared>> -> memref<1x16x640xf32, #tpu.memory_space<vmem_shared>>
      %dma_wait3A_48 = tpu.memref_squeeze %dma_wait3A_47 : memref<1x16x640xf32, #tpu.memory_space<vmem_shared>> -> memref<16x640xf32, #tpu.memory_space<vmem_shared>>
      %dma_wait3A_49 = arith.constant 0 : i32
      %dma_wait3A_50 = arith.constant 0 : i32
      %dma_wait3A_51 = tpu.memref_slice %arg7[%arg1, %dma_wait3A_49, %dma_wait3A_50] : memref<16x16x640xf32, #tpu.memory_space<vmem_shared>> -> memref<1x16x640xf32, #tpu.memory_space<vmem_shared>>
      %dma_wait3A_52 = tpu.memref_squeeze %dma_wait3A_51 : memref<1x16x640xf32, #tpu.memory_space<vmem_shared>> -> memref<16x640xf32, #tpu.memory_space<vmem_shared>>
      tpu.wait_dma2 semaphore(%run_scoped3A_38 : memref<!tpu.dma_semaphore, #tpu.memory_space<semaphore_mem>>) src(%dma_wait3A_52 : memref<16x640xf32, #tpu.memory_space<vmem_shared>>) dst(%arg6 : memref<16x640xf32, #tpu.memory_space<vmem>>)
      tpu.yield
    }) : () -> ()
    %scan3A_32 = arith.constant 0 : i32
    %scan3A_33 = arith.constant 0 : i32
    %scan3A_34 = arith.constant 40 : i32
    %scan3A_35 = arith.addi %scan3A_33, %scan3A_34 : i32
    %scan3A_36 = arith.constant 1 : i32
    scf.for %scan3A_38 = %scan3A_33 to %scan3A_35 step %scan3A_36  : i32 {
      %broadcast_in_dim3A_39 = arith.constant 0.000000e+00 : f32
      %broadcast_in_dim3A_40 = vector.broadcast %broadcast_in_dim3A_39 : f32 to vector<16xf32>
      %mul3A_41 = arith.constant 16 : i32
      %mul3A_42 = arith.muli %scan3A_38, %mul3A_41 : i32
      %get3A = arith.constant 0 : i32
      %get3A_43 = arith.index_cast %get3A : i32 to index
      %get3A_44 = arith.index_cast %mul3A_42 : i32 to index
      %get3A_45 = tpu.vector_load %arg6[%get3A_43, %get3A_44] {strides = array<i32>} : memref<16x640xf32, #tpu.memory_space<vmem>>, vector<16xf32>,
      %add3A_46 = arith.addf %broadcast_in_dim3A_40, %get3A_45 : vector<16xf32>
      %mul3A_47 = arith.constant 16 : i32
      %mul3A_48 = arith.muli %scan3A_38, %mul3A_47 : i32
      %get3A_49 = arith.constant 1 : i32
      %get3A_50 = arith.index_cast %get3A_49 : i32 to index
      %get3A_51 = arith.index_cast %mul3A_48 : i32 to index
      %get3A_52 = tpu.vector_load %arg6[%get3A_50, %get3A_51] {strides = array<i32>} : memref<16x640xf32, #tpu.memory_space<vmem>>, vector<16xf32>,
      %add3A_53 = arith.addf %add3A_46, %get3A_52 : vector<16xf32>
      %mul3A_54 = arith.constant 16 : i32
      %mul3A_55 = arith.muli %scan3A_38, %mul3A_54 : i32
      %get3A_56 = arith.constant 2 : i32
      %get3A_57 = arith.index_cast %get3A_56 : i32 to index
      %get3A_58 = arith.index_cast %mul3A_55 : i32 to index
      %get3A_59 = tpu.vector_load %arg6[%get3A_57, %get3A_58] {strides = array<i32>} : memref<16x640xf32, #tpu.memory_space<vmem>>, vector<16xf32>,
      %add3A_60 = arith.addf %add3A_53, %get3A_59 : vector<16xf32>
      %mul3A_61 = arith.constant 16 : i32
      %mul3A_62 = arith.muli %scan3A_38, %mul3A_61 : i32
      %get3A_63 = arith.constant 3 : i32
      %get3A_64 = arith.index_cast %get3A_63 : i32 to index
      %get3A_65 = arith.index_cast %mul3A_62 : i32 to index
      %get3A_66 = tpu.vector_load %arg6[%get3A_64, %get3A_65] {strides = array<i32>} : memref<16x640xf32, #tpu.memory_space<vmem>>, vector<16xf32>,
      %add3A_67 = arith.addf %add3A_60, %get3A_66 : vector<16xf32>
      %mul3A_68 = arith.constant 16 : i32
      %mul3A_69 = arith.muli %scan3A_38, %mul3A_68 : i32
      %get3A_70 = arith.constant 4 : i32
      %get3A_71 = arith.index_cast %get3A_70 : i32 to index
      %get3A_72 = arith.index_cast %mul3A_69 : i32 to index
      %get3A_73 = tpu.vector_load %arg6[%get3A_71, %get3A_72] {strides = array<i32>} : memref<16x640xf32, #tpu.memory_space<vmem>>, vector<16xf32>,
      %add3A_74 = arith.addf %add3A_67, %get3A_73 : vector<16xf32>
      %mul3A_75 = arith.constant 16 : i32
      %mul3A_76 = arith.muli %scan3A_38, %mul3A_75 : i32
      %get3A_77 = arith.constant 5 : i32
      %get3A_78 = arith.index_cast %get3A_77 : i32 to index
      %get3A_79 = arith.index_cast %mul3A_76 : i32 to index
      %get3A_80 = tpu.vector_load %arg6[%get3A_78, %get3A_79] {strides = array<i32>} : memref<16x640xf32, #tpu.memory_space<vmem>>, vector<16xf32>,
      %add3A_81 = arith.addf %add3A_74, %get3A_80 : vector<16xf32>
      %mul3A_82 = arith.constant 16 : i32
      %mul3A_83 = arith.muli %scan3A_38, %mul3A_82 : i32
      %get3A_84 = arith.constant 6 : i32
      %get3A_85 = arith.index_cast %get3A_84 : i32 to index
      %get3A_86 = arith.index_cast %mul3A_83 : i32 to index
      %get3A_87 = tpu.vector_load %arg6[%get3A_85, %get3A_86] {strides = array<i32>} : memref<16x640xf32, #tpu.memory_space<vmem>>, vector<16xf32>,
      %add3A_88 = arith.addf %add3A_81, %get3A_87 : vector<16xf32>
      %mul3A_89 = arith.constant 16 : i32
      %mul3A_90 = arith.muli %scan3A_38, %mul3A_89 : i32
      %get3A_91 = arith.constant 7 : i32
      %get3A_92 = arith.index_cast %get3A_91 : i32 to index
      %get3A_93 = arith.index_cast %mul3A_90 : i32 to index
      %get3A_94 = tpu.vector_load %arg6[%get3A_92, %get3A_93] {strides = array<i32>} : memref<16x640xf32, #tpu.memory_space<vmem>>, vector<16xf32>,
      %add3A_95 = arith.addf %add3A_88, %get3A_94 : vector<16xf32>
      %mul3A_96 = arith.constant 16 : i32
      %mul3A_97 = arith.muli %scan3A_38, %mul3A_96 : i32
      %get3A_98 = arith.constant 8 : i32
      %get3A_99 = arith.index_cast %get3A_98 : i32 to index
      %get3A_100 = arith.index_cast %mul3A_97 : i32 to index
      %get3A_101 = tpu.vector_load %arg6[%get3A_99, %get3A_100] {strides = array<i32>} : memref<16x640xf32, #tpu.memory_space<vmem>>, vector<16xf32>,
      %add3A_102 = arith.addf %add3A_95, %get3A_101 : vector<16xf32>
      %mul3A_103 = arith.constant 16 : i32
      %mul3A_104 = arith.muli %scan3A_38, %mul3A_103 : i32
      %get3A_105 = arith.constant 9 : i32
      %get3A_106 = arith.index_cast %get3A_105 : i32 to index
      %get3A_107 = arith.index_cast %mul3A_104 : i32 to index
      %get3A_108 = tpu.vector_load %arg6[%get3A_106, %get3A_107] {strides = array<i32>} : memref<16x640xf32, #tpu.memory_space<vmem>>, vector<16xf32>,
      %add3A_109 = arith.addf %add3A_102, %get3A_108 : vector<16xf32>
      %mul3A_110 = arith.constant 16 : i32
      %mul3A_111 = arith.muli %scan3A_38, %mul3A_110 : i32
      %get3A_112 = arith.constant 10 : i32
      %get3A_113 = arith.index_cast %get3A_112 : i32 to index
      %get3A_114 = arith.index_cast %mul3A_111 : i32 to index
      %get3A_115 = tpu.vector_load %arg6[%get3A_113, %get3A_114] {strides = array<i32>} : memref<16x640xf32, #tpu.memory_space<vmem>>, vector<16xf32>,
      %add3A_116 = arith.addf %add3A_109, %get3A_115 : vector<16xf32>
      %mul3A_117 = arith.constant 16 : i32
      %mul3A_118 = arith.muli %scan3A_38, %mul3A_117 : i32
      %get3A_119 = arith.constant 11 : i32
      %get3A_120 = arith.index_cast %get3A_119 : i32 to index
      %get3A_121 = arith.index_cast %mul3A_118 : i32 to index
      %get3A_122 = tpu.vector_load %arg6[%get3A_120, %get3A_121] {strides = array<i32>} : memref<16x640xf32, #tpu.memory_space<vmem>>, vector<16xf32>,
      %add3A_123 = arith.addf %add3A_116, %get3A_122 : vector<16xf32>
      %mul3A_124 = arith.constant 16 : i32
      %mul3A_125 = arith.muli %scan3A_38, %mul3A_124 : i32
      %get3A_126 = arith.constant 12 : i32
      %get3A_127 = arith.index_cast %get3A_126 : i32 to index
      %get3A_128 = arith.index_cast %mul3A_125 : i32 to index
      %get3A_129 = tpu.vector_load %arg6[%get3A_127, %get3A_128] {strides = array<i32>} : memref<16x640xf32, #tpu.memory_space<vmem>>, vector<16xf32>,
      %add3A_130 = arith.addf %add3A_123, %get3A_129 : vector<16xf32>
      %mul3A_131 = arith.constant 16 : i32
      %mul3A_132 = arith.muli %scan3A_38, %mul3A_131 : i32
      %get3A_133 = arith.constant 13 : i32
      %get3A_134 = arith.index_cast %get3A_133 : i32 to index
      %get3A_135 = arith.index_cast %mul3A_132 : i32 to index
      %get3A_136 = tpu.vector_load %arg6[%get3A_134, %get3A_135] {strides = array<i32>} : memref<16x640xf32, #tpu.memory_space<vmem>>, vector<16xf32>,
      %add3A_137 = arith.addf %add3A_130, %get3A_136 : vector<16xf32>
      %mul3A_138 = arith.constant 16 : i32
      %mul3A_139 = arith.muli %scan3A_38, %mul3A_138 : i32
      %get3A_140 = arith.constant 14 : i32
      %get3A_141 = arith.index_cast %get3A_140 : i32 to index
      %get3A_142 = arith.index_cast %mul3A_139 : i32 to index
      %get3A_143 = tpu.vector_load %arg6[%get3A_141, %get3A_142] {strides = array<i32>} : memref<16x640xf32, #tpu.memory_space<vmem>>, vector<16xf32>,
      %add3A_144 = arith.addf %add3A_137, %get3A_143 : vector<16xf32>
      %mul3A_145 = arith.constant 16 : i32
      %mul3A_146 = arith.muli %scan3A_38, %mul3A_145 : i32
      %get3A_147 = arith.constant 15 : i32
      %get3A_148 = arith.index_cast %get3A_147 : i32 to index
      %get3A_149 = arith.index_cast %mul3A_146 : i32 to index
      %get3A_150 = tpu.vector_load %arg6[%get3A_148, %get3A_149] {strides = array<i32>} : memref<16x640xf32, #tpu.memory_space<vmem>>, vector<16xf32>,
      %add3A_151 = arith.addf %add3A_144, %get3A_150 : vector<16xf32>
      %mul3A_152 = arith.constant 16 : i32
      %mul3A_153 = arith.muli %scan3A_38, %mul3A_152 : i32
      %swap3A = arith.index_cast %mul3A_153 : i32 to index
      %swap3A_154 = tpu.vector_load %arg5[%swap3A] {strides = array<i32>} : memref<10240xf32, #tpu.memory_space<vmem>>, vector<16xf32>,
      tpu.vector_store %arg5[%swap3A], %add3A_151 {strides = array<i32>} : memref<10240xf32, #tpu.memory_space<vmem>>, vector<16xf32>,
    }
    %scan3A_37 = arith.constant 40 : i32
    "tpu.region"() ({
      %run_scoped3A_38 = tpu.sem_alloc : memref<!tpu.dma_semaphore, #tpu.memory_space<semaphore_mem>>
      %dma_start3A = arith.constant 0 : i32
      %dma_start3A_39 = tpu.memref_slice %arg5[%dma_start3A] : memref<10240xf32, #tpu.memory_space<vmem>> -> memref<640xf32, #tpu.memory_space<vmem>>
      %dma_start3A_40 = tpu.memref_slice %arg3[%arg0, %mul3A_2] : memref<2x10240xf32, #tpu.memory_space<hbm>> -> memref<1x640xf32, #tpu.memory_space<hbm>>
      %dma_start3A_41 = tpu.memref_squeeze %dma_start3A_40 : memref<1x640xf32, #tpu.memory_space<hbm>> -> memref<640xf32, #tpu.memory_space<hbm>>
      %dma_start3A_42 = tpu.memref_slice %arg3[%arg0, %mul3A_2] : memref<2x10240xf32, #tpu.memory_space<hbm>> -> memref<1x640xf32, #tpu.memory_space<hbm>>
      %dma_start3A_43 = tpu.memref_squeeze %dma_start3A_42 : memref<1x640xf32, #tpu.memory_space<hbm>> -> memref<640xf32, #tpu.memory_space<hbm>>
      %dma_start3A_44 = arith.constant 0 : i32
      %dma_start3A_45 = tpu.memref_slice %arg5[%dma_start3A_44] : memref<10240xf32, #tpu.memory_space<vmem>> -> memref<640xf32, #tpu.memory_space<vmem>>
      tpu.enqueue_dma source(%dma_start3A_45 : memref<640xf32, #tpu.memory_space<vmem>>) target(%dma_start3A_43 : memref<640xf32, #tpu.memory_space<hbm>>) target_semaphore(%run_scoped3A_38 : memref<!tpu.dma_semaphore, #tpu.memory_space<semaphore_mem>>)
      %dma_wait3A = arith.constant 0 : i32
      %dma_wait3A_46 = tpu.memref_slice %arg5[%dma_wait3A] : memref<10240xf32, #tpu.memory_space<vmem>> -> memref<640xf32, #tpu.memory_space<vmem>>
      %dma_wait3A_47 = tpu.memref_slice %arg3[%arg0, %mul3A_2] : memref<2x10240xf32, #tpu.memory_space<hbm>> -> memref<1x640xf32, #tpu.memory_space<hbm>>
      %dma_wait3A_48 = tpu.memref_squeeze %dma_wait3A_47 : memref<1x640xf32, #tpu.memory_space<hbm>> -> memref<640xf32, #tpu.memory_space<hbm>>
      %dma_wait3A_49 = tpu.memref_slice %arg3[%arg0, %mul3A_2] : memref<2x10240xf32, #tpu.memory_space<hbm>> -> memref<1x640xf32, #tpu.memory_space<hbm>>
      %dma_wait3A_50 = tpu.memref_squeeze %dma_wait3A_49 : memref<1x640xf32, #tpu.memory_space<hbm>> -> memref<640xf32, #tpu.memory_space<hbm>>
      %dma_wait3A_51 = arith.constant 0 : i32
      %dma_wait3A_52 = tpu.memref_slice %arg5[%dma_wait3A_51] : memref<10240xf32, #tpu.memory_space<vmem>> -> memref<640xf32, #tpu.memory_space<vmem>>
      tpu.wait_dma2 semaphore(%run_scoped3A_38 : memref<!tpu.dma_semaphore, #tpu.memory_space<semaphore_mem>>) src(%dma_wait3A_52 : memref<640xf32, #tpu.memory_space<vmem>>) dst(%dma_wait3A_50 : memref<640xf32, #tpu.memory_space<hbm>>)
      tpu.yield
    }) : () -> ()
    return
  }
}

#map = affine_map<(d0, d1) -> (0, 0)>
#map1 = affine_map<(d0, d1) -> (0, 0, 0)>
module attributes {stable_mosaic.version = 14 : i64} {
  func.func @body(%arg0: i32, %arg1: i32, %arg2: memref<10240x128xf32, #tpu.memory_space<hbm>>, %arg3: memref<2560x128xi32, #tpu.memory_space<hbm>>, %arg4: memref<2560x128xi32, #tpu.memory_space<hbm>>, %arg5: memref<2x10240x128xf32, #tpu.memory_space<hbm>>, %arg6: memref<40x128xi32, #tpu.memory_space<vmem>>, %arg7: memref<40x128xi32, #tpu.memory_space<vmem>>, %arg8: memref<128x128xf32, #tpu.memory_space<vmem>>, %arg9: memref<128x128xf32, #tpu.memory_space<vmem>>, %arg10: memref<10240x128xf32, #tpu.memory_space<vmem_shared>>, %arg11: memref<!tpu.dma_semaphore, #tpu.memory_space<semaphore_mem>>, %arg12: memref<!tpu.dma_semaphore, #tpu.memory_space<semaphore_mem>>, %arg13: memref<!tpu.dma_semaphore, #tpu.memory_space<semaphore_mem>>, %arg14: memref<!tpu.dma_semaphore, #tpu.memory_space<semaphore_mem>>) attributes {dimension_semantics = [#tpu.dimension_semantics<core_parallel>, #tpu.dimension_semantics<subcore_parallel>], iteration_bounds = array<i64: 2, 16>, scalar_prefetch = 0 : i64, scratch_operands = 9 : i64, tpu.core_type = #tpu.core_type<sc_vector_subcore>, window_params = [{transform_indices = #map}, {transform_indices = #map}, {transform_indices = #map}, {transform_indices = #map1}]} {
    %mul3A = arith.constant 640 : i32
    %mul3A_0 = arith.muli %arg1, %mul3A : i32
    %scan3A = arith.constant 0 : i32
    %scan3A_1 = arith.constant 0 : i32
    %scan3A_2 = arith.constant 128 : i32
    %scan3A_3 = arith.addi %scan3A_1, %scan3A_2 : i32
    %scan3A_4 = arith.constant 1 : i32
    scf.for %scan3A_63 = %scan3A_1 to %scan3A_3 step %scan3A_4  : i32 {
      %broadcast_in_dim3A = arith.constant 0.000000e+00 : f32
      %broadcast_in_dim3A_64 = vector.broadcast %broadcast_in_dim3A : f32 to vector<16xf32>
      %swap3A = arith.index_cast %scan3A_63 : i32 to index
      %swap3A_65 = arith.constant 0 : index
      %swap3A_66 = tpu.vector_load %arg8[%swap3A, %swap3A_65] {strides = array<i32>} : memref<128x128xf32, #tpu.memory_space<vmem>>, vector<1x16xf32>,
      %swap3A_67 = vector.shape_cast %swap3A_66 : vector<1x16xf32> to vector<16xf32>
      %swap3A_68 = vector.shape_cast %broadcast_in_dim3A_64 : vector<16xf32> to vector<1x16xf32>
      tpu.vector_store %arg8[%swap3A, %swap3A_65], %swap3A_68 {strides = array<i32>} : memref<128x128xf32, #tpu.memory_space<vmem>>, vector<1x16xf32>,
      %broadcast_in_dim3A_69 = arith.constant 0.000000e+00 : f32
      %broadcast_in_dim3A_70 = vector.broadcast %broadcast_in_dim3A_69 : f32 to vector<16xf32>
      %swap3A_71 = arith.index_cast %scan3A_63 : i32 to index
      %swap3A_72 = arith.constant 16 : index
      %swap3A_73 = tpu.vector_load %arg8[%swap3A_71, %swap3A_72] {strides = array<i32>} : memref<128x128xf32, #tpu.memory_space<vmem>>, vector<1x16xf32>,
      %swap3A_74 = vector.shape_cast %swap3A_73 : vector<1x16xf32> to vector<16xf32>
      %swap3A_75 = vector.shape_cast %broadcast_in_dim3A_70 : vector<16xf32> to vector<1x16xf32>
      tpu.vector_store %arg8[%swap3A_71, %swap3A_72], %swap3A_75 {strides = array<i32>} : memref<128x128xf32, #tpu.memory_space<vmem>>, vector<1x16xf32>,
      %broadcast_in_dim3A_76 = arith.constant 0.000000e+00 : f32
      %broadcast_in_dim3A_77 = vector.broadcast %broadcast_in_dim3A_76 : f32 to vector<16xf32>
      %swap3A_78 = arith.index_cast %scan3A_63 : i32 to index
      %swap3A_79 = arith.constant 32 : index
      %swap3A_80 = tpu.vector_load %arg8[%swap3A_78, %swap3A_79] {strides = array<i32>} : memref<128x128xf32, #tpu.memory_space<vmem>>, vector<1x16xf32>,
      %swap3A_81 = vector.shape_cast %swap3A_80 : vector<1x16xf32> to vector<16xf32>
      %swap3A_82 = vector.shape_cast %broadcast_in_dim3A_77 : vector<16xf32> to vector<1x16xf32>
      tpu.vector_store %arg8[%swap3A_78, %swap3A_79], %swap3A_82 {strides = array<i32>} : memref<128x128xf32, #tpu.memory_space<vmem>>, vector<1x16xf32>,
      %broadcast_in_dim3A_83 = arith.constant 0.000000e+00 : f32
      %broadcast_in_dim3A_84 = vector.broadcast %broadcast_in_dim3A_83 : f32 to vector<16xf32>
      %swap3A_85 = arith.index_cast %scan3A_63 : i32 to index
      %swap3A_86 = arith.constant 48 : index
      %swap3A_87 = tpu.vector_load %arg8[%swap3A_85, %swap3A_86] {strides = array<i32>} : memref<128x128xf32, #tpu.memory_space<vmem>>, vector<1x16xf32>,
      %swap3A_88 = vector.shape_cast %swap3A_87 : vector<1x16xf32> to vector<16xf32>
      %swap3A_89 = vector.shape_cast %broadcast_in_dim3A_84 : vector<16xf32> to vector<1x16xf32>
      tpu.vector_store %arg8[%swap3A_85, %swap3A_86], %swap3A_89 {strides = array<i32>} : memref<128x128xf32, #tpu.memory_space<vmem>>, vector<1x16xf32>,
      %broadcast_in_dim3A_90 = arith.constant 0.000000e+00 : f32
      %broadcast_in_dim3A_91 = vector.broadcast %broadcast_in_dim3A_90 : f32 to vector<16xf32>
      %swap3A_92 = arith.index_cast %scan3A_63 : i32 to index
      %swap3A_93 = arith.constant 64 : index
      %swap3A_94 = tpu.vector_load %arg8[%swap3A_92, %swap3A_93] {strides = array<i32>} : memref<128x128xf32, #tpu.memory_space<vmem>>, vector<1x16xf32>,
      %swap3A_95 = vector.shape_cast %swap3A_94 : vector<1x16xf32> to vector<16xf32>
      %swap3A_96 = vector.shape_cast %broadcast_in_dim3A_91 : vector<16xf32> to vector<1x16xf32>
      tpu.vector_store %arg8[%swap3A_92, %swap3A_93], %swap3A_96 {strides = array<i32>} : memref<128x128xf32, #tpu.memory_space<vmem>>, vector<1x16xf32>,
      %broadcast_in_dim3A_97 = arith.constant 0.000000e+00 : f32
      %broadcast_in_dim3A_98 = vector.broadcast %broadcast_in_dim3A_97 : f32 to vector<16xf32>
      %swap3A_99 = arith.index_cast %scan3A_63 : i32 to index
      %swap3A_100 = arith.constant 80 : index
      %swap3A_101 = tpu.vector_load %arg8[%swap3A_99, %swap3A_100] {strides = array<i32>} : memref<128x128xf32, #tpu.memory_space<vmem>>, vector<1x16xf32>,
      %swap3A_102 = vector.shape_cast %swap3A_101 : vector<1x16xf32> to vector<16xf32>
      %swap3A_103 = vector.shape_cast %broadcast_in_dim3A_98 : vector<16xf32> to vector<1x16xf32>
      tpu.vector_store %arg8[%swap3A_99, %swap3A_100], %swap3A_103 {strides = array<i32>} : memref<128x128xf32, #tpu.memory_space<vmem>>, vector<1x16xf32>,
      %broadcast_in_dim3A_104 = arith.constant 0.000000e+00 : f32
      %broadcast_in_dim3A_105 = vector.broadcast %broadcast_in_dim3A_104 : f32 to vector<16xf32>
      %swap3A_106 = arith.index_cast %scan3A_63 : i32 to index
      %swap3A_107 = arith.constant 96 : index
      %swap3A_108 = tpu.vector_load %arg8[%swap3A_106, %swap3A_107] {strides = array<i32>} : memref<128x128xf32, #tpu.memory_space<vmem>>, vector<1x16xf32>,
      %swap3A_109 = vector.shape_cast %swap3A_108 : vector<1x16xf32> to vector<16xf32>
      %swap3A_110 = vector.shape_cast %broadcast_in_dim3A_105 : vector<16xf32> to vector<1x16xf32>
      tpu.vector_store %arg8[%swap3A_106, %swap3A_107], %swap3A_110 {strides = array<i32>} : memref<128x128xf32, #tpu.memory_space<vmem>>, vector<1x16xf32>,
      %broadcast_in_dim3A_111 = arith.constant 0.000000e+00 : f32
      %broadcast_in_dim3A_112 = vector.broadcast %broadcast_in_dim3A_111 : f32 to vector<16xf32>
      %swap3A_113 = arith.index_cast %scan3A_63 : i32 to index
      %swap3A_114 = arith.constant 112 : index
      %swap3A_115 = tpu.vector_load %arg8[%swap3A_113, %swap3A_114] {strides = array<i32>} : memref<128x128xf32, #tpu.memory_space<vmem>>, vector<1x16xf32>,
      %swap3A_116 = vector.shape_cast %swap3A_115 : vector<1x16xf32> to vector<16xf32>
      %swap3A_117 = vector.shape_cast %broadcast_in_dim3A_112 : vector<16xf32> to vector<1x16xf32>
      tpu.vector_store %arg8[%swap3A_113, %swap3A_114], %swap3A_117 {strides = array<i32>} : memref<128x128xf32, #tpu.memory_space<vmem>>, vector<1x16xf32>,
    }
    %scan3A_5 = arith.constant 128 : i32
    %add3A = arith.constant 0 : i32
    %add3A_6 = arith.addi %mul3A_0, %add3A : i32
    "tpu.region"() ({
      %run_scoped3A = tpu.sem_alloc : memref<!tpu.dma_semaphore, #tpu.memory_space<semaphore_mem>>
      %dma_start3A_63 = arith.constant 0 : i32
      %dma_start3A_64 = tpu.memref_slice %arg10[%add3A_6, %dma_start3A_63] : memref<10240x128xf32, #tpu.memory_space<vmem_shared>> -> memref<128x128xf32, #tpu.memory_space<vmem_shared>>
      %dma_start3A_65 = arith.constant 0 : i32
      %dma_start3A_66 = tpu.memref_slice %arg10[%add3A_6, %dma_start3A_65] : memref<10240x128xf32, #tpu.memory_space<vmem_shared>> -> memref<128x128xf32, #tpu.memory_space<vmem_shared>>
      tpu.enqueue_dma source(%arg8 : memref<128x128xf32, #tpu.memory_space<vmem>>) target(%dma_start3A_66 : memref<128x128xf32, #tpu.memory_space<vmem_shared>>) target_semaphore(%run_scoped3A : memref<!tpu.dma_semaphore, #tpu.memory_space<semaphore_mem>>)
      %dma_wait3A_67 = arith.constant 0 : i32
      %dma_wait3A_68 = tpu.memref_slice %arg10[%add3A_6, %dma_wait3A_67] : memref<10240x128xf32, #tpu.memory_space<vmem_shared>> -> memref<128x128xf32, #tpu.memory_space<vmem_shared>>
      %dma_wait3A_69 = arith.constant 0 : i32
      %dma_wait3A_70 = tpu.memref_slice %arg10[%add3A_6, %dma_wait3A_69] : memref<10240x128xf32, #tpu.memory_space<vmem_shared>> -> memref<128x128xf32, #tpu.memory_space<vmem_shared>>
      tpu.wait_dma2 semaphore(%run_scoped3A : memref<!tpu.dma_semaphore, #tpu.memory_space<semaphore_mem>>) src(%arg8 : memref<128x128xf32, #tpu.memory_space<vmem>>) dst(%dma_wait3A_70 : memref<128x128xf32, #tpu.memory_space<vmem_shared>>)
      tpu.yield
    }) : () -> ()
    %add3A_7 = arith.constant 128 : i32
    %add3A_8 = arith.addi %mul3A_0, %add3A_7 : i32
    "tpu.region"() ({
      %run_scoped3A = tpu.sem_alloc : memref<!tpu.dma_semaphore, #tpu.memory_space<semaphore_mem>>
      %dma_start3A_63 = arith.constant 0 : i32
      %dma_start3A_64 = tpu.memref_slice %arg10[%add3A_8, %dma_start3A_63] : memref<10240x128xf32, #tpu.memory_space<vmem_shared>> -> memref<128x128xf32, #tpu.memory_space<vmem_shared>>
      %dma_start3A_65 = arith.constant 0 : i32
      %dma_start3A_66 = tpu.memref_slice %arg10[%add3A_8, %dma_start3A_65] : memref<10240x128xf32, #tpu.memory_space<vmem_shared>> -> memref<128x128xf32, #tpu.memory_space<vmem_shared>>
      tpu.enqueue_dma source(%arg8 : memref<128x128xf32, #tpu.memory_space<vmem>>) target(%dma_start3A_66 : memref<128x128xf32, #tpu.memory_space<vmem_shared>>) target_semaphore(%run_scoped3A : memref<!tpu.dma_semaphore, #tpu.memory_space<semaphore_mem>>)
      %dma_wait3A_67 = arith.constant 0 : i32
      %dma_wait3A_68 = tpu.memref_slice %arg10[%add3A_8, %dma_wait3A_67] : memref<10240x128xf32, #tpu.memory_space<vmem_shared>> -> memref<128x128xf32, #tpu.memory_space<vmem_shared>>
      %dma_wait3A_69 = arith.constant 0 : i32
      %dma_wait3A_70 = tpu.memref_slice %arg10[%add3A_8, %dma_wait3A_69] : memref<10240x128xf32, #tpu.memory_space<vmem_shared>> -> memref<128x128xf32, #tpu.memory_space<vmem_shared>>
      tpu.wait_dma2 semaphore(%run_scoped3A : memref<!tpu.dma_semaphore, #tpu.memory_space<semaphore_mem>>) src(%arg8 : memref<128x128xf32, #tpu.memory_space<vmem>>) dst(%dma_wait3A_70 : memref<128x128xf32, #tpu.memory_space<vmem_shared>>)
      tpu.yield
    }) : () -> ()
    %add3A_9 = arith.constant 256 : i32
    %add3A_10 = arith.addi %mul3A_0, %add3A_9 : i32
    "tpu.region"() ({
      %run_scoped3A = tpu.sem_alloc : memref<!tpu.dma_semaphore, #tpu.memory_space<semaphore_mem>>
      %dma_start3A_63 = arith.constant 0 : i32
      %dma_start3A_64 = tpu.memref_slice %arg10[%add3A_10, %dma_start3A_63] : memref<10240x128xf32, #tpu.memory_space<vmem_shared>> -> memref<128x128xf32, #tpu.memory_space<vmem_shared>>
      %dma_start3A_65 = arith.constant 0 : i32
      %dma_start3A_66 = tpu.memref_slice %arg10[%add3A_10, %dma_start3A_65] : memref<10240x128xf32, #tpu.memory_space<vmem_shared>> -> memref<128x128xf32, #tpu.memory_space<vmem_shared>>
      tpu.enqueue_dma source(%arg8 : memref<128x128xf32, #tpu.memory_space<vmem>>) target(%dma_start3A_66 : memref<128x128xf32, #tpu.memory_space<vmem_shared>>) target_semaphore(%run_scoped3A : memref<!tpu.dma_semaphore, #tpu.memory_space<semaphore_mem>>)
      %dma_wait3A_67 = arith.constant 0 : i32
      %dma_wait3A_68 = tpu.memref_slice %arg10[%add3A_10, %dma_wait3A_67] : memref<10240x128xf32, #tpu.memory_space<vmem_shared>> -> memref<128x128xf32, #tpu.memory_space<vmem_shared>>
      %dma_wait3A_69 = arith.constant 0 : i32
      %dma_wait3A_70 = tpu.memref_slice %arg10[%add3A_10, %dma_wait3A_69] : memref<10240x128xf32, #tpu.memory_space<vmem_shared>> -> memref<128x128xf32, #tpu.memory_space<vmem_shared>>
      tpu.wait_dma2 semaphore(%run_scoped3A : memref<!tpu.dma_semaphore, #tpu.memory_space<semaphore_mem>>) src(%arg8 : memref<128x128xf32, #tpu.memory_space<vmem>>) dst(%dma_wait3A_70 : memref<128x128xf32, #tpu.memory_space<vmem_shared>>)
      tpu.yield
    }) : () -> ()
    %add3A_11 = arith.constant 384 : i32
    %add3A_12 = arith.addi %mul3A_0, %add3A_11 : i32
    "tpu.region"() ({
      %run_scoped3A = tpu.sem_alloc : memref<!tpu.dma_semaphore, #tpu.memory_space<semaphore_mem>>
      %dma_start3A_63 = arith.constant 0 : i32
      %dma_start3A_64 = tpu.memref_slice %arg10[%add3A_12, %dma_start3A_63] : memref<10240x128xf32, #tpu.memory_space<vmem_shared>> -> memref<128x128xf32, #tpu.memory_space<vmem_shared>>
      %dma_start3A_65 = arith.constant 0 : i32
      %dma_start3A_66 = tpu.memref_slice %arg10[%add3A_12, %dma_start3A_65] : memref<10240x128xf32, #tpu.memory_space<vmem_shared>> -> memref<128x128xf32, #tpu.memory_space<vmem_shared>>
      tpu.enqueue_dma source(%arg8 : memref<128x128xf32, #tpu.memory_space<vmem>>) target(%dma_start3A_66 : memref<128x128xf32, #tpu.memory_space<vmem_shared>>) target_semaphore(%run_scoped3A : memref<!tpu.dma_semaphore, #tpu.memory_space<semaphore_mem>>)
      %dma_wait3A_67 = arith.constant 0 : i32
      %dma_wait3A_68 = tpu.memref_slice %arg10[%add3A_12, %dma_wait3A_67] : memref<10240x128xf32, #tpu.memory_space<vmem_shared>> -> memref<128x128xf32, #tpu.memory_space<vmem_shared>>
      %dma_wait3A_69 = arith.constant 0 : i32
      %dma_wait3A_70 = tpu.memref_slice %arg10[%add3A_12, %dma_wait3A_69] : memref<10240x128xf32, #tpu.memory_space<vmem_shared>> -> memref<128x128xf32, #tpu.memory_space<vmem_shared>>
      tpu.wait_dma2 semaphore(%run_scoped3A : memref<!tpu.dma_semaphore, #tpu.memory_space<semaphore_mem>>) src(%arg8 : memref<128x128xf32, #tpu.memory_space<vmem>>) dst(%dma_wait3A_70 : memref<128x128xf32, #tpu.memory_space<vmem_shared>>)
      tpu.yield
    }) : () -> ()
    %add3A_13 = arith.constant 512 : i32
    %add3A_14 = arith.addi %mul3A_0, %add3A_13 : i32
    "tpu.region"() ({
      %run_scoped3A = tpu.sem_alloc : memref<!tpu.dma_semaphore, #tpu.memory_space<semaphore_mem>>
      %dma_start3A_63 = arith.constant 0 : i32
      %dma_start3A_64 = tpu.memref_slice %arg10[%add3A_14, %dma_start3A_63] : memref<10240x128xf32, #tpu.memory_space<vmem_shared>> -> memref<128x128xf32, #tpu.memory_space<vmem_shared>>
      %dma_start3A_65 = arith.constant 0 : i32
      %dma_start3A_66 = tpu.memref_slice %arg10[%add3A_14, %dma_start3A_65] : memref<10240x128xf32, #tpu.memory_space<vmem_shared>> -> memref<128x128xf32, #tpu.memory_space<vmem_shared>>
      tpu.enqueue_dma source(%arg8 : memref<128x128xf32, #tpu.memory_space<vmem>>) target(%dma_start3A_66 : memref<128x128xf32, #tpu.memory_space<vmem_shared>>) target_semaphore(%run_scoped3A : memref<!tpu.dma_semaphore, #tpu.memory_space<semaphore_mem>>)
      %dma_wait3A_67 = arith.constant 0 : i32
      %dma_wait3A_68 = tpu.memref_slice %arg10[%add3A_14, %dma_wait3A_67] : memref<10240x128xf32, #tpu.memory_space<vmem_shared>> -> memref<128x128xf32, #tpu.memory_space<vmem_shared>>
      %dma_wait3A_69 = arith.constant 0 : i32
      %dma_wait3A_70 = tpu.memref_slice %arg10[%add3A_14, %dma_wait3A_69] : memref<10240x128xf32, #tpu.memory_space<vmem_shared>> -> memref<128x128xf32, #tpu.memory_space<vmem_shared>>
      tpu.wait_dma2 semaphore(%run_scoped3A : memref<!tpu.dma_semaphore, #tpu.memory_space<semaphore_mem>>) src(%arg8 : memref<128x128xf32, #tpu.memory_space<vmem>>) dst(%dma_wait3A_70 : memref<128x128xf32, #tpu.memory_space<vmem_shared>>)
      tpu.yield
    }) : () -> ()
    %barrier3A = arith.constant 0 : index
    tpu.barrier barrier_id(%barrier3A)
    %mul3A_15 = arith.constant 2 : i32
    %mul3A_16 = arith.muli %arg1, %mul3A_15 : i32
    %add3A_17 = arith.addi %mul3A_16, %arg0 : i32
    %mul3A_18 = arith.constant 80 : i32
    %mul3A_19 = arith.muli %add3A_17, %mul3A_18 : i32
    "tpu.region"() ({
      %run_scoped3A = tpu.sem_alloc : memref<!tpu.dma_semaphore, #tpu.memory_space<semaphore_mem>>
      %dma_start3A_63 = arith.constant 0 : i32
      %dma_start3A_64 = arith.constant 0 : i32
      %dma_start3A_65 = tpu.memref_slice %arg6[%dma_start3A_63, %dma_start3A_64] : memref<40x128xi32, #tpu.memory_space<vmem>> -> memref<40x128xi32, #tpu.memory_space<vmem>>
      %dma_start3A_66 = arith.constant 0 : i32
      %dma_start3A_67 = tpu.memref_slice %arg3[%mul3A_19, %dma_start3A_66] : memref<2560x128xi32, #tpu.memory_space<hbm>> -> memref<40x128xi32, #tpu.memory_space<hbm>>
      %dma_start3A_68 = arith.constant 0 : i32
      %dma_start3A_69 = arith.constant 0 : i32
      %dma_start3A_70 = tpu.memref_slice %arg6[%dma_start3A_68, %dma_start3A_69] : memref<40x128xi32, #tpu.memory_space<vmem>> -> memref<40x128xi32, #tpu.memory_space<vmem>>
      %dma_start3A_71 = arith.constant 0 : i32
      %dma_start3A_72 = tpu.memref_slice %arg3[%mul3A_19, %dma_start3A_71] : memref<2560x128xi32, #tpu.memory_space<hbm>> -> memref<40x128xi32, #tpu.memory_space<hbm>>
      tpu.enqueue_dma source(%dma_start3A_72 : memref<40x128xi32, #tpu.memory_space<hbm>>) target(%dma_start3A_70 : memref<40x128xi32, #tpu.memory_space<vmem>>) target_semaphore(%run_scoped3A : memref<!tpu.dma_semaphore, #tpu.memory_space<semaphore_mem>>)
      %dma_wait3A_73 = arith.constant 0 : i32
      %dma_wait3A_74 = arith.constant 0 : i32
      %dma_wait3A_75 = tpu.memref_slice %arg6[%dma_wait3A_73, %dma_wait3A_74] : memref<40x128xi32, #tpu.memory_space<vmem>> -> memref<40x128xi32, #tpu.memory_space<vmem>>
      %dma_wait3A_76 = arith.constant 0 : i32
      %dma_wait3A_77 = tpu.memref_slice %arg3[%mul3A_19, %dma_wait3A_76] : memref<2560x128xi32, #tpu.memory_space<hbm>> -> memref<40x128xi32, #tpu.memory_space<hbm>>
      %dma_wait3A_78 = arith.constant 0 : i32
      %dma_wait3A_79 = arith.constant 0 : i32
      %dma_wait3A_80 = tpu.memref_slice %arg6[%dma_wait3A_78, %dma_wait3A_79] : memref<40x128xi32, #tpu.memory_space<vmem>> -> memref<40x128xi32, #tpu.memory_space<vmem>>
      %dma_wait3A_81 = arith.constant 0 : i32
      %dma_wait3A_82 = tpu.memref_slice %arg3[%mul3A_19, %dma_wait3A_81] : memref<2560x128xi32, #tpu.memory_space<hbm>> -> memref<40x128xi32, #tpu.memory_space<hbm>>
      tpu.wait_dma2 semaphore(%run_scoped3A : memref<!tpu.dma_semaphore, #tpu.memory_space<semaphore_mem>>) src(%dma_wait3A_82 : memref<40x128xi32, #tpu.memory_space<hbm>>) dst(%dma_wait3A_80 : memref<40x128xi32, #tpu.memory_space<vmem>>)
      tpu.yield
    }) : () -> ()
    "tpu.region"() ({
      %run_scoped3A = tpu.sem_alloc : memref<!tpu.dma_semaphore, #tpu.memory_space<semaphore_mem>>
      %dma_start3A_63 = arith.constant 0 : i32
      %dma_start3A_64 = arith.constant 0 : i32
      %dma_start3A_65 = tpu.memref_slice %arg7[%dma_start3A_63, %dma_start3A_64] : memref<40x128xi32, #tpu.memory_space<vmem>> -> memref<40x128xi32, #tpu.memory_space<vmem>>
      %dma_start3A_66 = arith.constant 0 : i32
      %dma_start3A_67 = tpu.memref_slice %arg4[%mul3A_19, %dma_start3A_66] : memref<2560x128xi32, #tpu.memory_space<hbm>> -> memref<40x128xi32, #tpu.memory_space<hbm>>
      %dma_start3A_68 = arith.constant 0 : i32
      %dma_start3A_69 = arith.constant 0 : i32
      %dma_start3A_70 = tpu.memref_slice %arg7[%dma_start3A_68, %dma_start3A_69] : memref<40x128xi32, #tpu.memory_space<vmem>> -> memref<40x128xi32, #tpu.memory_space<vmem>>
      %dma_start3A_71 = arith.constant 0 : i32
      %dma_start3A_72 = tpu.memref_slice %arg4[%mul3A_19, %dma_start3A_71] : memref<2560x128xi32, #tpu.memory_space<hbm>> -> memref<40x128xi32, #tpu.memory_space<hbm>>
      tpu.enqueue_dma source(%dma_start3A_72 : memref<40x128xi32, #tpu.memory_space<hbm>>) target(%dma_start3A_70 : memref<40x128xi32, #tpu.memory_space<vmem>>) target_semaphore(%run_scoped3A : memref<!tpu.dma_semaphore, #tpu.memory_space<semaphore_mem>>)
      %dma_wait3A_73 = arith.constant 0 : i32
      %dma_wait3A_74 = arith.constant 0 : i32
      %dma_wait3A_75 = tpu.memref_slice %arg7[%dma_wait3A_73, %dma_wait3A_74] : memref<40x128xi32, #tpu.memory_space<vmem>> -> memref<40x128xi32, #tpu.memory_space<vmem>>
      %dma_wait3A_76 = arith.constant 0 : i32
      %dma_wait3A_77 = tpu.memref_slice %arg4[%mul3A_19, %dma_wait3A_76] : memref<2560x128xi32, #tpu.memory_space<hbm>> -> memref<40x128xi32, #tpu.memory_space<hbm>>
      %dma_wait3A_78 = arith.constant 0 : i32
      %dma_wait3A_79 = arith.constant 0 : i32
      %dma_wait3A_80 = tpu.memref_slice %arg7[%dma_wait3A_78, %dma_wait3A_79] : memref<40x128xi32, #tpu.memory_space<vmem>> -> memref<40x128xi32, #tpu.memory_space<vmem>>
      %dma_wait3A_81 = arith.constant 0 : i32
      %dma_wait3A_82 = tpu.memref_slice %arg4[%mul3A_19, %dma_wait3A_81] : memref<2560x128xi32, #tpu.memory_space<hbm>> -> memref<40x128xi32, #tpu.memory_space<hbm>>
      tpu.wait_dma2 semaphore(%run_scoped3A : memref<!tpu.dma_semaphore, #tpu.memory_space<semaphore_mem>>) src(%dma_wait3A_82 : memref<40x128xi32, #tpu.memory_space<hbm>>) dst(%dma_wait3A_80 : memref<40x128xi32, #tpu.memory_space<vmem>>)
      tpu.yield
    }) : () -> ()
    %dma_start3A = arith.constant 0 : i32
    %dma_start3A_20 = arith.constant 0 : i32
    %dma_start3A_21 = tpu.memref_slice %arg6[%dma_start3A, %dma_start3A_20] : memref<40x128xi32, #tpu.memory_space<vmem>> -> memref<1x128xi32, #tpu.memory_space<vmem>>
    %dma_start3A_22 = tpu.memref_squeeze %dma_start3A_21 : memref<1x128xi32, #tpu.memory_space<vmem>> -> memref<128xi32, #tpu.memory_space<vmem>>
    %dma_start3A_23 = arith.constant 0 : i32
    %dma_start3A_24 = arith.constant 0 : i32
    %dma_start3A_25 = tpu.memref_slice %arg2[%dma_start3A_23, %dma_start3A_24] : memref<10240x128xf32, #tpu.memory_space<hbm>> -> memref<10240x128xf32, #tpu.memory_space<hbm>>
    tpu.enqueue_indirect_dma source(%dma_start3A_25 : memref<10240x128xf32, #tpu.memory_space<hbm>>) target(%arg8 : memref<128x128xf32, #tpu.memory_space<vmem>>) offsets(%dma_start3A_22 : memref<128xi32, #tpu.memory_space<vmem>>) semaphore(%arg11 : memref<!tpu.dma_semaphore, #tpu.memory_space<semaphore_mem>>)
    %scan3A_26 = arith.constant 0 : i32
    %scan3A_27 = arith.constant 0 : i32
    %scan3A_28 = arith.constant 20 : i32
    %scan3A_29 = arith.addi %scan3A_27, %scan3A_28 : i32
    %scan3A_30 = arith.constant 1 : i32
    scf.for %scan3A_63 = %scan3A_27 to %scan3A_29 step %scan3A_30  : i32 {
      %mul3A_64 = arith.constant 2 : i32
      %mul3A_65 = arith.muli %mul3A_64, %scan3A_63 : i32
      %add3A_66 = arith.constant 1 : i32
      %add3A_67 = arith.addi %mul3A_65, %add3A_66 : i32
      %dma_start3A_68 = arith.constant 0 : i32
      %dma_start3A_69 = tpu.memref_slice %arg6[%add3A_67, %dma_start3A_68] : memref<40x128xi32, #tpu.memory_space<vmem>> -> memref<1x128xi32, #tpu.memory_space<vmem>>
      %dma_start3A_70 = tpu.memref_squeeze %dma_start3A_69 : memref<1x128xi32, #tpu.memory_space<vmem>> -> memref<128xi32, #tpu.memory_space<vmem>>
      %dma_start3A_71 = arith.constant 0 : i32
      %dma_start3A_72 = arith.constant 0 : i32
      %dma_start3A_73 = tpu.memref_slice %arg2[%dma_start3A_71, %dma_start3A_72] : memref<10240x128xf32, #tpu.memory_space<hbm>> -> memref<10240x128xf32, #tpu.memory_space<hbm>>
      tpu.enqueue_indirect_dma source(%dma_start3A_73 : memref<10240x128xf32, #tpu.memory_space<hbm>>) target(%arg9 : memref<128x128xf32, #tpu.memory_space<vmem>>) offsets(%dma_start3A_70 : memref<128xi32, #tpu.memory_space<vmem>>) semaphore(%arg12 : memref<!tpu.dma_semaphore, #tpu.memory_space<semaphore_mem>>)
      %dma_wait3A_74 = arith.constant 0 : i32
      %dma_wait3A_75 = arith.constant 0 : i32
      %dma_wait3A_76 = tpu.memref_slice %arg6[%dma_wait3A_74, %dma_wait3A_75] : memref<40x128xi32, #tpu.memory_space<vmem>> -> memref<1x128xi32, #tpu.memory_space<vmem>>
      %dma_wait3A_77 = tpu.memref_squeeze %dma_wait3A_76 : memref<1x128xi32, #tpu.memory_space<vmem>> -> memref<128xi32, #tpu.memory_space<vmem>>
      %dma_wait3A_78 = arith.constant 0 : i32
      %dma_wait3A_79 = arith.constant 0 : i32
      %dma_wait3A_80 = tpu.memref_slice %arg2[%dma_wait3A_78, %dma_wait3A_79] : memref<10240x128xf32, #tpu.memory_space<hbm>> -> memref<10240x128xf32, #tpu.memory_space<hbm>>
      tpu.wait_indirect_dma semaphore(%arg11 : memref<!tpu.dma_semaphore, #tpu.memory_space<semaphore_mem>>) src(%dma_wait3A_80 : memref<10240x128xf32, #tpu.memory_space<hbm>>) dst(%arg8 : memref<128x128xf32, #tpu.memory_space<vmem>>)
      "tpu.region"() ({
        %run_scoped3A = tpu.sem_alloc : memref<!tpu.dma_semaphore, #tpu.memory_space<semaphore_mem>>
        %dma_start3A_97 = arith.constant 0 : i32
        %dma_start3A_98 = tpu.memref_slice %arg7[%mul3A_65, %dma_start3A_97] : memref<40x128xi32, #tpu.memory_space<vmem>> -> memref<1x128xi32, #tpu.memory_space<vmem>>
        %dma_start3A_99 = tpu.memref_squeeze %dma_start3A_98 : memref<1x128xi32, #tpu.memory_space<vmem>> -> memref<128xi32, #tpu.memory_space<vmem>>
        %dma_start3A_100 = arith.constant 0 : i32
        %dma_start3A_101 = arith.constant 0 : i32
        %dma_start3A_102 = tpu.memref_slice %arg10[%dma_start3A_100, %dma_start3A_101] : memref<10240x128xf32, #tpu.memory_space<vmem_shared>> -> memref<10240x128xf32, #tpu.memory_space<vmem_shared>>
        tpu.enqueue_indirect_dma source(%arg8 : memref<128x128xf32, #tpu.memory_space<vmem>>) target(%dma_start3A_102 : memref<10240x128xf32, #tpu.memory_space<vmem_shared>>) offsets(%dma_start3A_99 : memref<128xi32, #tpu.memory_space<vmem>>) semaphore(%run_scoped3A : memref<!tpu.dma_semaphore, #tpu.memory_space<semaphore_mem>>) {add = true}
        %dma_wait3A_103 = arith.constant 0 : i32
        %dma_wait3A_104 = tpu.memref_slice %arg7[%mul3A_65, %dma_wait3A_103] : memref<40x128xi32, #tpu.memory_space<vmem>> -> memref<1x128xi32, #tpu.memory_space<vmem>>
        %dma_wait3A_105 = tpu.memref_squeeze %dma_wait3A_104 : memref<1x128xi32, #tpu.memory_space<vmem>> -> memref<128xi32, #tpu.memory_space<vmem>>
        %dma_wait3A_106 = arith.constant 0 : i32
        %dma_wait3A_107 = arith.constant 0 : i32
        %dma_wait3A_108 = tpu.memref_slice %arg10[%dma_wait3A_106, %dma_wait3A_107] : memref<10240x128xf32, #tpu.memory_space<vmem_shared>> -> memref<10240x128xf32, #tpu.memory_space<vmem_shared>>
        tpu.wait_indirect_dma semaphore(%run_scoped3A : memref<!tpu.dma_semaphore, #tpu.memory_space<semaphore_mem>>) src(%arg8 : memref<128x128xf32, #tpu.memory_space<vmem>>) dst(%dma_wait3A_108 : memref<10240x128xf32, #tpu.memory_space<vmem_shared>>)
        tpu.yield
      }) : () -> ()
      %add3A_81 = arith.constant 1 : i32
      %add3A_82 = arith.addi %add3A_67, %add3A_81 : i32
      %rem3A = arith.constant 40 : i32
      %rem3A_83 = arith.remsi %add3A_82, %rem3A : i32
      %dma_start3A_84 = arith.constant 0 : i32
      %dma_start3A_85 = tpu.memref_slice %arg6[%rem3A_83, %dma_start3A_84] : memref<40x128xi32, #tpu.memory_space<vmem>> -> memref<1x128xi32, #tpu.memory_space<vmem>>
      %dma_start3A_86 = tpu.memref_squeeze %dma_start3A_85 : memref<1x128xi32, #tpu.memory_space<vmem>> -> memref<128xi32, #tpu.memory_space<vmem>>
      %dma_start3A_87 = arith.constant 0 : i32
      %dma_start3A_88 = arith.constant 0 : i32
      %dma_start3A_89 = tpu.memref_slice %arg2[%dma_start3A_87, %dma_start3A_88] : memref<10240x128xf32, #tpu.memory_space<hbm>> -> memref<10240x128xf32, #tpu.memory_space<hbm>>
      tpu.enqueue_indirect_dma source(%dma_start3A_89 : memref<10240x128xf32, #tpu.memory_space<hbm>>) target(%arg8 : memref<128x128xf32, #tpu.memory_space<vmem>>) offsets(%dma_start3A_86 : memref<128xi32, #tpu.memory_space<vmem>>) semaphore(%arg11 : memref<!tpu.dma_semaphore, #tpu.memory_space<semaphore_mem>>)
      %dma_wait3A_90 = arith.constant 0 : i32
      %dma_wait3A_91 = arith.constant 0 : i32
      %dma_wait3A_92 = tpu.memref_slice %arg6[%dma_wait3A_90, %dma_wait3A_91] : memref<40x128xi32, #tpu.memory_space<vmem>> -> memref<1x128xi32, #tpu.memory_space<vmem>>
      %dma_wait3A_93 = tpu.memref_squeeze %dma_wait3A_92 : memref<1x128xi32, #tpu.memory_space<vmem>> -> memref<128xi32, #tpu.memory_space<vmem>>
      %dma_wait3A_94 = arith.constant 0 : i32
      %dma_wait3A_95 = arith.constant 0 : i32
      %dma_wait3A_96 = tpu.memref_slice %arg2[%dma_wait3A_94, %dma_wait3A_95] : memref<10240x128xf32, #tpu.memory_space<hbm>> -> memref<10240x128xf32, #tpu.memory_space<hbm>>
      tpu.wait_indirect_dma semaphore(%arg12 : memref<!tpu.dma_semaphore, #tpu.memory_space<semaphore_mem>>) src(%dma_wait3A_96 : memref<10240x128xf32, #tpu.memory_space<hbm>>) dst(%arg9 : memref<128x128xf32, #tpu.memory_space<vmem>>)
      "tpu.region"() ({
        %run_scoped3A = tpu.sem_alloc : memref<!tpu.dma_semaphore, #tpu.memory_space<semaphore_mem>>
        %dma_start3A_97 = arith.constant 0 : i32
        %dma_start3A_98 = tpu.memref_slice %arg7[%add3A_67, %dma_start3A_97] : memref<40x128xi32, #tpu.memory_space<vmem>> -> memref<1x128xi32, #tpu.memory_space<vmem>>
        %dma_start3A_99 = tpu.memref_squeeze %dma_start3A_98 : memref<1x128xi32, #tpu.memory_space<vmem>> -> memref<128xi32, #tpu.memory_space<vmem>>
        %dma_start3A_100 = arith.constant 0 : i32
        %dma_start3A_101 = arith.constant 0 : i32
        %dma_start3A_102 = tpu.memref_slice %arg10[%dma_start3A_100, %dma_start3A_101] : memref<10240x128xf32, #tpu.memory_space<vmem_shared>> -> memref<10240x128xf32, #tpu.memory_space<vmem_shared>>
        tpu.enqueue_indirect_dma source(%arg9 : memref<128x128xf32, #tpu.memory_space<vmem>>) target(%dma_start3A_102 : memref<10240x128xf32, #tpu.memory_space<vmem_shared>>) offsets(%dma_start3A_99 : memref<128xi32, #tpu.memory_space<vmem>>) semaphore(%run_scoped3A : memref<!tpu.dma_semaphore, #tpu.memory_space<semaphore_mem>>) {add = true}
        %dma_wait3A_103 = arith.constant 0 : i32
        %dma_wait3A_104 = tpu.memref_slice %arg7[%add3A_67, %dma_wait3A_103] : memref<40x128xi32, #tpu.memory_space<vmem>> -> memref<1x128xi32, #tpu.memory_space<vmem>>
        %dma_wait3A_105 = tpu.memref_squeeze %dma_wait3A_104 : memref<1x128xi32, #tpu.memory_space<vmem>> -> memref<128xi32, #tpu.memory_space<vmem>>
        %dma_wait3A_106 = arith.constant 0 : i32
        %dma_wait3A_107 = arith.constant 0 : i32
        %dma_wait3A_108 = tpu.memref_slice %arg10[%dma_wait3A_106, %dma_wait3A_107] : memref<10240x128xf32, #tpu.memory_space<vmem_shared>> -> memref<10240x128xf32, #tpu.memory_space<vmem_shared>>
        tpu.wait_indirect_dma semaphore(%run_scoped3A : memref<!tpu.dma_semaphore, #tpu.memory_space<semaphore_mem>>) src(%arg9 : memref<128x128xf32, #tpu.memory_space<vmem>>) dst(%dma_wait3A_108 : memref<10240x128xf32, #tpu.memory_space<vmem_shared>>)
        tpu.yield
      }) : () -> ()
    }
    %scan3A_31 = arith.constant 20 : i32
    %dma_wait3A = arith.constant 0 : i32
    %dma_wait3A_32 = arith.constant 0 : i32
    %dma_wait3A_33 = tpu.memref_slice %arg6[%dma_wait3A, %dma_wait3A_32] : memref<40x128xi32, #tpu.memory_space<vmem>> -> memref<1x128xi32, #tpu.memory_space<vmem>>
    %dma_wait3A_34 = tpu.memref_squeeze %dma_wait3A_33 : memref<1x128xi32, #tpu.memory_space<vmem>> -> memref<128xi32, #tpu.memory_space<vmem>>
    %dma_wait3A_35 = arith.constant 0 : i32
    %dma_wait3A_36 = arith.constant 0 : i32
    %dma_wait3A_37 = tpu.memref_slice %arg2[%dma_wait3A_35, %dma_wait3A_36] : memref<10240x128xf32, #tpu.memory_space<hbm>> -> memref<10240x128xf32, #tpu.memory_space<hbm>>
    tpu.wait_indirect_dma semaphore(%arg11 : memref<!tpu.dma_semaphore, #tpu.memory_space<semaphore_mem>>) src(%dma_wait3A_37 : memref<10240x128xf32, #tpu.memory_space<hbm>>) dst(%arg8 : memref<128x128xf32, #tpu.memory_space<vmem>>)
    %add3A_38 = arith.constant 40 : i32
    %add3A_39 = arith.addi %mul3A_19, %add3A_38 : i32
    "tpu.region"() ({
      %run_scoped3A = tpu.sem_alloc : memref<!tpu.dma_semaphore, #tpu.memory_space<semaphore_mem>>
      %dma_start3A_63 = arith.constant 0 : i32
      %dma_start3A_64 = arith.constant 0 : i32
      %dma_start3A_65 = tpu.memref_slice %arg6[%dma_start3A_63, %dma_start3A_64] : memref<40x128xi32, #tpu.memory_space<vmem>> -> memref<40x128xi32, #tpu.memory_space<vmem>>
      %dma_start3A_66 = arith.constant 0 : i32
      %dma_start3A_67 = tpu.memref_slice %arg3[%add3A_39, %dma_start3A_66] : memref<2560x128xi32, #tpu.memory_space<hbm>> -> memref<40x128xi32, #tpu.memory_space<hbm>>
      %dma_start3A_68 = arith.constant 0 : i32
      %dma_start3A_69 = arith.constant 0 : i32
      %dma_start3A_70 = tpu.memref_slice %arg6[%dma_start3A_68, %dma_start3A_69] : memref<40x128xi32, #tpu.memory_space<vmem>> -> memref<40x128xi32, #tpu.memory_space<vmem>>
      %dma_start3A_71 = arith.constant 0 : i32
      %dma_start3A_72 = tpu.memref_slice %arg3[%add3A_39, %dma_start3A_71] : memref<2560x128xi32, #tpu.memory_space<hbm>> -> memref<40x128xi32, #tpu.memory_space<hbm>>
      tpu.enqueue_dma source(%dma_start3A_72 : memref<40x128xi32, #tpu.memory_space<hbm>>) target(%dma_start3A_70 : memref<40x128xi32, #tpu.memory_space<vmem>>) target_semaphore(%run_scoped3A : memref<!tpu.dma_semaphore, #tpu.memory_space<semaphore_mem>>)
      %dma_wait3A_73 = arith.constant 0 : i32
      %dma_wait3A_74 = arith.constant 0 : i32
      %dma_wait3A_75 = tpu.memref_slice %arg6[%dma_wait3A_73, %dma_wait3A_74] : memref<40x128xi32, #tpu.memory_space<vmem>> -> memref<40x128xi32, #tpu.memory_space<vmem>>
      %dma_wait3A_76 = arith.constant 0 : i32
      %dma_wait3A_77 = tpu.memref_slice %arg3[%add3A_39, %dma_wait3A_76] : memref<2560x128xi32, #tpu.memory_space<hbm>> -> memref<40x128xi32, #tpu.memory_space<hbm>>
      %dma_wait3A_78 = arith.constant 0 : i32
      %dma_wait3A_79 = arith.constant 0 : i32
      %dma_wait3A_80 = tpu.memref_slice %arg6[%dma_wait3A_78, %dma_wait3A_79] : memref<40x128xi32, #tpu.memory_space<vmem>> -> memref<40x128xi32, #tpu.memory_space<vmem>>
      %dma_wait3A_81 = arith.constant 0 : i32
      %dma_wait3A_82 = tpu.memref_slice %arg3[%add3A_39, %dma_wait3A_81] : memref<2560x128xi32, #tpu.memory_space<hbm>> -> memref<40x128xi32, #tpu.memory_space<hbm>>
      tpu.wait_dma2 semaphore(%run_scoped3A : memref<!tpu.dma_semaphore, #tpu.memory_space<semaphore_mem>>) src(%dma_wait3A_82 : memref<40x128xi32, #tpu.memory_space<hbm>>) dst(%dma_wait3A_80 : memref<40x128xi32, #tpu.memory_space<vmem>>)
      tpu.yield
    }) : () -> ()
    "tpu.region"() ({
      %run_scoped3A = tpu.sem_alloc : memref<!tpu.dma_semaphore, #tpu.memory_space<semaphore_mem>>
      %dma_start3A_63 = arith.constant 0 : i32
      %dma_start3A_64 = arith.constant 0 : i32
      %dma_start3A_65 = tpu.memref_slice %arg7[%dma_start3A_63, %dma_start3A_64] : memref<40x128xi32, #tpu.memory_space<vmem>> -> memref<40x128xi32, #tpu.memory_space<vmem>>
      %dma_start3A_66 = arith.constant 0 : i32
      %dma_start3A_67 = tpu.memref_slice %arg4[%add3A_39, %dma_start3A_66] : memref<2560x128xi32, #tpu.memory_space<hbm>> -> memref<40x128xi32, #tpu.memory_space<hbm>>
      %dma_start3A_68 = arith.constant 0 : i32
      %dma_start3A_69 = arith.constant 0 : i32
      %dma_start3A_70 = tpu.memref_slice %arg7[%dma_start3A_68, %dma_start3A_69] : memref<40x128xi32, #tpu.memory_space<vmem>> -> memref<40x128xi32, #tpu.memory_space<vmem>>
      %dma_start3A_71 = arith.constant 0 : i32
      %dma_start3A_72 = tpu.memref_slice %arg4[%add3A_39, %dma_start3A_71] : memref<2560x128xi32, #tpu.memory_space<hbm>> -> memref<40x128xi32, #tpu.memory_space<hbm>>
      tpu.enqueue_dma source(%dma_start3A_72 : memref<40x128xi32, #tpu.memory_space<hbm>>) target(%dma_start3A_70 : memref<40x128xi32, #tpu.memory_space<vmem>>) target_semaphore(%run_scoped3A : memref<!tpu.dma_semaphore, #tpu.memory_space<semaphore_mem>>)
      %dma_wait3A_73 = arith.constant 0 : i32
      %dma_wait3A_74 = arith.constant 0 : i32
      %dma_wait3A_75 = tpu.memref_slice %arg7[%dma_wait3A_73, %dma_wait3A_74] : memref<40x128xi32, #tpu.memory_space<vmem>> -> memref<40x128xi32, #tpu.memory_space<vmem>>
      %dma_wait3A_76 = arith.constant 0 : i32
      %dma_wait3A_77 = tpu.memref_slice %arg4[%add3A_39, %dma_wait3A_76] : memref<2560x128xi32, #tpu.memory_space<hbm>> -> memref<40x128xi32, #tpu.memory_space<hbm>>
      %dma_wait3A_78 = arith.constant 0 : i32
      %dma_wait3A_79 = arith.constant 0 : i32
      %dma_wait3A_80 = tpu.memref_slice %arg7[%dma_wait3A_78, %dma_wait3A_79] : memref<40x128xi32, #tpu.memory_space<vmem>> -> memref<40x128xi32, #tpu.memory_space<vmem>>
      %dma_wait3A_81 = arith.constant 0 : i32
      %dma_wait3A_82 = tpu.memref_slice %arg4[%add3A_39, %dma_wait3A_81] : memref<2560x128xi32, #tpu.memory_space<hbm>> -> memref<40x128xi32, #tpu.memory_space<hbm>>
      tpu.wait_dma2 semaphore(%run_scoped3A : memref<!tpu.dma_semaphore, #tpu.memory_space<semaphore_mem>>) src(%dma_wait3A_82 : memref<40x128xi32, #tpu.memory_space<hbm>>) dst(%dma_wait3A_80 : memref<40x128xi32, #tpu.memory_space<vmem>>)
      tpu.yield
    }) : () -> ()
    %dma_start3A_40 = arith.constant 0 : i32
    %dma_start3A_41 = arith.constant 0 : i32
    %dma_start3A_42 = tpu.memref_slice %arg6[%dma_start3A_40, %dma_start3A_41] : memref<40x128xi32, #tpu.memory_space<vmem>> -> memref<1x128xi32, #tpu.memory_space<vmem>>
    %dma_start3A_43 = tpu.memref_squeeze %dma_start3A_42 : memref<1x128xi32, #tpu.memory_space<vmem>> -> memref<128xi32, #tpu.memory_space<vmem>>
    %dma_start3A_44 = arith.constant 0 : i32
    %dma_start3A_45 = arith.constant 0 : i32
    %dma_start3A_46 = tpu.memref_slice %arg2[%dma_start3A_44, %dma_start3A_45] : memref<10240x128xf32, #tpu.memory_space<hbm>> -> memref<10240x128xf32, #tpu.memory_space<hbm>>
    tpu.enqueue_indirect_dma source(%dma_start3A_46 : memref<10240x128xf32, #tpu.memory_space<hbm>>) target(%arg8 : memref<128x128xf32, #tpu.memory_space<vmem>>) offsets(%dma_start3A_43 : memref<128xi32, #tpu.memory_space<vmem>>) semaphore(%arg11 : memref<!tpu.dma_semaphore, #tpu.memory_space<semaphore_mem>>)
    %scan3A_47 = arith.constant 0 : i32
    %scan3A_48 = arith.constant 0 : i32
    %scan3A_49 = arith.constant 20 : i32
    %scan3A_50 = arith.addi %scan3A_48, %scan3A_49 : i32
    %scan3A_51 = arith.constant 1 : i32
    scf.for %scan3A_63 = %scan3A_48 to %scan3A_50 step %scan3A_51  : i32 {
      %mul3A_64 = arith.constant 2 : i32
      %mul3A_65 = arith.muli %mul3A_64, %scan3A_63 : i32
      %add3A_66 = arith.constant 1 : i32
      %add3A_67 = arith.addi %mul3A_65, %add3A_66 : i32
      %dma_start3A_68 = arith.constant 0 : i32
      %dma_start3A_69 = tpu.memref_slice %arg6[%add3A_67, %dma_start3A_68] : memref<40x128xi32, #tpu.memory_space<vmem>> -> memref<1x128xi32, #tpu.memory_space<vmem>>
      %dma_start3A_70 = tpu.memref_squeeze %dma_start3A_69 : memref<1x128xi32, #tpu.memory_space<vmem>> -> memref<128xi32, #tpu.memory_space<vmem>>
      %dma_start3A_71 = arith.constant 0 : i32
      %dma_start3A_72 = arith.constant 0 : i32
      %dma_start3A_73 = tpu.memref_slice %arg2[%dma_start3A_71, %dma_start3A_72] : memref<10240x128xf32, #tpu.memory_space<hbm>> -> memref<10240x128xf32, #tpu.memory_space<hbm>>
      tpu.enqueue_indirect_dma source(%dma_start3A_73 : memref<10240x128xf32, #tpu.memory_space<hbm>>) target(%arg9 : memref<128x128xf32, #tpu.memory_space<vmem>>) offsets(%dma_start3A_70 : memref<128xi32, #tpu.memory_space<vmem>>) semaphore(%arg12 : memref<!tpu.dma_semaphore, #tpu.memory_space<semaphore_mem>>)
      %dma_wait3A_74 = arith.constant 0 : i32
      %dma_wait3A_75 = arith.constant 0 : i32
      %dma_wait3A_76 = tpu.memref_slice %arg6[%dma_wait3A_74, %dma_wait3A_75] : memref<40x128xi32, #tpu.memory_space<vmem>> -> memref<1x128xi32, #tpu.memory_space<vmem>>
      %dma_wait3A_77 = tpu.memref_squeeze %dma_wait3A_76 : memref<1x128xi32, #tpu.memory_space<vmem>> -> memref<128xi32, #tpu.memory_space<vmem>>
      %dma_wait3A_78 = arith.constant 0 : i32
      %dma_wait3A_79 = arith.constant 0 : i32
      %dma_wait3A_80 = tpu.memref_slice %arg2[%dma_wait3A_78, %dma_wait3A_79] : memref<10240x128xf32, #tpu.memory_space<hbm>> -> memref<10240x128xf32, #tpu.memory_space<hbm>>
      tpu.wait_indirect_dma semaphore(%arg11 : memref<!tpu.dma_semaphore, #tpu.memory_space<semaphore_mem>>) src(%dma_wait3A_80 : memref<10240x128xf32, #tpu.memory_space<hbm>>) dst(%arg8 : memref<128x128xf32, #tpu.memory_space<vmem>>)
      "tpu.region"() ({
        %run_scoped3A = tpu.sem_alloc : memref<!tpu.dma_semaphore, #tpu.memory_space<semaphore_mem>>
        %dma_start3A_97 = arith.constant 0 : i32
        %dma_start3A_98 = tpu.memref_slice %arg7[%mul3A_65, %dma_start3A_97] : memref<40x128xi32, #tpu.memory_space<vmem>> -> memref<1x128xi32, #tpu.memory_space<vmem>>
        %dma_start3A_99 = tpu.memref_squeeze %dma_start3A_98 : memref<1x128xi32, #tpu.memory_space<vmem>> -> memref<128xi32, #tpu.memory_space<vmem>>
        %dma_start3A_100 = arith.constant 0 : i32
        %dma_start3A_101 = arith.constant 0 : i32
        %dma_start3A_102 = tpu.memref_slice %arg10[%dma_start3A_100, %dma_start3A_101] : memref<10240x128xf32, #tpu.memory_space<vmem_shared>> -> memref<10240x128xf32, #tpu.memory_space<vmem_shared>>
        tpu.enqueue_indirect_dma source(%arg8 : memref<128x128xf32, #tpu.memory_space<vmem>>) target(%dma_start3A_102 : memref<10240x128xf32, #tpu.memory_space<vmem_shared>>) offsets(%dma_start3A_99 : memref<128xi32, #tpu.memory_space<vmem>>) semaphore(%run_scoped3A : memref<!tpu.dma_semaphore, #tpu.memory_space<semaphore_mem>>) {add = true}
        %dma_wait3A_103 = arith.constant 0 : i32
        %dma_wait3A_104 = tpu.memref_slice %arg7[%mul3A_65, %dma_wait3A_103] : memref<40x128xi32, #tpu.memory_space<vmem>> -> memref<1x128xi32, #tpu.memory_space<vmem>>
        %dma_wait3A_105 = tpu.memref_squeeze %dma_wait3A_104 : memref<1x128xi32, #tpu.memory_space<vmem>> -> memref<128xi32, #tpu.memory_space<vmem>>
        %dma_wait3A_106 = arith.constant 0 : i32
        %dma_wait3A_107 = arith.constant 0 : i32
        %dma_wait3A_108 = tpu.memref_slice %arg10[%dma_wait3A_106, %dma_wait3A_107] : memref<10240x128xf32, #tpu.memory_space<vmem_shared>> -> memref<10240x128xf32, #tpu.memory_space<vmem_shared>>
        tpu.wait_indirect_dma semaphore(%run_scoped3A : memref<!tpu.dma_semaphore, #tpu.memory_space<semaphore_mem>>) src(%arg8 : memref<128x128xf32, #tpu.memory_space<vmem>>) dst(%dma_wait3A_108 : memref<10240x128xf32, #tpu.memory_space<vmem_shared>>)
        tpu.yield
      }) : () -> ()
      %add3A_81 = arith.constant 1 : i32
      %add3A_82 = arith.addi %add3A_67, %add3A_81 : i32
      %rem3A = arith.constant 40 : i32
      %rem3A_83 = arith.remsi %add3A_82, %rem3A : i32
      %dma_start3A_84 = arith.constant 0 : i32
      %dma_start3A_85 = tpu.memref_slice %arg6[%rem3A_83, %dma_start3A_84] : memref<40x128xi32, #tpu.memory_space<vmem>> -> memref<1x128xi32, #tpu.memory_space<vmem>>
      %dma_start3A_86 = tpu.memref_squeeze %dma_start3A_85 : memref<1x128xi32, #tpu.memory_space<vmem>> -> memref<128xi32, #tpu.memory_space<vmem>>
      %dma_start3A_87 = arith.constant 0 : i32
      %dma_start3A_88 = arith.constant 0 : i32
      %dma_start3A_89 = tpu.memref_slice %arg2[%dma_start3A_87, %dma_start3A_88] : memref<10240x128xf32, #tpu.memory_space<hbm>> -> memref<10240x128xf32, #tpu.memory_space<hbm>>
      tpu.enqueue_indirect_dma source(%dma_start3A_89 : memref<10240x128xf32, #tpu.memory_space<hbm>>) target(%arg8 : memref<128x128xf32, #tpu.memory_space<vmem>>) offsets(%dma_start3A_86 : memref<128xi32, #tpu.memory_space<vmem>>) semaphore(%arg11 : memref<!tpu.dma_semaphore, #tpu.memory_space<semaphore_mem>>)
      %dma_wait3A_90 = arith.constant 0 : i32
      %dma_wait3A_91 = arith.constant 0 : i32
      %dma_wait3A_92 = tpu.memref_slice %arg6[%dma_wait3A_90, %dma_wait3A_91] : memref<40x128xi32, #tpu.memory_space<vmem>> -> memref<1x128xi32, #tpu.memory_space<vmem>>
      %dma_wait3A_93 = tpu.memref_squeeze %dma_wait3A_92 : memref<1x128xi32, #tpu.memory_space<vmem>> -> memref<128xi32, #tpu.memory_space<vmem>>
      %dma_wait3A_94 = arith.constant 0 : i32
      %dma_wait3A_95 = arith.constant 0 : i32
      %dma_wait3A_96 = tpu.memref_slice %arg2[%dma_wait3A_94, %dma_wait3A_95] : memref<10240x128xf32, #tpu.memory_space<hbm>> -> memref<10240x128xf32, #tpu.memory_space<hbm>>
      tpu.wait_indirect_dma semaphore(%arg12 : memref<!tpu.dma_semaphore, #tpu.memory_space<semaphore_mem>>) src(%dma_wait3A_96 : memref<10240x128xf32, #tpu.memory_space<hbm>>) dst(%arg9 : memref<128x128xf32, #tpu.memory_space<vmem>>)
      "tpu.region"() ({
        %run_scoped3A = tpu.sem_alloc : memref<!tpu.dma_semaphore, #tpu.memory_space<semaphore_mem>>
        %dma_start3A_97 = arith.constant 0 : i32
        %dma_start3A_98 = tpu.memref_slice %arg7[%add3A_67, %dma_start3A_97] : memref<40x128xi32, #tpu.memory_space<vmem>> -> memref<1x128xi32, #tpu.memory_space<vmem>>
        %dma_start3A_99 = tpu.memref_squeeze %dma_start3A_98 : memref<1x128xi32, #tpu.memory_space<vmem>> -> memref<128xi32, #tpu.memory_space<vmem>>
        %dma_start3A_100 = arith.constant 0 : i32
        %dma_start3A_101 = arith.constant 0 : i32
        %dma_start3A_102 = tpu.memref_slice %arg10[%dma_start3A_100, %dma_start3A_101] : memref<10240x128xf32, #tpu.memory_space<vmem_shared>> -> memref<10240x128xf32, #tpu.memory_space<vmem_shared>>
        tpu.enqueue_indirect_dma source(%arg9 : memref<128x128xf32, #tpu.memory_space<vmem>>) target(%dma_start3A_102 : memref<10240x128xf32, #tpu.memory_space<vmem_shared>>) offsets(%dma_start3A_99 : memref<128xi32, #tpu.memory_space<vmem>>) semaphore(%run_scoped3A : memref<!tpu.dma_semaphore, #tpu.memory_space<semaphore_mem>>) {add = true}
        %dma_wait3A_103 = arith.constant 0 : i32
        %dma_wait3A_104 = tpu.memref_slice %arg7[%add3A_67, %dma_wait3A_103] : memref<40x128xi32, #tpu.memory_space<vmem>> -> memref<1x128xi32, #tpu.memory_space<vmem>>
        %dma_wait3A_105 = tpu.memref_squeeze %dma_wait3A_104 : memref<1x128xi32, #tpu.memory_space<vmem>> -> memref<128xi32, #tpu.memory_space<vmem>>
        %dma_wait3A_106 = arith.constant 0 : i32
        %dma_wait3A_107 = arith.constant 0 : i32
        %dma_wait3A_108 = tpu.memref_slice %arg10[%dma_wait3A_106, %dma_wait3A_107] : memref<10240x128xf32, #tpu.memory_space<vmem_shared>> -> memref<10240x128xf32, #tpu.memory_space<vmem_shared>>
        tpu.wait_indirect_dma semaphore(%run_scoped3A : memref<!tpu.dma_semaphore, #tpu.memory_space<semaphore_mem>>) src(%arg9 : memref<128x128xf32, #tpu.memory_space<vmem>>) dst(%dma_wait3A_108 : memref<10240x128xf32, #tpu.memory_space<vmem_shared>>)
        tpu.yield
      }) : () -> ()
    }
    %scan3A_52 = arith.constant 20 : i32
    %dma_wait3A_53 = arith.constant 0 : i32
    %dma_wait3A_54 = arith.constant 0 : i32
    %dma_wait3A_55 = tpu.memref_slice %arg6[%dma_wait3A_53, %dma_wait3A_54] : memref<40x128xi32, #tpu.memory_space<vmem>> -> memref<1x128xi32, #tpu.memory_space<vmem>>
    %dma_wait3A_56 = tpu.memref_squeeze %dma_wait3A_55 : memref<1x128xi32, #tpu.memory_space<vmem>> -> memref<128xi32, #tpu.memory_space<vmem>>
    %dma_wait3A_57 = arith.constant 0 : i32
    %dma_wait3A_58 = arith.constant 0 : i32
    %dma_wait3A_59 = tpu.memref_slice %arg2[%dma_wait3A_57, %dma_wait3A_58] : memref<10240x128xf32, #tpu.memory_space<hbm>> -> memref<10240x128xf32, #tpu.memory_space<hbm>>
    tpu.wait_indirect_dma semaphore(%arg11 : memref<!tpu.dma_semaphore, #tpu.memory_space<semaphore_mem>>) src(%dma_wait3A_59 : memref<10240x128xf32, #tpu.memory_space<hbm>>) dst(%arg8 : memref<128x128xf32, #tpu.memory_space<vmem>>)
    %add3A_60 = arith.constant 40 : i32
    %add3A_61 = arith.addi %add3A_39, %add3A_60 : i32
    %barrier3A_62 = arith.constant 0 : index
    tpu.barrier barrier_id(%barrier3A_62)
    "tpu.region"() ({
      %run_scoped3A = tpu.sem_alloc : memref<!tpu.dma_semaphore, #tpu.memory_space<semaphore_mem>>
      %dma_start3A_63 = arith.constant 0 : i32
      %dma_start3A_64 = tpu.memref_slice %arg5[%arg0, %mul3A_0, %dma_start3A_63] : memref<2x10240x128xf32, #tpu.memory_space<hbm>> -> memref<1x640x128xf32, #tpu.memory_space<hbm>>
      %dma_start3A_65 = tpu.memref_squeeze %dma_start3A_64 : memref<1x640x128xf32, #tpu.memory_space<hbm>> -> memref<640x128xf32, #tpu.memory_space<hbm>>
      %dma_start3A_66 = arith.constant 0 : i32
      %dma_start3A_67 = tpu.memref_slice %arg10[%mul3A_0, %dma_start3A_66] : memref<10240x128xf32, #tpu.memory_space<vmem_shared>> -> memref<640x128xf32, #tpu.memory_space<vmem_shared>>
      tpu.enqueue_dma source(%dma_start3A_67 : memref<640x128xf32, #tpu.memory_space<vmem_shared>>) target(%dma_start3A_65 : memref<640x128xf32, #tpu.memory_space<hbm>>) target_semaphore(%run_scoped3A : memref<!tpu.dma_semaphore, #tpu.memory_space<semaphore_mem>>)
      %dma_wait3A_68 = arith.constant 0 : i32
      %dma_wait3A_69 = tpu.memref_slice %arg5[%arg0, %mul3A_0, %dma_wait3A_68] : memref<2x10240x128xf32, #tpu.memory_space<hbm>> -> memref<1x640x128xf32, #tpu.memory_space<hbm>>
      %dma_wait3A_70 = tpu.memref_squeeze %dma_wait3A_69 : memref<1x640x128xf32, #tpu.memory_space<hbm>> -> memref<640x128xf32, #tpu.memory_space<hbm>>
      %dma_wait3A_71 = arith.constant 0 : i32
      %dma_wait3A_72 = tpu.memref_slice %arg10[%mul3A_0, %dma_wait3A_71] : memref<10240x128xf32, #tpu.memory_space<vmem_shared>> -> memref<640x128xf32, #tpu.memory_space<vmem_shared>>
      tpu.wait_dma2 semaphore(%run_scoped3A : memref<!tpu.dma_semaphore, #tpu.memory_space<semaphore_mem>>) src(%dma_wait3A_72 : memref<640x128xf32, #tpu.memory_space<vmem_shared>>) dst(%dma_wait3A_70 : memref<640x128xf32, #tpu.memory_space<hbm>>)
      tpu.yield
    }) : () -> ()
    return
  }
}

module attributes {stable_mosaic.version = 14 : i64} {
  func.func @_mm_body(%arg0: i32, %arg1: memref<1000x128xf32, #tpu.memory_space<vmem>>, %arg2: memref<128x128xf32, #tpu.memory_space<vmem>>, %arg3: memref<1000x128xf32, #tpu.memory_space<vmem>>) attributes {dimension_semantics = [#tpu.dimension_semantics<arbitrary>], iteration_bounds = array<i64: 10>, scalar_prefetch = 0 : i64, scratch_operands = 0 : i64, tpu.core_type = #tpu.core_type<tc>, window_params = [{transform_indices = @transform_0, window_bounds = array<i64: 1000, 128>}, {pipeline_mode = #tpu.pipeline_mode<synchronous>, transform_indices = @transform_1, window_bounds = array<i64: 128, 128>}, {transform_indices = @transform_2, window_bounds = array<i64: 1000, 128>}]} {
    %get3A = arith.constant 0 : index
    %get3A_0 = arith.constant 0 : index
    %get3A_1 = vector.load %arg1[%get3A, %get3A_0] : memref<1000x128xf32, #tpu.memory_space<vmem>>, vector<1000x128xf32>
    %get3A_2 = arith.constant 0 : index
    %get3A_3 = arith.constant 0 : index
    %get3A_4 = vector.load %arg2[%get3A_2, %get3A_3] : memref<128x128xf32, #tpu.memory_space<vmem>>, vector<128x128xf32>
    %dot_general3A = arith.constant dense<0.000000e+00> : vector<1000x128xf32>
    %dot_general3A_5 = tpu.matmul %get3A_1, %get3A_4, %dot_general3A {dimension_numbers = #tpu.dot_dimension_numbers<[1], [0], [0], [1], [0, 0, 1, 1], [], []>, transpose_lhs_hint = false} : vector<1000x128xf32>, vector<128x128xf32>, vector<1000x128xf32> -> vector<1000x128xf32>
    %swap3A = arith.constant 0 : index
    %swap3A_6 = arith.constant 0 : index
    %swap3A_7 = vector.load %arg3[%swap3A, %swap3A_6] : memref<1000x128xf32, #tpu.memory_space<vmem>>, vector<1000x128xf32>
    tpu.vector_store %arg3[%swap3A, %swap3A_6], %dot_general3A_5 {strides = array<i32>} : memref<1000x128xf32, #tpu.memory_space<vmem>>, vector<1000x128xf32>,
    return
  }
  func.func @transform_0(%arg0: i32) -> (i32, i32) {
    %c0_i32 = arith.constant 0 : i32
    %c0_i32_0 = arith.constant 0 : i32
    return %arg0, %c0_i32 : i32, i32
  }
  func.func @transform_1(%arg0: i32) -> (i32, i32) {
    %c0_i32 = arith.constant 0 : i32
    %c0_i32_0 = arith.constant 0 : i32
    %c0_i32_1 = arith.constant 0 : i32
    return %c0_i32, %c0_i32_0 : i32, i32
  }
  func.func @transform_2(%arg0: i32) -> (i32, i32) {
    %c0_i32 = arith.constant 0 : i32
    %c0_i32_0 = arith.constant 0 : i32
    return %arg0, %c0_i32 : i32, i32
  }
}

module attributes {stable_mosaic.version = 14 : i64} {
  func.func @_combine1_body(%arg0: i32, %arg1: memref<2x1024x128xf32, #tpu.memory_space<vmem>>, %arg2: memref<2x1024xf32, #tpu.memory_space<vmem>>, %arg3: memref<1x128xf32, #tpu.memory_space<vmem>>, %arg4: memref<128x128xf32, #tpu.memory_space<vmem>>, %arg5: memref<1024x128xf32, #tpu.memory_space<vmem>>) attributes {dimension_semantics = [#tpu.dimension_semantics<arbitrary>], iteration_bounds = array<i64: 10>, scalar_prefetch = 0 : i64, scratch_operands = 0 : i64, tpu.core_type = #tpu.core_type<tc>, window_params = [{transform_indices = @transform_0, window_bounds = array<i64: 2, 1024, 128>}, {transform_indices = @transform_1, window_bounds = array<i64: 2, 1024>}, {pipeline_mode = #tpu.pipeline_mode<synchronous>, transform_indices = @transform_2, window_bounds = array<i64: 1, 128>}, {pipeline_mode = #tpu.pipeline_mode<synchronous>, transform_indices = @transform_3, window_bounds = array<i64: 128, 128>}, {transform_indices = @transform_4, window_bounds = array<i64: 1024, 128>}]} {
    %get3A = arith.constant 0 : index
    %get3A_0 = arith.constant 0 : index
    %get3A_1 = arith.constant 0 : index
    %get3A_2 = vector.load %arg1[%get3A, %get3A_0, %get3A_1] : memref<2x1024x128xf32, #tpu.memory_space<vmem>>, vector<1x1024x128xf32>
    %get3A_3 = vector.shape_cast %get3A_2 : vector<1x1024x128xf32> to vector<1024x128xf32>
    %get3A_4 = arith.constant 1 : index
    %get3A_5 = arith.constant 0 : index
    %get3A_6 = arith.constant 0 : index
    %get3A_7 = vector.load %arg1[%get3A_4, %get3A_5, %get3A_6] : memref<2x1024x128xf32, #tpu.memory_space<vmem>>, vector<1x1024x128xf32>
    %get3A_8 = vector.shape_cast %get3A_7 : vector<1x1024x128xf32> to vector<1024x128xf32>
    %add3A = arith.addf %get3A_3, %get3A_8 : vector<1024x128xf32>
    %get3A_9 = arith.constant 0 : index
    %get3A_10 = arith.constant 0 : index
    %get3A_11 = vector.load %arg2[%get3A_9, %get3A_10] : memref<2x1024xf32, #tpu.memory_space<vmem>>, vector<1x1024xf32>
    %get3A_12 = arith.constant 1 : index
    %get3A_13 = arith.constant 0 : index
    %get3A_14 = vector.load %arg2[%get3A_12, %get3A_13] : memref<2x1024xf32, #tpu.memory_space<vmem>>, vector<1x1024xf32>
    %add3A_15 = arith.addf %get3A_11, %get3A_14 : vector<1x1024xf32>
    %max3A = arith.constant 1.000000e+00 : f32
    %max3A_16 = vector.broadcast %max3A : f32 to vector<1x1024xf32>
    %max3A_17 = arith.maximumf %add3A_15, %max3A_16 : vector<1x1024xf32>
    %div3A = arith.constant 1.000000e+00 : f32
    %div3A_18 = vector.broadcast %div3A : f32 to vector<1x1024xf32>
    %div3A_19 = arith.divf %div3A_18, %max3A_17 : vector<1x1024xf32>
    %transpose3A = tpu.transpose %div3A_19, [1, 0] : vector<1x1024xf32> -> vector<1024x1xf32>
    %mul3A = vector.broadcast %transpose3A : vector<1024x1xf32> to vector<1024x128xf32>
    %mul3A_20 = arith.mulf %add3A, %mul3A : vector<1024x128xf32>
    %get3A_21 = arith.constant 0 : index
    %get3A_22 = arith.constant 0 : index
    %get3A_23 = vector.load %arg3[%get3A_21, %get3A_22] : memref<1x128xf32, #tpu.memory_space<vmem>>, vector<1x128xf32>
    %add3A_24 = vector.broadcast %get3A_23 : vector<1x128xf32> to vector<1024x128xf32>
    %add3A_25 = arith.addf %mul3A_20, %add3A_24 : vector<1024x128xf32>
    %max3A_26 = arith.constant 0.000000e+00 : f32
    %max3A_27 = vector.broadcast %max3A_26 : f32 to vector<1024x128xf32>
    %max3A_28 = arith.maximumf %add3A_25, %max3A_27 : vector<1024x128xf32>
    %get3A_29 = arith.constant 0 : index
    %get3A_30 = arith.constant 0 : index
    %get3A_31 = vector.load %arg4[%get3A_29, %get3A_30] : memref<128x128xf32, #tpu.memory_space<vmem>>, vector<128x128xf32>
    %dot_general3A = arith.constant dense<0.000000e+00> : vector<1024x128xf32>
    %dot_general3A_32 = tpu.matmul %max3A_28, %get3A_31, %dot_general3A {dimension_numbers = #tpu.dot_dimension_numbers<[1], [0], [0], [1], [0, 0, 1, 1], [], []>, transpose_lhs_hint = false} : vector<1024x128xf32>, vector<128x128xf32>, vector<1024x128xf32> -> vector<1024x128xf32>
    %swap3A = arith.constant 0 : index
    %swap3A_33 = arith.constant 0 : index
    %swap3A_34 = vector.load %arg5[%swap3A, %swap3A_33] : memref<1024x128xf32, #tpu.memory_space<vmem>>, vector<1024x128xf32>
    tpu.vector_store %arg5[%swap3A, %swap3A_33], %dot_general3A_32 {strides = array<i32>} : memref<1024x128xf32, #tpu.memory_space<vmem>>, vector<1024x128xf32>,
    return
  }
  func.func @transform_0(%arg0: i32) -> (i32, i32, i32) {
    %c0_i32 = arith.constant 0 : i32
    %c0_i32_0 = arith.constant 0 : i32
    %c0_i32_1 = arith.constant 0 : i32
    return %c0_i32, %arg0, %c0_i32_0 : i32, i32, i32
  }
  func.func @transform_1(%arg0: i32) -> (i32, i32) {
    %c0_i32 = arith.constant 0 : i32
    %c0_i32_0 = arith.constant 0 : i32
    return %c0_i32, %arg0 : i32, i32
  }
  func.func @transform_2(%arg0: i32) -> (i32, i32) {
    %c0_i32 = arith.constant 0 : i32
    %c0_i32_0 = arith.constant 0 : i32
    %c0_i32_1 = arith.constant 0 : i32
    return %c0_i32, %c0_i32_0 : i32, i32
  }
  func.func @transform_3(%arg0: i32) -> (i32, i32) {
    %c0_i32 = arith.constant 0 : i32
    %c0_i32_0 = arith.constant 0 : i32
    %c0_i32_1 = arith.constant 0 : i32
    return %c0_i32, %c0_i32_0 : i32, i32
  }
  func.func @transform_4(%arg0: i32) -> (i32, i32) {
    %c0_i32 = arith.constant 0 : i32
    %c0_i32_0 = arith.constant 0 : i32
    return %arg0, %c0_i32 : i32, i32
  }
}

module attributes {stable_mosaic.version = 14 : i64} {
  func.func @_final_body(%arg0: i32, %arg1: memref<2x1024x128xf32, #tpu.memory_space<vmem>>, %arg2: memref<2x1024xf32, #tpu.memory_space<vmem>>, %arg3: memref<1x128xf32, #tpu.memory_space<vmem>>, %arg4: memref<128x64xf32, #tpu.memory_space<vmem>>, %arg5: memref<1x64xf32, #tpu.memory_space<vmem>>, %arg6: memref<1024x64xf32, #tpu.memory_space<vmem>>) attributes {dimension_semantics = [#tpu.dimension_semantics<arbitrary>], iteration_bounds = array<i64: 10>, scalar_prefetch = 0 : i64, scratch_operands = 0 : i64, tpu.core_type = #tpu.core_type<tc>, window_params = [{transform_indices = @transform_0, window_bounds = array<i64: 2, 1024, 128>}, {transform_indices = @transform_1, window_bounds = array<i64: 2, 1024>}, {pipeline_mode = #tpu.pipeline_mode<synchronous>, transform_indices = @transform_2, window_bounds = array<i64: 1, 128>}, {pipeline_mode = #tpu.pipeline_mode<synchronous>, transform_indices = @transform_3, window_bounds = array<i64: 128, 64>}, {pipeline_mode = #tpu.pipeline_mode<synchronous>, transform_indices = @transform_4, window_bounds = array<i64: 1, 64>}, {transform_indices = @transform_5, window_bounds = array<i64: 1024, 64>}]} {
    %get3A = arith.constant 0 : index
    %get3A_0 = arith.constant 0 : index
    %get3A_1 = arith.constant 0 : index
    %get3A_2 = vector.load %arg1[%get3A, %get3A_0, %get3A_1] : memref<2x1024x128xf32, #tpu.memory_space<vmem>>, vector<1x1024x128xf32>
    %get3A_3 = vector.shape_cast %get3A_2 : vector<1x1024x128xf32> to vector<1024x128xf32>
    %get3A_4 = arith.constant 1 : index
    %get3A_5 = arith.constant 0 : index
    %get3A_6 = arith.constant 0 : index
    %get3A_7 = vector.load %arg1[%get3A_4, %get3A_5, %get3A_6] : memref<2x1024x128xf32, #tpu.memory_space<vmem>>, vector<1x1024x128xf32>
    %get3A_8 = vector.shape_cast %get3A_7 : vector<1x1024x128xf32> to vector<1024x128xf32>
    %add3A = arith.addf %get3A_3, %get3A_8 : vector<1024x128xf32>
    %get3A_9 = arith.constant 0 : index
    %get3A_10 = arith.constant 0 : index
    %get3A_11 = vector.load %arg2[%get3A_9, %get3A_10] : memref<2x1024xf32, #tpu.memory_space<vmem>>, vector<1x1024xf32>
    %get3A_12 = arith.constant 1 : index
    %get3A_13 = arith.constant 0 : index
    %get3A_14 = vector.load %arg2[%get3A_12, %get3A_13] : memref<2x1024xf32, #tpu.memory_space<vmem>>, vector<1x1024xf32>
    %add3A_15 = arith.addf %get3A_11, %get3A_14 : vector<1x1024xf32>
    %max3A = arith.constant 1.000000e+00 : f32
    %max3A_16 = vector.broadcast %max3A : f32 to vector<1x1024xf32>
    %max3A_17 = arith.maximumf %add3A_15, %max3A_16 : vector<1x1024xf32>
    %div3A = arith.constant 1.000000e+00 : f32
    %div3A_18 = vector.broadcast %div3A : f32 to vector<1x1024xf32>
    %div3A_19 = arith.divf %div3A_18, %max3A_17 : vector<1x1024xf32>
    %transpose3A = tpu.transpose %div3A_19, [1, 0] : vector<1x1024xf32> -> vector<1024x1xf32>
    %mul3A = vector.broadcast %transpose3A : vector<1024x1xf32> to vector<1024x128xf32>
    %mul3A_20 = arith.mulf %add3A, %mul3A : vector<1024x128xf32>
    %get3A_21 = arith.constant 0 : index
    %get3A_22 = arith.constant 0 : index
    %get3A_23 = vector.load %arg3[%get3A_21, %get3A_22] : memref<1x128xf32, #tpu.memory_space<vmem>>, vector<1x128xf32>
    %add3A_24 = vector.broadcast %get3A_23 : vector<1x128xf32> to vector<1024x128xf32>
    %add3A_25 = arith.addf %mul3A_20, %add3A_24 : vector<1024x128xf32>
    %get3A_26 = arith.constant 0 : index
    %get3A_27 = arith.constant 0 : index
    %get3A_28 = vector.load %arg4[%get3A_26, %get3A_27] : memref<128x64xf32, #tpu.memory_space<vmem>>, vector<128x64xf32>
    %dot_general3A = arith.constant dense<0.000000e+00> : vector<1024x64xf32>
    %dot_general3A_29 = tpu.matmul %add3A_25, %get3A_28, %dot_general3A {dimension_numbers = #tpu.dot_dimension_numbers<[1], [0], [0], [1], [0, 0, 1, 1], [], []>, transpose_lhs_hint = false} : vector<1024x128xf32>, vector<128x64xf32>, vector<1024x64xf32> -> vector<1024x64xf32>
    %get3A_30 = arith.constant 0 : index
    %get3A_31 = arith.constant 0 : index
    %get3A_32 = vector.load %arg5[%get3A_30, %get3A_31] : memref<1x64xf32, #tpu.memory_space<vmem>>, vector<1x64xf32>
    %add3A_33 = vector.broadcast %get3A_32 : vector<1x64xf32> to vector<1024x64xf32>
    %add3A_34 = arith.addf %dot_general3A_29, %add3A_33 : vector<1024x64xf32>
    %reduce_max3A = arith.constant dense<0xFF800000> : vector<1024xf32>
    %reduce_max3A_35 = vector.multi_reduction <maximumf>, %add3A_34, %reduce_max3A [1] : vector<1024x64xf32> to vector<1024xf32>
    %broadcast_in_dim3A = vector.shape_cast %reduce_max3A_35 : vector<1024xf32> to vector<1024x1xf32>
    %sub3A = vector.broadcast %broadcast_in_dim3A : vector<1024x1xf32> to vector<1024x64xf32>
    %sub3A_36 = arith.subf %add3A_34, %sub3A : vector<1024x64xf32>
    %exp3A = math.exp %sub3A_36 : vector<1024x64xf32>
    %sub3A_37 = vector.broadcast %broadcast_in_dim3A : vector<1024x1xf32> to vector<1024x64xf32>
    %sub3A_38 = arith.subf %add3A_34, %sub3A_37 : vector<1024x64xf32>
    %reduce_sum3A = arith.constant dense<0.000000e+00> : vector<1024xf32>
    %reduce_sum3A_39 = vector.multi_reduction <add>, %exp3A, %reduce_sum3A [1] : vector<1024x64xf32> to vector<1024xf32>
    %broadcast_in_dim3A_40 = vector.shape_cast %reduce_sum3A_39 : vector<1024xf32> to vector<1024x1xf32>
    %log3A = math.log %broadcast_in_dim3A_40 : vector<1024x1xf32>
    %sub3A_41 = vector.broadcast %log3A : vector<1024x1xf32> to vector<1024x64xf32>
    %sub3A_42 = arith.subf %sub3A_38, %sub3A_41 : vector<1024x64xf32>
    %swap3A = arith.constant 0 : index
    %swap3A_43 = arith.constant 0 : index
    %swap3A_44 = vector.load %arg6[%swap3A, %swap3A_43] : memref<1024x64xf32, #tpu.memory_space<vmem>>, vector<1024x64xf32>
    tpu.vector_store %arg6[%swap3A, %swap3A_43], %sub3A_42 {strides = array<i32>} : memref<1024x64xf32, #tpu.memory_space<vmem>>, vector<1024x64xf32>,
    return
  }
  func.func @transform_0(%arg0: i32) -> (i32, i32, i32) {
    %c0_i32 = arith.constant 0 : i32
    %c0_i32_0 = arith.constant 0 : i32
    %c0_i32_1 = arith.constant 0 : i32
    return %c0_i32, %arg0, %c0_i32_0 : i32, i32, i32
  }
  func.func @transform_1(%arg0: i32) -> (i32, i32) {
    %c0_i32 = arith.constant 0 : i32
    %c0_i32_0 = arith.constant 0 : i32
    return %c0_i32, %arg0 : i32, i32
  }
  func.func @transform_2(%arg0: i32) -> (i32, i32) {
    %c0_i32 = arith.constant 0 : i32
    %c0_i32_0 = arith.constant 0 : i32
    %c0_i32_1 = arith.constant 0 : i32
    return %c0_i32, %c0_i32_0 : i32, i32
  }
  func.func @transform_3(%arg0: i32) -> (i32, i32) {
    %c0_i32 = arith.constant 0 : i32
    %c0_i32_0 = arith.constant 0 : i32
    %c0_i32_1 = arith.constant 0 : i32
    return %c0_i32, %c0_i32_0 : i32, i32
  }
  func.func @transform_4(%arg0: i32) -> (i32, i32) {
    %c0_i32 = arith.constant 0 : i32
    %c0_i32_0 = arith.constant 0 : i32
    %c0_i32_1 = arith.constant 0 : i32
    return %c0_i32, %c0_i32_0 : i32, i32
  }
  func.func @transform_5(%arg0: i32) -> (i32, i32) {
    %c0_i32 = arith.constant 0 : i32
    %c0_i32_0 = arith.constant 0 : i32
    return %arg0, %c0_i32 : i32, i32
  }
}

</mosaic_0001>

<sc_bundles>
// kernel: kernel.11.cloned.1.call-start
scs
__scs_entry_jumppad:
0x0: {  	(pc) =	sbr.rel $0x88, $3  }
0x1: {  	(tag) =	ssettag $0x0;
	lr =	simm.s32 $0x1  }
0x2: {  	[smem:$0x3F99] =	sst lr;
	_ =	strace $0xD0000000  }
0x3: {  	_ = 	snop  }
0x4: {  	_ = 	snop  }
0x5: {  	_ = 	snop  }
0x6: {  	_ = 	snop  }
0x7: {  	_ = 	snop  }
__scs_overlays_trampoline_lowered:
0x8: {  	[smem:$0x3FA8] =	sst s0  }
0x9: {  	[smem:$0x3FA9] =	sst s1  }
0xa: {  	[smem:$0x3FAA] =	sst s2  }
0xb: {  	[smem:$0x3FAB] =	sst s3  }
0xc: {  	[smem:$0x3FAC] =	sst s4  }
0xd: {  	[smem:$0x3FAD] =	sst s5  }
0xe: {  	[smem:$0x3FAE] =	sst s6  }
0xf: {  	[smem:$0x3FAF] =	sst s7  }
0x10: {  	[smem:$0x3FB0] =	sst s8  }
0x11: {  	[smem:$0x3FB1] =	sst s9;
	s0 =	simm.s32 @!p0 $0x0  }
0x12: {  	s1 =	sld [smem:$0x3F97];
	s0 =	simm.s32 @p0 $0x1  }
0x13: {  	[smem:$0x3FB2] =	sst s0;
	s0 =	simm.s32 @!p1 $0x0  }
0x14: {  	s2 =	sld [smem:$0x3F96];
	s0 =	simm.s32 @p1 $0x1  }
0x15: {  	[smem:$0x3FB3] =	sst s0;
	s0 =	simm.s32 @!p2 $0x0  }
0x16: {  	s3 =	sld [smem:$0x3FDB];
	s0 =	simm.s32 @p2 $0x1  }
0x17: {  	s4 =	simm.s32 $0x1BF5;
	[smem:$0x3FB5] =	sst s0  }
0x18: {  	s0 =	sld [smem:$0x3F98];
	_ =	swait.ge [sflag:s4], $0x0  }
0x19: {  	s7 =	sld [smem:$0x3F99]  }
0x1a: {  	s8 =	sadd.s32 $0xFFFFE003, lr  }
0x1b: {  	s9 =	sadd.s32 $0xFFFFFEF7, lr;
	s5 =	simm.s32 $0xFFFFFFFF;
	p2 =	slt.u32 s8, $0xFFFFF086  }
0x1c: {  	p1 =	slt.u32 s9, $0xF7A;
	s5 =	simm.s32 @!p2 $0x0  }
0x1d: {  	s5 =	simm.s32 @p1 $0x1;
	p0 =	seq.s32 s7, s2  }
0x1e: {  	s7 =	smul.u32 @!p0 $0xF7A, s2;
	p2 =	seq.s32 @!p0 s5, $0x0  }
0x1f: {  	s9 =	smul.u32 $0xF7A, s1;
	s8 =	simm.s32 @!p0 $0x1BF5;
	p2 =	por !p2, p0  }
0x20: {  	[sflag:s8] =	ssyncset.s32 @!p0 $0xFFFFF086;
	s6 =	sadd.s32 @!p0 s3, s7;
	s7 =	simm.s32 @!p0 $0x108  }
0x21: {  	s3 =	sadd.s32 s3, s9;
	s6 =	sadd.s32 @!p0 $0x88, s6;
	s7 =	simm.s32 @p2 $0x1082  }
0x22: {  	[simem:s7], [sflag:s8] =	dma.local @!p0 [hbm:s6], $0xF7A  }
0x23: {  	s9 =	sor.u32 $0xD0000000, s2;
	s6 =	simm.s32 $0x108;
	_ =	swait.ge @!p0 [sflag:s8], $0x0  }
0x24: {  	s3 =	sadd.s32 $0x88, s3;
	s6 =	simm.s32 @!p1 $0x1082;
	[sflag:s4] =	ssyncset.s32 $0xFFFFF086  }
0x25: {  	[simem:s6], [sflag:s4] =	dma.local [hbm:s3], $0xF7A  }
0x26: {  	[smem:$0x3F99] =	sst s1;
	(tag) =	ssettag s2;
	_ =	strace s9  }
0x27: {  	s1 =	sld [smem:$0x3FA9]  }
0x28: {  	s2 =	sld [smem:$0x3FAA]  }
0x29: {  	s4 =	sld [smem:$0x3FAC]  }
0x2a: {  	p0 =	seq.s32 s5, $0x0;
	s5 =	sld [smem:$0x3FAD]  }
0x2b: {  	s6 =	sld [smem:$0x3FAE]  }
0x2c: {  	s7 =	sld [smem:$0x3FAF]  }
0x2d: {  	s3 =	simm.s32 $0x108;
	s8 =	sld [smem:$0x3FB0]  }
0x2e: {  	s3 =	simm.s32 @!p0 $0x1082;
	s9 =	sld [smem:$0x3FB1]  }
0x2f: {  	lr =	sadd.s32 s0, s3;
	s0 =	sld [smem:$0x3FA8]  }
0x30: {  	s3 =	sld [smem:$0x3FAB]  }
0x31: {  	[smem:$0x3FB4] =	sst s10  }
0x32: {  	s10 =	sld [smem:$0x3FB2];
	_ =	sdelay $0x3  }
0x33: {  	p0 =	seq.s32 s10, $0x1;
	s10 =	sld [smem:$0x3FB4];
	_ =	sdelay $0x3  }
0x34: {  	[smem:$0x3FB4] =	sst s10  }
0x35: {  	s10 =	sld [smem:$0x3FB3];
	_ =	sdelay $0x3  }
0x36: {  	p1 =	seq.s32 s10, $0x1;
	s10 =	sld [smem:$0x3FB4];
	_ =	sdelay $0x3  }
0x37: {  	[smem:$0x3FB4] =	sst s10  }
0x38: {  	s10 =	sld [smem:$0x3FB5]  }
0x39: {  	_ = 	snop;
	(pc) =	sbr.ind lr, $3  }
0x3a: {  	_ = 	snop  }
0x3b: {  	_ = 	snop  }
0x3c: {  	p2 =	seq.s32 s10, $0x1;
	s10 =	sld [smem:$0x3FB4]  }
0x3d: {  	_ =	shalt  }
0x3e: {  	_ =	shalt  }
0x3f: {  	_ =	shalt  }
0x40: {  	_ =	shalt  }
0x41: {  	_ =	shalt  }
0x42: {  	_ =	shalt  }
0x43: {  	_ =	shalt  }
0x44: {  	_ =	shalt  }
0x45: {  	_ =	shalt  }
0x46: {  	_ =	shalt  }
0x47: {  	_ =	shalt  }
0x48: {  	_ =	shalt  }
0x49: {  	_ =	shalt  }
0x4a: {  	_ =	shalt  }
0x4b: {  	_ =	shalt  }
0x4c: {  	_ =	shalt  }
0x4d: {  	_ =	shalt  }
0x4e: {  	_ =	shalt  }
0x4f: {  	_ =	shalt  }
0x50: {  	_ =	shalt  }
0x51: {  	_ =	shalt  }
0x52: {  	_ =	shalt  }
0x53: {  	_ =	shalt  }
0x54: {  	_ =	shalt  }
0x55: {  	_ =	shalt  }
0x56: {  	_ =	shalt  }
0x57: {  	_ =	shalt  }
0x58: {  	_ =	shalt  }
0x59: {  	_ =	shalt  }
0x5a: {  	_ =	shalt  }
0x5b: {  	_ =	shalt  }
0x5c: {  	_ =	shalt  }
0x5d: {  	_ =	shalt  }
0x5e: {  	_ =	shalt  }
0x5f: {  	_ =	shalt  }
0x60: {  	_ =	shalt  }
0x61: {  	_ =	shalt  }
0x62: {  	_ =	shalt  }
0x63: {  	_ =	shalt  }
0x64: {  	_ =	shalt  }
0x65: {  	_ =	shalt  }
0x66: {  	_ =	shalt  }
0x67: {  	_ =	shalt  }
0x68: {  	_ =	shalt  }
0x69: {  	_ =	shalt  }
0x6a: {  	_ =	shalt  }
0x6b: {  	_ =	shalt  }
0x6c: {  	_ =	shalt  }
0x6d: {  	_ =	shalt  }
0x6e: {  	_ =	shalt  }
0x6f: {  	_ =	shalt  }
0x70: {  	_ =	shalt  }
0x71: {  	_ =	shalt  }
0x72: {  	_ =	shalt  }
0x73: {  	_ =	shalt  }
0x74: {  	_ =	shalt  }
0x75: {  	_ =	shalt  }
0x76: {  	_ =	shalt  }
0x77: {  	_ =	shalt  }
0x78: {  	_ =	shalt  }
0x79: {  	_ =	shalt  }
0x7a: {  	_ =	shalt  }
0x7b: {  	_ =	shalt  }
0x7c: {  	_ =	shalt  }
0x7d: {  	_ =	shalt  }
0x7e: {  	_ =	shalt  }
0x7f: {  	_ =	shalt  }
0x80: {  	_ =	shalt  }
0x81: {  	_ =	shalt  }
0x82: {  	_ =	shalt  }
0x83: {  	_ =	shalt  }
0x84: {  	_ =	shalt  }
0x85: {  	_ =	shalt  }
0x86: {  	_ =	shalt  }
0x87: {  	_ =	shalt  }
.Lfunc_end0:
.L_simem_size_0:
called_computation.1_lowered:
.L_overlay_start_0:
0x88: {  	s2 =	sld [smem:$0x3FD9]  }
0x89: {  	s3 =	sld [smem:$0x3FFE];
	_ =	sdelay $0x1  }
0x8a: {  	s1 =	srdreg.scid  }
0x8b: {  	s0 =	sand.u32 $0x1, s1  }
0x8c: {  	s17 =	sshll.u32 s0, $0xA;
	s2 =	sadd.s32 s3, s2  }
0x8d: {  	s2 =	sadd.s32 s2, s17  }
0x8e: {  	[smem:$0x3FC0] =	sst s2  }
0x8f: {  	_ = 	snop  }
0x90: {  	s2 =	sld [smem:$0x3FD0];
	(tm) =	ssettm $0x1  }
0x91: {  	s18 =	sld [smem:$0x3FFB];
	_ =	sdelay $0x3  }
0x92: {  	_ =	strace s18  }
0x93: {  	s3 =	sld [smem:$0x3FFC];
	_ =	sdelay $0x3  }
0x94: {  	_ =	strace s3  }
0x95: {  	s3 =	sld [smem:$0x3FFD];
	_ =	sdelay $0x3  }
0x96: {  	_ =	strace s3  }
0x97: {  	_ =	strace $0x8FFFFFFF  }
0x98: {  	s19 =	sld [smem:$0x3FDB];
	_ =	sdelay $0x1  }
0x99: {  	s4 =	simm.s32 $_scs_section_size  }
0x9a: {  	s5 =	simm.s32 $_size__tile_overlayer_lowered;
	s6 =	simm.s32 $_tile_overlayer_lowered  }
0x9b: {  	s22 =	simm.s32 $0x1BFF;
	s21 =	sshll.u32 s6, $0x1;
	s3 =	sadd.s32 s4, s19  }
0x9c: {  	s7 =	simm.s32 $0x0;
	s20 =	sshll.u32 s5, $0x1;
	s5 =	sadd.s32 s21, s3  }
0x9d: {  	[timem:s7], [sflag:s22] =	dma.local [hbm:s5], s20  }
0x9e: {  	_ =	swait.ge [sflag:s22], s20  }
0x9f: {  	s4 =	ssub.s32 $0x0, s20;
	[sflag:s22] =	ssyncset.done $0x0  }
0xa0: {  	[sflag:s22] =	ssyncadd.s32 s4;
	_ =	sdelay $0x1  }
0xa1: {  	s23 =	simm.s32 $0x1B8B  }
0xa2: {  	_ =	swait.ge [sflag:s23], $0x1  }
0xa3: {  	[sflag:s23] =	ssyncset.done $0x0  }
0xa4: {  	s25 =	simm.s32 $0x1B8E;
	s24 =	sld [smem:$0x3FFE];
	[sflag:s23] =	ssyncadd.s32 $0xFFFFFFFF  }
0xa5: {  	s26 =	simm.s32 $execute0_lowered;
	[smem:$0x3FD2] =	sst s25  }
0xa6: {  	s5 =	sshll.u32 s26, $0x1;
	_ =	strace $0x80000046;
	[dreg:$0x1] =	wrdreg $0xFFFFFFFF  }
0xa7: {  	s28 =	simm.s32 $_size_execute0_lowered;
	s3 =	sadd.s32 s3, s5;
	[dreg:$0x0] =	wrdreg $0x0  }
0xa8: {  	s5 =	sshll.u32 s28, $0x1;
	[dreg:$0x2] =	wrdreg s3  }
0xa9: {  	[dreg:$0x3] =	wrdreg s5  }
0xaa: {  	[dreg:$0x4] =	wrdreg $0xC0  }
0xab: {  	_ =	task [dreg:s7], $0x5FFFF  }
0xac: {  	[dreg:$0x1] =	wrdreg $0xFFFFFFFF  }
0xad: {  	[dreg:$0x0] =	wrdreg $0x60  }
0xae: {  	[dreg:$0x2] =	wrdreg s24  }
0xaf: {  	[dreg:$0x3] =	wrdreg s2  }
0xb0: {  	[dreg:$0x4] =	wrdreg $0xA8000  }
0xb1: {  	[dreg:$0x5] =	wrdreg $0xA  }
0xb2: {  	_ =	task.clear_ibuf [dreg:s7], $0x6FFFF;
	_ =	strace $0x90000046  }
0xb3: {  	s29 =	simm.s32 $0xA;
	_ =	strace $0x80000048  }
0xb4: {  	_ =	swait.ge [sflag:s29], $0x1  }
0xb5: {  	[sflag:s29] =	ssyncadd.s32 $0xFFFFFFFF  }
0xb6: {  	_ =	strace $0x90000048  }
0xb7: {  	_ =	sfence  }
0xb8: {  	s30 =	sld [smem:$0x0];
	_ =	sdelay $0x2  }
0xb9: {  	s31 =	sshll.u32 s1, $0xD;
	s1 =	sshrl.u32 s1, $0x2  }
0xba: {  	s3 =	sand.u32 $0x4000, s31;
	s1 =	sadd.s32 s1, s30  }
0xbb: {  	s0 =	sor.u32 s3, s0;
	s1 =	sshll.u32 s1, $0x11  }
0xbc: {  	s0 =	sor.u32 s1, s0  }
0xbd: {  	s0 =	sadd.s32 $0x8F2B, s0  }
0xbe: {  	[sflag:s0] =	ssyncadd.remote.s32 $0x1  }
0xbf: {  	_ =	sfence.sel $0xFFFF  }
0xc0: {  	[dreg:$0x0] =	wrdreg $0xFFFFFFFF;
	(pc) =	sbr.abs _section_cstart, $3  }
0xc1: {  	[dreg:$0x1] =	wrdreg $0xFFFFFFFF  }
0xc2: {  	_ =	task.clear_ibuf [dreg:s7], $0x2FFFF;
	_ =	strace $0x9FFFFFFF  }
0xc3: {  	(tm) =	ssettm $0x7FFFFFFF  }
tec
execute0_lowered:
.L_overlay_start_1:
0x0: {  	(tag) =	ssettag $0x1  }
0x1: {  	s5 =	rddreg [dreg:$0x0]  }
0x2: {  	s12 =	rddreg [dreg:$0x1]  }
0x3: {  	s0 =	srdreg.scid;
	s2 =	rddreg [dreg:$0x2]  }
0x4: {  	s1 =	stileid.u32;
	s3 =	simm.s32 $0x0;
	s18 =	simm.s32 $0x1400  }
0x5: {  	s19 =	simm.s32 $0x80;
	s20 =	simm.s32 $0x6800;
	s21 =	simm.s32 $0x1  }
0x6: {  	s22 =	simm.s32 $0x2;
	s23 =	simm.s32 $0x1380;
	s24 =	simm.s32 $0x2700  }
0x7: {  	s25 =	simm.s32 $0x2780;
	s26 =	simm.s32 $0x0;
	s6 =	sand.u32 $0x1, s0  }
0x8: {  	s8 =	smul.u32 $0x14000, s1;
	[smem:$0x7FF] =	sst s3;
	s4 =	sadd.s32 $0x1E00, s5  }
0x9: {  	s13 =	sadd.s32 $0x29000, s5;
	s28 =	smul.u32 $0x50000, s1;
	s30 =	sshll.u32 s1, $0x1  }
0xa: {  	s7 =	smul.u32 $0x140000, s6;
	s29 =	ssub.s32 $0x2, s6;
	s10 =	sor.u32 s6, s30  }
0xb: {  	_ =	strace $0x80000047;
	s9 =	sshrl.u32 s29, $0x1;
	s11 =	smul.u32 $0x2800, s10  }
0xc: {  	s16 =	smul.u32 $0x500, s10;
	s7 =	sadd.s32 s8, s7;
	s8 =	sshrl.u32 s28, $0x2  }
0xd: {  	s15 =	ssub.s32 s29, s9;
	s7 =	sshrl.u32 s7, $0x3;
	s17 =	sshrl.u32 s11, $0x3  }
0xe: {  	s10 =	sadd.s32 s12, s16;
	s11 =	sadd.s32 s13, s16;
	s15 =	smax.u32 s15, $0x1  }
0xf: {  	s16 =	simm.s32 $0x2800;
	s14 =	sadd.s32 s7, s5;
	s5 =	sadd.s32 s8, s2  }
0x10: {  	s31 =	sadd.s32 $0x280, s17;
	s17 =	simm.s32 $0x3;
	s6 =	sadd.s32 $0x4000, s5  }
0x11: {  	s7 =	sadd.s32 $0x8000, s5;
	s8 =	sadd.s32 $0xC000, s5;
	s9 =	sadd.s32 $0x10000, s5  }
0x12: {  	v0 =	vimm.f32 $0.0e+00;
	s12 =	sadd.s32 s12, s31;
	s13 =	sadd.s32 s13, s31;
	s14 =	sadd.s32 $0x33000, s14  }
.LBB2_1:
0x13: {  	s28 =	simm.s32 $0x0;
	s29 =	simm.s32 $0x200  }
.LBB2_2:
0x14: {  	p0 =	sne.s32 s29, $0xFE00;
	[tilespmem:s28+$0x2870] =	vst v0  }
0x15: {  	[tilespmem:s28+$0x2800] =	vst v0  }
0x16: {  	[tilespmem:s28+$0x2810] =	vst v0  }
.Ltmp0:
0x17: {  	[tilespmem:s28+$0x2820] =	vst v0;
	(pc) =	sbr.rel @p0 .LBB2_2-.Ltmp0, $4  }
0x18: {  	[tilespmem:s28+$0x2830] =	vst v0  }
0x19: {  	[tilespmem:s28+$0x2840] =	vst v0  }
0x1a: {  	[tilespmem:s28+$0x2850] =	vst v0  }
0x1b: {  	[tilespmem:s28+$0x2860] =	vst v0;
	s28 =	sshra.s32 s29, $0x2;
	s29 =	sadd.s32 $0x200, s29  }
0x1c: {  	[tilespmem:s28+$0x2870] =	vst v0  }
0x1d: {  	[tilespmem:s28+$0x2800] =	vst v0  }
0x1e: {  	[tilespmem:s28+$0x2810] =	vst v0  }
0x1f: {  	[tilespmem:s28+$0x2820] =	vst v0  }
0x20: {  	[tilespmem:s28+$0x2830] =	vst v0  }
0x21: {  	[tilespmem:s28+$0x2840] =	vst v0  }
0x22: {  	[tilespmem:s28+$0x2850] =	vst v0  }
0x23: {  	[tilespmem:s28+$0x2860] =	vst v0  }
0x24: {  	[spmem:s5] =	stream.linear.scatter [tilespmem:s16], [sflag:$0x3], $0x4000, $0x38;
	[tilespmem:$0x1E800] =	vst v63  }
0x25: {  	_ =	swait.ge [sflag:s17], $0x4000  }
0x26: {  	[sflag:s17] =	ssyncset.done $0x0  }
0x27: {  	[sflag:s17] =	ssyncadd.s32 $0xFFFFC000  }
0x28: {  	[spmem:s6] =	stream.linear.scatter [tilespmem:s16], [sflag:$0x3], $0x4000, $0x38;
	[tilespmem:$0x1E800] =	vst v63  }
0x29: {  	_ =	swait.ge [sflag:s17], $0x4000  }
0x2a: {  	[sflag:s17] =	ssyncset.done $0x0  }
0x2b: {  	[sflag:s17] =	ssyncadd.s32 $0xFFFFC000  }
0x2c: {  	[spmem:s7] =	stream.linear.scatter [tilespmem:s16], [sflag:$0x3], $0x4000, $0x38;
	[tilespmem:$0x1E800] =	vst v63  }
0x2d: {  	_ =	swait.ge [sflag:s17], $0x4000  }
0x2e: {  	[sflag:s17] =	ssyncset.done $0x0  }
0x2f: {  	[sflag:s17] =	ssyncadd.s32 $0xFFFFC000  }
0x30: {  	[spmem:s8] =	stream.linear.scatter [tilespmem:s16], [sflag:$0x3], $0x4000, $0x38;
	[tilespmem:$0x1E800] =	vst v63  }
0x31: {  	_ =	swait.ge [sflag:s17], $0x4000  }
0x32: {  	[sflag:s17] =	ssyncset.done $0x0  }
0x33: {  	[sflag:s17] =	ssyncadd.s32 $0xFFFFC000  }
0x34: {  	[spmem:s9] =	stream.linear.scatter [tilespmem:s16], [sflag:$0x3], $0x4000, $0x38;
	[tilespmem:$0x1E800] =	vst v63  }
0x35: {  	_ =	swait.ge [sflag:s17], $0x4000  }
0x36: {  	[sflag:s17] =	ssyncset.done $0x0  }
0x37: {  	[sflag:s17] =	ssyncadd.s32 $0xFFFFC000  }
0x38: {  	s28 =	simm.s32 $0x0;
	[bflag:$0x0] =	sbarrier.arrive $0xFFFF  }
0x39: {  	[tilespmem:s28], [sflag:$0x3] =	stream.linear.gather [hbm4b:s10+s28], $0x1400, $0x38;
	[tilespmem:$0x1E800] =	vst v63  }
0x3a: {  	_ =	swait.ge [sflag:s17], $0x1400  }
0x3b: {  	[sflag:s17] =	ssyncset.done $0x0  }
0x3c: {  	[sflag:s17] =	ssyncadd.s32 $0xFFFFEC00  }
0x3d: {  	[tilespmem:s18], [sflag:$0x3] =	stream.linear.gather [hbm4b:s11+s28], $0x1400, $0x38;
	[tilespmem:$0x1E800] =	vst v63  }
0x3e: {  	_ =	swait.ge [sflag:s17], $0x1400  }
0x3f: {  	[sflag:s17] =	ssyncset.done $0x0  }
0x40: {  	[sflag:s17] =	ssyncadd.s32 $0xFFFFEC00  }
0x41: {  	[tilespmem:s16], [sflag:$0x1] =	stream.indirect.gather [hbm4b:s4+s19], $0x80, s28, s19, $0xb8;
	[tilespmem:$0x1E800] =	vst v63  }
0x42: {  	s28 =	simm.s32 $0x80  }
0x43: {  	[tilespmem:s20], [sflag:$0x2] =	stream.indirect.gather [hbm4b:s4+s19], $0x80, s28, s19, $0xb8;
	[tilespmem:$0x1E800] =	vst v63  }
0x44: {  	_ =	swait.ge [sflag:s21], $0x4000  }
0x45: {  	[sflag:s21] =	ssyncset.done $0x0  }
0x46: {  	s28 =	simm.s32 $0x1400;
	[sflag:s21] =	ssyncadd.s32 $0xFFFFC000  }
0x47: {  	[spmem:s2] =	stream.indirect.scatter.add.f32 [tilespmem:s16], [sflag:$0x3], $0x80, s28, s19, $0xb8;
	[tilespmem:$0x1E800] =	vst v63  }
0x48: {  	_ =	swait.ge [sflag:s17], $0x4000  }
0x49: {  	[sflag:s17] =	ssyncset.done $0x0  }
0x4a: {  	s28 =	simm.s32 $0x100;
	[sflag:s17] =	ssyncadd.s32 $0xFFFFC000  }
0x4b: {  	[tilespmem:s16], [sflag:$0x1] =	stream.indirect.gather [hbm4b:s4+s19], $0x80, s28, s19, $0xb8;
	[tilespmem:$0x1E800] =	vst v63  }
0x4c: {  	_ =	swait.ge [sflag:s22], $0x4000  }
0x4d: {  	[sflag:s22] =	ssyncset.done $0x0  }
0x4e: {  	s28 =	simm.s32 $0x1480;
	[sflag:s22] =	ssyncadd.s32 $0xFFFFC000  }
0x4f: {  	[spmem:s2] =	stream.indirect.scatter.add.f32 [tilespmem:s20], [sflag:$0x3], $0x80, s28, s19, $0xb8;
	[tilespmem:$0x1E800] =	vst v63  }
0x50: {  	_ =	swait.ge [sflag:s17], $0x4000  }
0x51: {  	s29 =	simm.s32 $0x800;
	s28 =	simm.s32 $0x100;
	[sflag:s17] =	ssyncset.done $0x0  }
.LBB2_4:
0x52: {  	s30 =	sadd.s32 $0x80, s28  }
0x53: {  	[sflag:s17] =	ssyncadd.s32 $0xFFFFC000;
	s31 =	smov.u32 s29;
	s0 =	sadd.s32 $0x400, s29  }
0x54: {  	[tilespmem:s20], [sflag:$0x2] =	stream.indirect.gather [hbm4b:s4+s19], $0x80, s30, s19, $0xb8;
	[tilespmem:$0x1E800] =	vst v63  }
0x55: {  	p0 =	sne.s32 s29, $0x4800;
	_ =	swait.ge [sflag:s21], $0x4000  }
0x56: {  	[sflag:s21] =	ssyncset.done $0x0  }
0x57: {  	s29 =	sadd.s32 $0x1400, s28;
	[sflag:s21] =	ssyncadd.s32 $0xFFFFC000  }
0x58: {  	[spmem:s2] =	stream.indirect.scatter.add.f32 [tilespmem:s16], [sflag:$0x3], $0x80, s29, s19, $0xb8;
	[tilespmem:$0x1E800] =	vst v63  }
0x59: {  	_ =	swait.ge [sflag:s17], $0x4000  }
0x5a: {  	[sflag:s17] =	ssyncset.done $0x0  }
0x5b: {  	s29 =	sadd.s32 $0x100, s28;
	[sflag:s17] =	ssyncadd.s32 $0xFFFFC000  }
0x5c: {  	[tilespmem:s16], [sflag:$0x1] =	stream.indirect.gather [hbm4b:s4+s19], $0x80, s29, s19, $0xb8;
	[tilespmem:$0x1E800] =	vst v63  }
0x5d: {  	_ =	swait.ge [sflag:s22], $0x4000  }
.Ltmp1:
0x5e: {  	[sflag:s22] =	ssyncset.done $0x0;
	(pc) =	sbr.rel @p0 .LBB2_4-.Ltmp1, $4  }
0x5f: {  	s28 =	sadd.s32 $0x1480, s28;
	[sflag:s22] =	ssyncadd.s32 $0xFFFFC000  }
0x60: {  	[spmem:s2] =	stream.indirect.scatter.add.f32 [tilespmem:s20], [sflag:$0x3], $0x80, s28, s19, $0xb8;
	[tilespmem:$0x1E800] =	vst v63  }
0x61: {  	_ =	swait.ge [sflag:s17], $0x4000  }
0x62: {  	s29 =	smov.u32 s0;
	s28 =	sshra.s32 s31, $0x2;
	[sflag:s17] =	ssyncset.done $0x0  }
0x63: {  	s0 =	sadd.s32 $0x80, s28;
	[sflag:s17] =	ssyncadd.s32 $0xFFFFC000  }
0x64: {  	[tilespmem:s20], [sflag:$0x2] =	stream.indirect.gather [hbm4b:s4+s19], $0x80, s0, s19, $0xb8;
	[tilespmem:$0x1E800] =	vst v63  }
0x65: {  	_ =	swait.ge [sflag:s21], $0x4000  }
0x66: {  	[sflag:s21] =	ssyncset.done $0x0  }
0x67: {  	s30 =	sadd.s32 $0x1400, s28;
	[sflag:s21] =	ssyncadd.s32 $0xFFFFC000  }
0x68: {  	[spmem:s2] =	stream.indirect.scatter.add.f32 [tilespmem:s16], [sflag:$0x3], $0x80, s30, s19, $0xb8;
	[tilespmem:$0x1E800] =	vst v63  }
0x69: {  	_ =	swait.ge [sflag:s17], $0x4000  }
0x6a: {  	[sflag:s17] =	ssyncset.done $0x0  }
0x6b: {  	s31 =	sadd.s32 $0x100, s28;
	[sflag:s17] =	ssyncadd.s32 $0xFFFFC000  }
0x6c: {  	[tilespmem:s16], [sflag:$0x1] =	stream.indirect.gather [hbm4b:s4+s19], $0x80, s31, s19, $0xb8;
	[tilespmem:$0x1E800] =	vst v63  }
0x6d: {  	_ =	swait.ge [sflag:s22], $0x4000  }
0x6e: {  	[sflag:s22] =	ssyncset.done $0x0  }
0x6f: {  	s30 =	sadd.s32 $0x1480, s28;
	[sflag:s22] =	ssyncadd.s32 $0xFFFFC000  }
0x70: {  	[spmem:s2] =	stream.indirect.scatter.add.f32 [tilespmem:s20], [sflag:$0x3], $0x80, s30, s19, $0xb8;
	[tilespmem:$0x1E800] =	vst v63  }
0x71: {  	_ =	swait.ge [sflag:s17], $0x4000  }
0x72: {  	[sflag:s17] =	ssyncset.done $0x0  }
0x73: {  	[sflag:s17] =	ssyncadd.s32 $0xFFFFC000  }
0x74: {  	[tilespmem:s20], [sflag:$0x2] =	stream.indirect.gather [hbm4b:s4+s19], $0x80, s23, s19, $0xb8;
	[tilespmem:$0x1E800] =	vst v63  }
0x75: {  	_ =	swait.ge [sflag:s21], $0x4000  }
0x76: {  	[sflag:s21] =	ssyncset.done $0x0  }
0x77: {  	[sflag:s21] =	ssyncadd.s32 $0xFFFFC000  }
0x78: {  	[spmem:s2] =	stream.indirect.scatter.add.f32 [tilespmem:s16], [sflag:$0x3], $0x80, s24, s19, $0xb8;
	[tilespmem:$0x1E800] =	vst v63  }
0x79: {  	_ =	swait.ge [sflag:s17], $0x4000  }
0x7a: {  	[sflag:s17] =	ssyncset.done $0x0  }
0x7b: {  	s31 =	simm.s32 $0x0;
	[sflag:s17] =	ssyncadd.s32 $0xFFFFC000  }
0x7c: {  	[tilespmem:s16], [sflag:$0x1] =	stream.indirect.gather [hbm4b:s4+s19], $0x80, s31, s19, $0xb8;
	[tilespmem:$0x1E800] =	vst v63  }
0x7d: {  	_ =	swait.ge [sflag:s22], $0x4000  }
0x7e: {  	[sflag:s22] =	ssyncset.done $0x0  }
0x7f: {  	[sflag:s22] =	ssyncadd.s32 $0xFFFFC000  }
0x80: {  	[spmem:s2] =	stream.indirect.scatter.add.f32 [tilespmem:s20], [sflag:$0x3], $0x80, s25, s19, $0xb8;
	[tilespmem:$0x1E800] =	vst v63  }
0x81: {  	_ =	swait.ge [sflag:s17], $0x4000  }
0x82: {  	[sflag:s17] =	ssyncset.done $0x0  }
0x83: {  	[sflag:s17] =	ssyncadd.s32 $0xFFFFC000  }
0x84: {  	_ =	swait.ge [sflag:s21], $0x4000  }
0x85: {  	[sflag:s21] =	ssyncset.done $0x0  }
0x86: {  	[sflag:s21] =	ssyncadd.s32 $0xFFFFC000  }
0x87: {  	[tilespmem:s31], [sflag:$0x3] =	stream.linear.gather [hbm4b:s12+s31], $0x1400, $0x38;
	[tilespmem:$0x1E800] =	vst v63  }
0x88: {  	_ =	swait.ge [sflag:s17], $0x1400  }
0x89: {  	[sflag:s17] =	ssyncset.done $0x0  }
0x8a: {  	[sflag:s17] =	ssyncadd.s32 $0xFFFFEC00  }
0x8b: {  	[tilespmem:s18], [sflag:$0x3] =	stream.linear.gather [hbm4b:s13+s31], $0x1400, $0x38;
	[tilespmem:$0x1E800] =	vst v63  }
0x8c: {  	_ =	swait.ge [sflag:s17], $0x1400  }
0x8d: {  	[sflag:s17] =	ssyncset.done $0x0  }
0x8e: {  	[sflag:s17] =	ssyncadd.s32 $0xFFFFEC00  }
0x8f: {  	[tilespmem:s16], [sflag:$0x1] =	stream.indirect.gather [hbm4b:s4+s19], $0x80, s31, s19, $0xb8;
	[tilespmem:$0x1E800] =	vst v63  }
0x90: {  	s30 =	simm.s32 $0x80  }
0x91: {  	[tilespmem:s20], [sflag:$0x2] =	stream.indirect.gather [hbm4b:s4+s19], $0x80, s30, s19, $0xb8;
	[tilespmem:$0x1E800] =	vst v63  }
0x92: {  	_ =	swait.ge [sflag:s21], $0x4000  }
0x93: {  	[sflag:s21] =	ssyncset.done $0x0  }
0x94: {  	s31 =	simm.s32 $0x1400;
	[sflag:s21] =	ssyncadd.s32 $0xFFFFC000  }
0x95: {  	[spmem:s2] =	stream.indirect.scatter.add.f32 [tilespmem:s16], [sflag:$0x3], $0x80, s31, s19, $0xb8;
	[tilespmem:$0x1E800] =	vst v63  }
0x96: {  	_ =	swait.ge [sflag:s17], $0x4000  }
0x97: {  	[sflag:s17] =	ssyncset.done $0x0  }
0x98: {  	s30 =	simm.s32 $0x100;
	[sflag:s17] =	ssyncadd.s32 $0xFFFFC000  }
0x99: {  	[tilespmem:s16], [sflag:$0x1] =	stream.indirect.gather [hbm4b:s4+s19], $0x80, s30, s19, $0xb8;
	[tilespmem:$0x1E800] =	vst v63  }
0x9a: {  	_ =	swait.ge [sflag:s22], $0x4000  }
0x9b: {  	[sflag:s22] =	ssyncset.done $0x0  }
0x9c: {  	s31 =	simm.s32 $0x1480;
	[sflag:s22] =	ssyncadd.s32 $0xFFFFC000  }
0x9d: {  	[spmem:s2] =	stream.indirect.scatter.add.f32 [tilespmem:s20], [sflag:$0x3], $0x80, s31, s19, $0xb8;
	[tilespmem:$0x1E800] =	vst v63  }
0x9e: {  	_ =	swait.ge [sflag:s17], $0x4000  }
0x9f: {  	s29 =	simm.s32 $0x800;
	s28 =	simm.s32 $0x100;
	[sflag:s17] =	ssyncset.done $0x0  }
.LBB2_6:
0xa0: {  	s0 =	sadd.s32 $0x80, s28  }
0xa1: {  	[sflag:s17] =	ssyncadd.s32 $0xFFFFC000;
	s30 =	smov.u32 s29;
	s31 =	sadd.s32 $0x400, s29  }
0xa2: {  	[tilespmem:s20], [sflag:$0x2] =	stream.indirect.gather [hbm4b:s4+s19], $0x80, s0, s19, $0xb8;
	[tilespmem:$0x1E800] =	vst v63  }
0xa3: {  	p0 =	sne.s32 s29, $0x4800;
	_ =	swait.ge [sflag:s21], $0x4000  }
0xa4: {  	[sflag:s21] =	ssyncset.done $0x0  }
0xa5: {  	s0 =	sadd.s32 $0x1400, s28;
	[sflag:s21] =	ssyncadd.s32 $0xFFFFC000  }
0xa6: {  	[spmem:s2] =	stream.indirect.scatter.add.f32 [tilespmem:s16], [sflag:$0x3], $0x80, s0, s19, $0xb8;
	[tilespmem:$0x1E800] =	vst v63  }
0xa7: {  	_ =	swait.ge [sflag:s17], $0x4000  }
0xa8: {  	[sflag:s17] =	ssyncset.done $0x0  }
0xa9: {  	s0 =	sadd.s32 $0x100, s28;
	[sflag:s17] =	ssyncadd.s32 $0xFFFFC000  }
0xaa: {  	[tilespmem:s16], [sflag:$0x1] =	stream.indirect.gather [hbm4b:s4+s19], $0x80, s0, s19, $0xb8;
	[tilespmem:$0x1E800] =	vst v63  }
0xab: {  	_ =	swait.ge [sflag:s22], $0x4000  }
.Ltmp2:
0xac: {  	[sflag:s22] =	ssyncset.done $0x0;
	(pc) =	sbr.rel @p0 .LBB2_6-.Ltmp2, $4  }
0xad: {  	s0 =	sadd.s32 $0x1480, s28;
	[sflag:s22] =	ssyncadd.s32 $0xFFFFC000  }
0xae: {  	[spmem:s2] =	stream.indirect.scatter.add.f32 [tilespmem:s20], [sflag:$0x3], $0x80, s0, s19, $0xb8;
	[tilespmem:$0x1E800] =	vst v63  }
0xaf: {  	_ =	swait.ge [sflag:s17], $0x4000  }
0xb0: {  	s29 =	smov.u32 s31;
	s28 =	sshra.s32 s30, $0x2;
	[sflag:s17] =	ssyncset.done $0x0  }
0xb1: {  	s0 =	sadd.s32 $0x80, s28;
	[sflag:s17] =	ssyncadd.s32 $0xFFFFC000  }
0xb2: {  	[tilespmem:s20], [sflag:$0x2] =	stream.indirect.gather [hbm4b:s4+s19], $0x80, s0, s19, $0xb8;
	[tilespmem:$0x1E800] =	vst v63  }
0xb3: {  	_ =	swait.ge [sflag:s21], $0x4000  }
0xb4: {  	[sflag:s21] =	ssyncset.done $0x0  }
0xb5: {  	s30 =	sadd.s32 $0x1400, s28;
	[sflag:s21] =	ssyncadd.s32 $0xFFFFC000  }
0xb6: {  	[spmem:s2] =	stream.indirect.scatter.add.f32 [tilespmem:s16], [sflag:$0x3], $0x80, s30, s19, $0xb8;
	[tilespmem:$0x1E800] =	vst v63  }
0xb7: {  	_ =	swait.ge [sflag:s17], $0x4000  }
0xb8: {  	[sflag:s17] =	ssyncset.done $0x0  }
0xb9: {  	s31 =	sadd.s32 $0x100, s28;
	[sflag:s17] =	ssyncadd.s32 $0xFFFFC000  }
0xba: {  	[tilespmem:s16], [sflag:$0x1] =	stream.indirect.gather [hbm4b:s4+s19], $0x80, s31, s19, $0xb8;
	[tilespmem:$0x1E800] =	vst v63  }
0xbb: {  	_ =	swait.ge [sflag:s22], $0x4000  }
0xbc: {  	[sflag:s22] =	ssyncset.done $0x0  }
0xbd: {  	s29 =	sadd.s32 $0x1480, s28;
	[sflag:s22] =	ssyncadd.s32 $0xFFFFC000  }
0xbe: {  	[spmem:s2] =	stream.indirect.scatter.add.f32 [tilespmem:s20], [sflag:$0x3], $0x80, s29, s19, $0xb8;
	[tilespmem:$0x1E800] =	vst v63  }
0xbf: {  	_ =	swait.ge [sflag:s17], $0x4000  }
0xc0: {  	[sflag:s17] =	ssyncset.done $0x0  }
0xc1: {  	[sflag:s17] =	ssyncadd.s32 $0xFFFFC000  }
0xc2: {  	[tilespmem:s20], [sflag:$0x2] =	stream.indirect.gather [hbm4b:s4+s19], $0x80, s23, s19, $0xb8;
	[tilespmem:$0x1E800] =	vst v63  }
0xc3: {  	_ =	swait.ge [sflag:s21], $0x4000  }
0xc4: {  	[sflag:s21] =	ssyncset.done $0x0  }
0xc5: {  	[sflag:s21] =	ssyncadd.s32 $0xFFFFC000  }
0xc6: {  	[spmem:s2] =	stream.indirect.scatter.add.f32 [tilespmem:s16], [sflag:$0x3], $0x80, s24, s19, $0xb8;
	[tilespmem:$0x1E800] =	vst v63  }
0xc7: {  	_ =	swait.ge [sflag:s17], $0x4000  }
0xc8: {  	[sflag:s17] =	ssyncset.done $0x0  }
0xc9: {  	[sflag:s17] =	ssyncadd.s32 $0xFFFFC000  }
0xca: {  	[tilespmem:s16], [sflag:$0x1] =	stream.indirect.gather [hbm4b:s4+s19], $0x80, s3, s19, $0xb8;
	[tilespmem:$0x1E800] =	vst v63  }
0xcb: {  	_ =	swait.ge [sflag:s22], $0x4000  }
0xcc: {  	[sflag:s22] =	ssyncset.done $0x0  }
0xcd: {  	[sflag:s22] =	ssyncadd.s32 $0xFFFFC000  }
0xce: {  	[spmem:s2] =	stream.indirect.scatter.add.f32 [tilespmem:s20], [sflag:$0x3], $0x80, s25, s19, $0xb8;
	[tilespmem:$0x1E800] =	vst v63  }
0xcf: {  	_ =	swait.ge [sflag:s17], $0x4000  }
0xd0: {  	[sflag:s17] =	ssyncset.done $0x0  }
0xd1: {  	[sflag:s17] =	ssyncadd.s32 $0xFFFFC000  }
0xd2: {  	_ =	swait.ge [sflag:s21], $0x4000  }
0xd3: {  	s26 =	sadd.s32 $0x1, s26;
	s30 =	sshll.u32 s1, $0x6;
	[sflag:s21] =	ssyncset.done $0x0  }
0xd4: {  	p0 =	sne.s32 s26, s15;
	s0 =	sor.u32 $0x1C03, s30;
	[sflag:s21] =	ssyncadd.s32 $0xFFFFC000  }
.Ltmp3:
0xd5: {  	s31 =	sshrl.u32 s5, $0x3;
	[bflag:$0x0] =	sbarrier.arrive $0xFFFF;
	(pc) =	sbr.rel @p0 .LBB2_1-.Ltmp3, $4  }
0xd6: {  	[hbm:s14], [sflag:s0] =	dma.local [spmem:s31], $0x2800  }
0xd7: {  	_ =	swait.ge [sflag:s17], $0x2800  }
0xd8: {  	[sflag:s17] =	ssyncset.done $0x0  }
0xd9: {  	[sflag:s17] =	ssyncadd.s32 $0xFFFFD800  }
0xda: {  	_ =	sfence.sel $0x180000  }
0xdb: {  	[bflag:$0x0] =	sbarrier.arrive $0xFFFF  }
0xdc: {  	_ =	strace $0x90000047  }
0xdd: {  	[bflag:$0x2] =	sbarrier.arrive $0xFFFF  }
0xde: {  	p0 =	sne.s32 s1, $0x0;
	s0 =	rddreg [dreg:$0x3]  }
0xdf: {  	s0 =	sadd.s32 @!p0 $0x100000, s0  }
0xe0: {  	[sflag:s0] =	ssyncadd.tile.s32 @!p0 $0x1;
	_ =	shalt  }
.Lfunc_end2:
_tile_overlayer_lowered:
.L_overlay_start_2:
0xe1: {  	(tag) =	ssettag $0x2  }
0xe2: {  	s0 =	rddreg [dreg:$0x0];
	s2 =	stileid.u32  }
0xe3: {  	s1 =	rddreg [dreg:$0x1];
	p0 =	sne.s32 s2, $0x0  }
0xe4: {  	s3 =	rddreg [dreg:$0x2];
	[bflag:$0x3] =	sbarrier.arrive $0xFFFF;
	s2 =	simm.s32 @!p0 $0x1C03  }
0xe5: {  	[timem:s3], [sflag:s2] =	dma.local @!p0 [hbm:s0], s1  }
0xe6: {  	s0 =	simm.s32 @!p0 $0x3  }
0xe7: {  	_ =	swait.ge @!p0 [sflag:s0], s1  }
0xe8: {  	s1 =	ssub.s32 @!p0 $0x0, s1;
	[sflag:s0] =	ssyncset.done @!p0 $0x0  }
0xe9: {  	[sflag:s0] =	ssyncadd.s32 @!p0 s1  }
0xea: {  	[bflag:$0x3] =	sbarrier.arrive $0xFFFF  }
0xeb: {  	_ =	shalt  }

// kernel: kernel.14.cloned.1.call-start
scs
__scs_entry_jumppad:
0x0: {  	(pc) =	sbr.rel $0x88, $3  }
0x1: {  	(tag) =	ssettag $0x0;
	lr =	simm.s32 $0x1  }
0x2: {  	[smem:$0x3F99] =	sst lr;
	_ =	strace $0xD0000000  }
0x3: {  	_ = 	snop  }
0x4: {  	_ = 	snop  }
0x5: {  	_ = 	snop  }
0x6: {  	_ = 	snop  }
0x7: {  	_ = 	snop  }
__scs_overlays_trampoline_lowered:
0x8: {  	[smem:$0x3FA8] =	sst s0  }
0x9: {  	[smem:$0x3FA9] =	sst s1  }
0xa: {  	[smem:$0x3FAA] =	sst s2  }
0xb: {  	[smem:$0x3FAB] =	sst s3  }
0xc: {  	[smem:$0x3FAC] =	sst s4  }
0xd: {  	[smem:$0x3FAD] =	sst s5  }
0xe: {  	[smem:$0x3FAE] =	sst s6  }
0xf: {  	[smem:$0x3FAF] =	sst s7  }
0x10: {  	[smem:$0x3FB0] =	sst s8  }
0x11: {  	[smem:$0x3FB1] =	sst s9;
	s0 =	simm.s32 @!p0 $0x0  }
0x12: {  	s1 =	sld [smem:$0x3F97];
	s0 =	simm.s32 @p0 $0x1  }
0x13: {  	[smem:$0x3FB2] =	sst s0;
	s0 =	simm.s32 @!p1 $0x0  }
0x14: {  	s2 =	sld [smem:$0x3F96];
	s0 =	simm.s32 @p1 $0x1  }
0x15: {  	[smem:$0x3FB3] =	sst s0;
	s0 =	simm.s32 @!p2 $0x0  }
0x16: {  	s3 =	sld [smem:$0x3FDB];
	s0 =	simm.s32 @p2 $0x1  }
0x17: {  	s4 =	simm.s32 $0x1BF5;
	[smem:$0x3FB5] =	sst s0  }
0x18: {  	s0 =	sld [smem:$0x3F98];
	_ =	swait.ge [sflag:s4], $0x0  }
0x19: {  	s7 =	sld [smem:$0x3F99]  }
0x1a: {  	s8 =	sadd.s32 $0xFFFFE003, lr  }
0x1b: {  	s9 =	sadd.s32 $0xFFFFFEF7, lr;
	s5 =	simm.s32 $0xFFFFFFFF;
	p2 =	slt.u32 s8, $0xFFFFF086  }
0x1c: {  	p1 =	slt.u32 s9, $0xF7A;
	s5 =	simm.s32 @!p2 $0x0  }
0x1d: {  	s5 =	simm.s32 @p1 $0x1;
	p0 =	seq.s32 s7, s2  }
0x1e: {  	s7 =	smul.u32 @!p0 $0xF7A, s2;
	p2 =	seq.s32 @!p0 s5, $0x0  }
0x1f: {  	s9 =	smul.u32 $0xF7A, s1;
	s8 =	simm.s32 @!p0 $0x1BF5;
	p2 =	por !p2, p0  }
0x20: {  	[sflag:s8] =	ssyncset.s32 @!p0 $0xFFFFF086;
	s6 =	sadd.s32 @!p0 s3, s7;
	s7 =	simm.s32 @!p0 $0x108  }
0x21: {  	s3 =	sadd.s32 s3, s9;
	s6 =	sadd.s32 @!p0 $0x88, s6;
	s7 =	simm.s32 @p2 $0x1082  }
0x22: {  	[simem:s7], [sflag:s8] =	dma.local @!p0 [hbm:s6], $0xF7A  }
0x23: {  	s9 =	sor.u32 $0xD0000000, s2;
	s6 =	simm.s32 $0x108;
	_ =	swait.ge @!p0 [sflag:s8], $0x0  }
0x24: {  	s3 =	sadd.s32 $0x88, s3;
	s6 =	simm.s32 @!p1 $0x1082;
	[sflag:s4] =	ssyncset.s32 $0xFFFFF086  }
0x25: {  	[simem:s6], [sflag:s4] =	dma.local [hbm:s3], $0xF7A  }
0x26: {  	[smem:$0x3F99] =	sst s1;
	(tag) =	ssettag s2;
	_ =	strace s9  }
0x27: {  	s1 =	sld [smem:$0x3FA9]  }
0x28: {  	s2 =	sld [smem:$0x3FAA]  }
0x29: {  	s4 =	sld [smem:$0x3FAC]  }
0x2a: {  	p0 =	seq.s32 s5, $0x0;
	s5 =	sld [smem:$0x3FAD]  }
0x2b: {  	s6 =	sld [smem:$0x3FAE]  }
0x2c: {  	s7 =	sld [smem:$0x3FAF]  }
0x2d: {  	s3 =	simm.s32 $0x108;
	s8 =	sld [smem:$0x3FB0]  }
0x2e: {  	s3 =	simm.s32 @!p0 $0x1082;
	s9 =	sld [smem:$0x3FB1]  }
0x2f: {  	lr =	sadd.s32 s0, s3;
	s0 =	sld [smem:$0x3FA8]  }
0x30: {  	s3 =	sld [smem:$0x3FAB]  }
0x31: {  	[smem:$0x3FB4] =	sst s10  }
0x32: {  	s10 =	sld [smem:$0x3FB2];
	_ =	sdelay $0x3  }
0x33: {  	p0 =	seq.s32 s10, $0x1;
	s10 =	sld [smem:$0x3FB4];
	_ =	sdelay $0x3  }
0x34: {  	[smem:$0x3FB4] =	sst s10  }
0x35: {  	s10 =	sld [smem:$0x3FB3];
	_ =	sdelay $0x3  }
0x36: {  	p1 =	seq.s32 s10, $0x1;
	s10 =	sld [smem:$0x3FB4];
	_ =	sdelay $0x3  }
0x37: {  	[smem:$0x3FB4] =	sst s10  }
0x38: {  	s10 =	sld [smem:$0x3FB5]  }
0x39: {  	_ = 	snop;
	(pc) =	sbr.ind lr, $3  }
0x3a: {  	_ = 	snop  }
0x3b: {  	_ = 	snop  }
0x3c: {  	p2 =	seq.s32 s10, $0x1;
	s10 =	sld [smem:$0x3FB4]  }
0x3d: {  	_ =	shalt  }
0x3e: {  	_ =	shalt  }
0x3f: {  	_ =	shalt  }
0x40: {  	_ =	shalt  }
0x41: {  	_ =	shalt  }
0x42: {  	_ =	shalt  }
0x43: {  	_ =	shalt  }
0x44: {  	_ =	shalt  }
0x45: {  	_ =	shalt  }
0x46: {  	_ =	shalt  }
0x47: {  	_ =	shalt  }
0x48: {  	_ =	shalt  }
0x49: {  	_ =	shalt  }
0x4a: {  	_ =	shalt  }
0x4b: {  	_ =	shalt  }
0x4c: {  	_ =	shalt  }
0x4d: {  	_ =	shalt  }
0x4e: {  	_ =	shalt  }
0x4f: {  	_ =	shalt  }
0x50: {  	_ =	shalt  }
0x51: {  	_ =	shalt  }
0x52: {  	_ =	shalt  }
0x53: {  	_ =	shalt  }
0x54: {  	_ =	shalt  }
0x55: {  	_ =	shalt  }
0x56: {  	_ =	shalt  }
0x57: {  	_ =	shalt  }
0x58: {  	_ =	shalt  }
0x59: {  	_ =	shalt  }
0x5a: {  	_ =	shalt  }
0x5b: {  	_ =	shalt  }
0x5c: {  	_ =	shalt  }
0x5d: {  	_ =	shalt  }
0x5e: {  	_ =	shalt  }
0x5f: {  	_ =	shalt  }
0x60: {  	_ =	shalt  }
0x61: {  	_ =	shalt  }
0x62: {  	_ =	shalt  }
0x63: {  	_ =	shalt  }
0x64: {  	_ =	shalt  }
0x65: {  	_ =	shalt  }
0x66: {  	_ =	shalt  }
0x67: {  	_ =	shalt  }
0x68: {  	_ =	shalt  }
0x69: {  	_ =	shalt  }
0x6a: {  	_ =	shalt  }
0x6b: {  	_ =	shalt  }
0x6c: {  	_ =	shalt  }
0x6d: {  	_ =	shalt  }
0x6e: {  	_ =	shalt  }
0x6f: {  	_ =	shalt  }
0x70: {  	_ =	shalt  }
0x71: {  	_ =	shalt  }
0x72: {  	_ =	shalt  }
0x73: {  	_ =	shalt  }
0x74: {  	_ =	shalt  }
0x75: {  	_ =	shalt  }
0x76: {  	_ =	shalt  }
0x77: {  	_ =	shalt  }
0x78: {  	_ =	shalt  }
0x79: {  	_ =	shalt  }
0x7a: {  	_ =	shalt  }
0x7b: {  	_ =	shalt  }
0x7c: {  	_ =	shalt  }
0x7d: {  	_ =	shalt  }
0x7e: {  	_ =	shalt  }
0x7f: {  	_ =	shalt  }
0x80: {  	_ =	shalt  }
0x81: {  	_ =	shalt  }
0x82: {  	_ =	shalt  }
0x83: {  	_ =	shalt  }
0x84: {  	_ =	shalt  }
0x85: {  	_ =	shalt  }
0x86: {  	_ =	shalt  }
0x87: {  	_ =	shalt  }
.Lfunc_end0:
.L_simem_size_0:
called_computation.2_lowered:
.L_overlay_start_0:
0x88: {  	s2 =	sld [smem:$0x3FD9]  }
0x89: {  	s3 =	sld [smem:$0x3FFE];
	_ =	sdelay $0x1  }
0x8a: {  	s1 =	srdreg.scid  }
0x8b: {  	s0 =	sand.u32 $0x1, s1  }
0x8c: {  	s17 =	sshll.u32 s0, $0xA;
	s2 =	sadd.s32 s3, s2  }
0x8d: {  	s2 =	sadd.s32 s2, s17  }
0x8e: {  	[smem:$0x3FC0] =	sst s2  }
0x8f: {  	_ = 	snop  }
0x90: {  	s2 =	sld [smem:$0x3FD0];
	(tm) =	ssettm $0x1  }
0x91: {  	s18 =	sld [smem:$0x3FFB];
	_ =	sdelay $0x3  }
0x92: {  	_ =	strace s18  }
0x93: {  	s3 =	sld [smem:$0x3FFC];
	_ =	sdelay $0x3  }
0x94: {  	_ =	strace s3  }
0x95: {  	s3 =	sld [smem:$0x3FFD];
	_ =	sdelay $0x3  }
0x96: {  	_ =	strace s3  }
0x97: {  	_ =	strace $0x8FFFFFFF  }
0x98: {  	s19 =	sld [smem:$0x3FDB];
	_ =	sdelay $0x1  }
0x99: {  	s4 =	simm.s32 $_scs_section_size  }
0x9a: {  	s5 =	simm.s32 $_size__tile_overlayer_lowered;
	s6 =	simm.s32 $_tile_overlayer_lowered  }
0x9b: {  	s22 =	simm.s32 $0x1BFF;
	s21 =	sshll.u32 s6, $0x1;
	s3 =	sadd.s32 s4, s19  }
0x9c: {  	s7 =	simm.s32 $0x0;
	s20 =	sshll.u32 s5, $0x1;
	s5 =	sadd.s32 s21, s3  }
0x9d: {  	[timem:s7], [sflag:s22] =	dma.local [hbm:s5], s20  }
0x9e: {  	_ =	swait.ge [sflag:s22], s20  }
0x9f: {  	s4 =	ssub.s32 $0x0, s20;
	[sflag:s22] =	ssyncset.done $0x0  }
0xa0: {  	[sflag:s22] =	ssyncadd.s32 s4;
	_ =	sdelay $0x1  }
0xa1: {  	s23 =	simm.s32 $0x1B8B  }
0xa2: {  	_ =	swait.ge [sflag:s23], $0x1  }
0xa3: {  	[sflag:s23] =	ssyncset.done $0x0  }
0xa4: {  	s25 =	simm.s32 $0x1B8E;
	s24 =	sld [smem:$0x3FFE];
	[sflag:s23] =	ssyncadd.s32 $0xFFFFFFFF  }
0xa5: {  	s26 =	simm.s32 $execute0_lowered;
	[smem:$0x3FD2] =	sst s25  }
0xa6: {  	s5 =	sshll.u32 s26, $0x1;
	_ =	strace $0x8000004C;
	[dreg:$0x1] =	wrdreg $0xFFFFFFFF  }
0xa7: {  	s28 =	simm.s32 $_size_execute0_lowered;
	s3 =	sadd.s32 s3, s5;
	[dreg:$0x0] =	wrdreg $0x0  }
0xa8: {  	s5 =	sshll.u32 s28, $0x1;
	[dreg:$0x2] =	wrdreg s3  }
0xa9: {  	[dreg:$0x3] =	wrdreg s5  }
0xaa: {  	[dreg:$0x4] =	wrdreg $0xC0  }
0xab: {  	_ =	task [dreg:s7], $0x5FFFF  }
0xac: {  	[dreg:$0x1] =	wrdreg $0xFFFFFFFF  }
0xad: {  	[dreg:$0x0] =	wrdreg $0x60  }
0xae: {  	[dreg:$0x2] =	wrdreg s24  }
0xaf: {  	[dreg:$0x3] =	wrdreg s2  }
0xb0: {  	[dreg:$0x4] =	wrdreg $0xA8000  }
0xb1: {  	[dreg:$0x5] =	wrdreg $0x9  }
0xb2: {  	_ =	task.clear_ibuf [dreg:s7], $0x6FFFF;
	_ =	strace $0x9000004C  }
0xb3: {  	s29 =	simm.s32 $0x9;
	_ =	strace $0x8000004E  }
0xb4: {  	_ =	swait.ge [sflag:s29], $0x1  }
0xb5: {  	[sflag:s29] =	ssyncadd.s32 $0xFFFFFFFF  }
0xb6: {  	_ =	strace $0x9000004E  }
0xb7: {  	_ =	sfence  }
0xb8: {  	s30 =	sld [smem:$0x0];
	_ =	sdelay $0x2  }
0xb9: {  	s31 =	sshll.u32 s1, $0xD;
	s1 =	sshrl.u32 s1, $0x2  }
0xba: {  	s3 =	sand.u32 $0x4000, s31;
	s1 =	sadd.s32 s1, s30  }
0xbb: {  	s0 =	sor.u32 s3, s0;
	s1 =	sshll.u32 s1, $0x11  }
0xbc: {  	s0 =	sor.u32 s1, s0  }
0xbd: {  	s0 =	sadd.s32 $0x8F2B, s0  }
0xbe: {  	[sflag:s0] =	ssyncadd.remote.s32 $0x1  }
0xbf: {  	_ =	sfence.sel $0xFFFF  }
0xc0: {  	[dreg:$0x0] =	wrdreg $0xFFFFFFFF;
	(pc) =	sbr.abs _section_cstart, $3  }
0xc1: {  	[dreg:$0x1] =	wrdreg $0xFFFFFFFF  }
0xc2: {  	_ =	task.clear_ibuf [dreg:s7], $0x2FFFF;
	_ =	strace $0x9FFFFFFF  }
0xc3: {  	(tm) =	ssettm $0x7FFFFFFF  }
tec
execute0_lowered:
.L_overlay_start_1:
0x0: {  	(tag) =	ssettag $0x1  }
0x1: {  	s5 =	rddreg [dreg:$0x0]  }
0x2: {  	s12 =	rddreg [dreg:$0x1]  }
0x3: {  	s0 =	srdreg.scid;
	s2 =	rddreg [dreg:$0x2]  }
0x4: {  	s1 =	stileid.u32;
	s3 =	simm.s32 $0x0;
	s18 =	simm.s32 $0x1400  }
0x5: {  	s19 =	simm.s32 $0x80;
	s20 =	simm.s32 $0x6800;
	s21 =	simm.s32 $0x1  }
0x6: {  	s22 =	simm.s32 $0x2;
	s23 =	simm.s32 $0x1380;
	s24 =	simm.s32 $0x2700  }
0x7: {  	s25 =	simm.s32 $0x2780;
	s26 =	simm.s32 $0x0;
	s6 =	sand.u32 $0x1, s0  }
0x8: {  	s8 =	smul.u32 $0x14000, s1;
	[smem:$0x7FF] =	sst s3;
	s4 =	sadd.s32 $0x33000, s5  }
0x9: {  	s13 =	sadd.s32 $0x29000, s5;
	s28 =	smul.u32 $0x50000, s1;
	s30 =	sshll.u32 s1, $0x1  }
0xa: {  	s7 =	smul.u32 $0x140000, s6;
	s29 =	ssub.s32 $0x2, s6;
	s10 =	sor.u32 s6, s30  }
0xb: {  	_ =	strace $0x8000004D;
	s9 =	sshrl.u32 s29, $0x1;
	s11 =	smul.u32 $0x2800, s10  }
0xc: {  	s16 =	smul.u32 $0x500, s10;
	s7 =	sadd.s32 s8, s7;
	s8 =	sshrl.u32 s28, $0x2  }
0xd: {  	s15 =	ssub.s32 s29, s9;
	s7 =	sshrl.u32 s7, $0x3;
	s17 =	sshrl.u32 s11, $0x3  }
0xe: {  	s10 =	sadd.s32 s12, s16;
	s11 =	sadd.s32 s13, s16;
	s15 =	smax.u32 s15, $0x1  }
0xf: {  	s16 =	simm.s32 $0x2800;
	s14 =	sadd.s32 s7, s5;
	s5 =	sadd.s32 s8, s2  }
0x10: {  	s31 =	sadd.s32 $0x280, s17;
	s17 =	simm.s32 $0x3;
	s6 =	sadd.s32 $0x4000, s5  }
0x11: {  	s7 =	sadd.s32 $0x8000, s5;
	s8 =	sadd.s32 $0xC000, s5;
	s9 =	sadd.s32 $0x10000, s5  }
0x12: {  	v0 =	vimm.f32 $0.0e+00;
	s12 =	sadd.s32 s12, s31;
	s13 =	sadd.s32 s13, s31;
	s14 =	sadd.s32 $0x5B000, s14  }
.LBB2_1:
0x13: {  	s28 =	simm.s32 $0x0;
	s29 =	simm.s32 $0x200  }
.LBB2_2:
0x14: {  	p0 =	sne.s32 s29, $0xFE00;
	[tilespmem:s28+$0x2870] =	vst v0  }
0x15: {  	[tilespmem:s28+$0x2800] =	vst v0  }
0x16: {  	[tilespmem:s28+$0x2810] =	vst v0  }
.Ltmp0:
0x17: {  	[tilespmem:s28+$0x2820] =	vst v0;
	(pc) =	sbr.rel @p0 .LBB2_2-.Ltmp0, $4  }
0x18: {  	[tilespmem:s28+$0x2830] =	vst v0  }
0x19: {  	[tilespmem:s28+$0x2840] =	vst v0  }
0x1a: {  	[tilespmem:s28+$0x2850] =	vst v0  }
0x1b: {  	[tilespmem:s28+$0x2860] =	vst v0;
	s28 =	sshra.s32 s29, $0x2;
	s29 =	sadd.s32 $0x200, s29  }
0x1c: {  	[tilespmem:s28+$0x2870] =	vst v0  }
0x1d: {  	[tilespmem:s28+$0x2800] =	vst v0  }
0x1e: {  	[tilespmem:s28+$0x2810] =	vst v0  }
0x1f: {  	[tilespmem:s28+$0x2820] =	vst v0  }
0x20: {  	[tilespmem:s28+$0x2830] =	vst v0  }
0x21: {  	[tilespmem:s28+$0x2840] =	vst v0  }
0x22: {  	[tilespmem:s28+$0x2850] =	vst v0  }
0x23: {  	[tilespmem:s28+$0x2860] =	vst v0  }
0x24: {  	[spmem:s5] =	stream.linear.scatter [tilespmem:s16], [sflag:$0x3], $0x4000, $0x38;
	[tilespmem:$0x1E800] =	vst v63  }
0x25: {  	_ =	swait.ge [sflag:s17], $0x4000  }
0x26: {  	[sflag:s17] =	ssyncset.done $0x0  }
0x27: {  	[sflag:s17] =	ssyncadd.s32 $0xFFFFC000  }
0x28: {  	[spmem:s6] =	stream.linear.scatter [tilespmem:s16], [sflag:$0x3], $0x4000, $0x38;
	[tilespmem:$0x1E800] =	vst v63  }
0x29: {  	_ =	swait.ge [sflag:s17], $0x4000  }
0x2a: {  	[sflag:s17] =	ssyncset.done $0x0  }
0x2b: {  	[sflag:s17] =	ssyncadd.s32 $0xFFFFC000  }
0x2c: {  	[spmem:s7] =	stream.linear.scatter [tilespmem:s16], [sflag:$0x3], $0x4000, $0x38;
	[tilespmem:$0x1E800] =	vst v63  }
0x2d: {  	_ =	swait.ge [sflag:s17], $0x4000  }
0x2e: {  	[sflag:s17] =	ssyncset.done $0x0  }
0x2f: {  	[sflag:s17] =	ssyncadd.s32 $0xFFFFC000  }
0x30: {  	[spmem:s8] =	stream.linear.scatter [tilespmem:s16], [sflag:$0x3], $0x4000, $0x38;
	[tilespmem:$0x1E800] =	vst v63  }
0x31: {  	_ =	swait.ge [sflag:s17], $0x4000  }
0x32: {  	[sflag:s17] =	ssyncset.done $0x0  }
0x33: {  	[sflag:s17] =	ssyncadd.s32 $0xFFFFC000  }
0x34: {  	[spmem:s9] =	stream.linear.scatter [tilespmem:s16], [sflag:$0x3], $0x4000, $0x38;
	[tilespmem:$0x1E800] =	vst v63  }
0x35: {  	_ =	swait.ge [sflag:s17], $0x4000  }
0x36: {  	[sflag:s17] =	ssyncset.done $0x0  }
0x37: {  	[sflag:s17] =	ssyncadd.s32 $0xFFFFC000  }
0x38: {  	s28 =	simm.s32 $0x0;
	[bflag:$0x0] =	sbarrier.arrive $0xFFFF  }
0x39: {  	[tilespmem:s28], [sflag:$0x3] =	stream.linear.gather [hbm4b:s10+s28], $0x1400, $0x38;
	[tilespmem:$0x1E800] =	vst v63  }
0x3a: {  	_ =	swait.ge [sflag:s17], $0x1400  }
0x3b: {  	[sflag:s17] =	ssyncset.done $0x0  }
0x3c: {  	[sflag:s17] =	ssyncadd.s32 $0xFFFFEC00  }
0x3d: {  	[tilespmem:s18], [sflag:$0x3] =	stream.linear.gather [hbm4b:s11+s28], $0x1400, $0x38;
	[tilespmem:$0x1E800] =	vst v63  }
0x3e: {  	_ =	swait.ge [sflag:s17], $0x1400  }
0x3f: {  	[sflag:s17] =	ssyncset.done $0x0  }
0x40: {  	[sflag:s17] =	ssyncadd.s32 $0xFFFFEC00  }
0x41: {  	[tilespmem:s16], [sflag:$0x1] =	stream.indirect.gather [hbm4b:s4+s19], $0x80, s28, s19, $0xb8;
	[tilespmem:$0x1E800] =	vst v63  }
0x42: {  	s28 =	simm.s32 $0x80  }
0x43: {  	[tilespmem:s20], [sflag:$0x2] =	stream.indirect.gather [hbm4b:s4+s19], $0x80, s28, s19, $0xb8;
	[tilespmem:$0x1E800] =	vst v63  }
0x44: {  	_ =	swait.ge [sflag:s21], $0x4000  }
0x45: {  	[sflag:s21] =	ssyncset.done $0x0  }
0x46: {  	s28 =	simm.s32 $0x1400;
	[sflag:s21] =	ssyncadd.s32 $0xFFFFC000  }
0x47: {  	[spmem:s2] =	stream.indirect.scatter.add.f32 [tilespmem:s16], [sflag:$0x3], $0x80, s28, s19, $0xb8;
	[tilespmem:$0x1E800] =	vst v63  }
0x48: {  	_ =	swait.ge [sflag:s17], $0x4000  }
0x49: {  	[sflag:s17] =	ssyncset.done $0x0  }
0x4a: {  	s28 =	simm.s32 $0x100;
	[sflag:s17] =	ssyncadd.s32 $0xFFFFC000  }
0x4b: {  	[tilespmem:s16], [sflag:$0x1] =	stream.indirect.gather [hbm4b:s4+s19], $0x80, s28, s19, $0xb8;
	[tilespmem:$0x1E800] =	vst v63  }
0x4c: {  	_ =	swait.ge [sflag:s22], $0x4000  }
0x4d: {  	[sflag:s22] =	ssyncset.done $0x0  }
0x4e: {  	s28 =	simm.s32 $0x1480;
	[sflag:s22] =	ssyncadd.s32 $0xFFFFC000  }
0x4f: {  	[spmem:s2] =	stream.indirect.scatter.add.f32 [tilespmem:s20], [sflag:$0x3], $0x80, s28, s19, $0xb8;
	[tilespmem:$0x1E800] =	vst v63  }
0x50: {  	_ =	swait.ge [sflag:s17], $0x4000  }
0x51: {  	s29 =	simm.s32 $0x800;
	s28 =	simm.s32 $0x100;
	[sflag:s17] =	ssyncset.done $0x0  }
.LBB2_4:
0x52: {  	s30 =	sadd.s32 $0x80, s28  }
0x53: {  	[sflag:s17] =	ssyncadd.s32 $0xFFFFC000;
	s31 =	smov.u32 s29;
	s0 =	sadd.s32 $0x400, s29  }
0x54: {  	[tilespmem:s20], [sflag:$0x2] =	stream.indirect.gather [hbm4b:s4+s19], $0x80, s30, s19, $0xb8;
	[tilespmem:$0x1E800] =	vst v63  }
0x55: {  	p0 =	sne.s32 s29, $0x4800;
	_ =	swait.ge [sflag:s21], $0x4000  }
0x56: {  	[sflag:s21] =	ssyncset.done $0x0  }
0x57: {  	s29 =	sadd.s32 $0x1400, s28;
	[sflag:s21] =	ssyncadd.s32 $0xFFFFC000  }
0x58: {  	[spmem:s2] =	stream.indirect.scatter.add.f32 [tilespmem:s16], [sflag:$0x3], $0x80, s29, s19, $0xb8;
	[tilespmem:$0x1E800] =	vst v63  }
0x59: {  	_ =	swait.ge [sflag:s17], $0x4000  }
0x5a: {  	[sflag:s17] =	ssyncset.done $0x0  }
0x5b: {  	s29 =	sadd.s32 $0x100, s28;
	[sflag:s17] =	ssyncadd.s32 $0xFFFFC000  }
0x5c: {  	[tilespmem:s16], [sflag:$0x1] =	stream.indirect.gather [hbm4b:s4+s19], $0x80, s29, s19, $0xb8;
	[tilespmem:$0x1E800] =	vst v63  }
0x5d: {  	_ =	swait.ge [sflag:s22], $0x4000  }
.Ltmp1:
0x5e: {  	[sflag:s22] =	ssyncset.done $0x0;
	(pc) =	sbr.rel @p0 .LBB2_4-.Ltmp1, $4  }
0x5f: {  	s28 =	sadd.s32 $0x1480, s28;
	[sflag:s22] =	ssyncadd.s32 $0xFFFFC000  }
0x60: {  	[spmem:s2] =	stream.indirect.scatter.add.f32 [tilespmem:s20], [sflag:$0x3], $0x80, s28, s19, $0xb8;
	[tilespmem:$0x1E800] =	vst v63  }
0x61: {  	_ =	swait.ge [sflag:s17], $0x4000  }
0x62: {  	s29 =	smov.u32 s0;
	s28 =	sshra.s32 s31, $0x2;
	[sflag:s17] =	ssyncset.done $0x0  }
0x63: {  	s0 =	sadd.s32 $0x80, s28;
	[sflag:s17] =	ssyncadd.s32 $0xFFFFC000  }
0x64: {  	[tilespmem:s20], [sflag:$0x2] =	stream.indirect.gather [hbm4b:s4+s19], $0x80, s0, s19, $0xb8;
	[tilespmem:$0x1E800] =	vst v63  }
0x65: {  	_ =	swait.ge [sflag:s21], $0x4000  }
0x66: {  	[sflag:s21] =	ssyncset.done $0x0  }
0x67: {  	s30 =	sadd.s32 $0x1400, s28;
	[sflag:s21] =	ssyncadd.s32 $0xFFFFC000  }
0x68: {  	[spmem:s2] =	stream.indirect.scatter.add.f32 [tilespmem:s16], [sflag:$0x3], $0x80, s30, s19, $0xb8;
	[tilespmem:$0x1E800] =	vst v63  }
0x69: {  	_ =	swait.ge [sflag:s17], $0x4000  }
0x6a: {  	[sflag:s17] =	ssyncset.done $0x0  }
0x6b: {  	s31 =	sadd.s32 $0x100, s28;
	[sflag:s17] =	ssyncadd.s32 $0xFFFFC000  }
0x6c: {  	[tilespmem:s16], [sflag:$0x1] =	stream.indirect.gather [hbm4b:s4+s19], $0x80, s31, s19, $0xb8;
	[tilespmem:$0x1E800] =	vst v63  }
0x6d: {  	_ =	swait.ge [sflag:s22], $0x4000  }
0x6e: {  	[sflag:s22] =	ssyncset.done $0x0  }
0x6f: {  	s30 =	sadd.s32 $0x1480, s28;
	[sflag:s22] =	ssyncadd.s32 $0xFFFFC000  }
0x70: {  	[spmem:s2] =	stream.indirect.scatter.add.f32 [tilespmem:s20], [sflag:$0x3], $0x80, s30, s19, $0xb8;
	[tilespmem:$0x1E800] =	vst v63  }
0x71: {  	_ =	swait.ge [sflag:s17], $0x4000  }
0x72: {  	[sflag:s17] =	ssyncset.done $0x0  }
0x73: {  	[sflag:s17] =	ssyncadd.s32 $0xFFFFC000  }
0x74: {  	[tilespmem:s20], [sflag:$0x2] =	stream.indirect.gather [hbm4b:s4+s19], $0x80, s23, s19, $0xb8;
	[tilespmem:$0x1E800] =	vst v63  }
0x75: {  	_ =	swait.ge [sflag:s21], $0x4000  }
0x76: {  	[sflag:s21] =	ssyncset.done $0x0  }
0x77: {  	[sflag:s21] =	ssyncadd.s32 $0xFFFFC000  }
0x78: {  	[spmem:s2] =	stream.indirect.scatter.add.f32 [tilespmem:s16], [sflag:$0x3], $0x80, s24, s19, $0xb8;
	[tilespmem:$0x1E800] =	vst v63  }
0x79: {  	_ =	swait.ge [sflag:s17], $0x4000  }
0x7a: {  	[sflag:s17] =	ssyncset.done $0x0  }
0x7b: {  	s31 =	simm.s32 $0x0;
	[sflag:s17] =	ssyncadd.s32 $0xFFFFC000  }
0x7c: {  	[tilespmem:s16], [sflag:$0x1] =	stream.indirect.gather [hbm4b:s4+s19], $0x80, s31, s19, $0xb8;
	[tilespmem:$0x1E800] =	vst v63  }
0x7d: {  	_ =	swait.ge [sflag:s22], $0x4000  }
0x7e: {  	[sflag:s22] =	ssyncset.done $0x0  }
0x7f: {  	[sflag:s22] =	ssyncadd.s32 $0xFFFFC000  }
0x80: {  	[spmem:s2] =	stream.indirect.scatter.add.f32 [tilespmem:s20], [sflag:$0x3], $0x80, s25, s19, $0xb8;
	[tilespmem:$0x1E800] =	vst v63  }
0x81: {  	_ =	swait.ge [sflag:s17], $0x4000  }
0x82: {  	[sflag:s17] =	ssyncset.done $0x0  }
0x83: {  	[sflag:s17] =	ssyncadd.s32 $0xFFFFC000  }
0x84: {  	_ =	swait.ge [sflag:s21], $0x4000  }
0x85: {  	[sflag:s21] =	ssyncset.done $0x0  }
0x86: {  	[sflag:s21] =	ssyncadd.s32 $0xFFFFC000  }
0x87: {  	[tilespmem:s31], [sflag:$0x3] =	stream.linear.gather [hbm4b:s12+s31], $0x1400, $0x38;
	[tilespmem:$0x1E800] =	vst v63  }
0x88: {  	_ =	swait.ge [sflag:s17], $0x1400  }
0x89: {  	[sflag:s17] =	ssyncset.done $0x0  }
0x8a: {  	[sflag:s17] =	ssyncadd.s32 $0xFFFFEC00  }
0x8b: {  	[tilespmem:s18], [sflag:$0x3] =	stream.linear.gather [hbm4b:s13+s31], $0x1400, $0x38;
	[tilespmem:$0x1E800] =	vst v63  }
0x8c: {  	_ =	swait.ge [sflag:s17], $0x1400  }
0x8d: {  	[sflag:s17] =	ssyncset.done $0x0  }
0x8e: {  	[sflag:s17] =	ssyncadd.s32 $0xFFFFEC00  }
0x8f: {  	[tilespmem:s16], [sflag:$0x1] =	stream.indirect.gather [hbm4b:s4+s19], $0x80, s31, s19, $0xb8;
	[tilespmem:$0x1E800] =	vst v63  }
0x90: {  	s30 =	simm.s32 $0x80  }
0x91: {  	[tilespmem:s20], [sflag:$0x2] =	stream.indirect.gather [hbm4b:s4+s19], $0x80, s30, s19, $0xb8;
	[tilespmem:$0x1E800] =	vst v63  }
0x92: {  	_ =	swait.ge [sflag:s21], $0x4000  }
0x93: {  	[sflag:s21] =	ssyncset.done $0x0  }
0x94: {  	s31 =	simm.s32 $0x1400;
	[sflag:s21] =	ssyncadd.s32 $0xFFFFC000  }
0x95: {  	[spmem:s2] =	stream.indirect.scatter.add.f32 [tilespmem:s16], [sflag:$0x3], $0x80, s31, s19, $0xb8;
	[tilespmem:$0x1E800] =	vst v63  }
0x96: {  	_ =	swait.ge [sflag:s17], $0x4000  }
0x97: {  	[sflag:s17] =	ssyncset.done $0x0  }
0x98: {  	s30 =	simm.s32 $0x100;
	[sflag:s17] =	ssyncadd.s32 $0xFFFFC000  }
0x99: {  	[tilespmem:s16], [sflag:$0x1] =	stream.indirect.gather [hbm4b:s4+s19], $0x80, s30, s19, $0xb8;
	[tilespmem:$0x1E800] =	vst v63  }
0x9a: {  	_ =	swait.ge [sflag:s22], $0x4000  }
0x9b: {  	[sflag:s22] =	ssyncset.done $0x0  }
0x9c: {  	s31 =	simm.s32 $0x1480;
	[sflag:s22] =	ssyncadd.s32 $0xFFFFC000  }
0x9d: {  	[spmem:s2] =	stream.indirect.scatter.add.f32 [tilespmem:s20], [sflag:$0x3], $0x80, s31, s19, $0xb8;
	[tilespmem:$0x1E800] =	vst v63  }
0x9e: {  	_ =	swait.ge [sflag:s17], $0x4000  }
0x9f: {  	s29 =	simm.s32 $0x800;
	s28 =	simm.s32 $0x100;
	[sflag:s17] =	ssyncset.done $0x0  }
.LBB2_6:
0xa0: {  	s0 =	sadd.s32 $0x80, s28  }
0xa1: {  	[sflag:s17] =	ssyncadd.s32 $0xFFFFC000;
	s30 =	smov.u32 s29;
	s31 =	sadd.s32 $0x400, s29  }
0xa2: {  	[tilespmem:s20], [sflag:$0x2] =	stream.indirect.gather [hbm4b:s4+s19], $0x80, s0, s19, $0xb8;
	[tilespmem:$0x1E800] =	vst v63  }
0xa3: {  	p0 =	sne.s32 s29, $0x4800;
	_ =	swait.ge [sflag:s21], $0x4000  }
0xa4: {  	[sflag:s21] =	ssyncset.done $0x0  }
0xa5: {  	s0 =	sadd.s32 $0x1400, s28;
	[sflag:s21] =	ssyncadd.s32 $0xFFFFC000  }
0xa6: {  	[spmem:s2] =	stream.indirect.scatter.add.f32 [tilespmem:s16], [sflag:$0x3], $0x80, s0, s19, $0xb8;
	[tilespmem:$0x1E800] =	vst v63  }
0xa7: {  	_ =	swait.ge [sflag:s17], $0x4000  }
0xa8: {  	[sflag:s17] =	ssyncset.done $0x0  }
0xa9: {  	s0 =	sadd.s32 $0x100, s28;
	[sflag:s17] =	ssyncadd.s32 $0xFFFFC000  }
0xaa: {  	[tilespmem:s16], [sflag:$0x1] =	stream.indirect.gather [hbm4b:s4+s19], $0x80, s0, s19, $0xb8;
	[tilespmem:$0x1E800] =	vst v63  }
0xab: {  	_ =	swait.ge [sflag:s22], $0x4000  }
.Ltmp2:
0xac: {  	[sflag:s22] =	ssyncset.done $0x0;
	(pc) =	sbr.rel @p0 .LBB2_6-.Ltmp2, $4  }
0xad: {  	s0 =	sadd.s32 $0x1480, s28;
	[sflag:s22] =	ssyncadd.s32 $0xFFFFC000  }
0xae: {  	[spmem:s2] =	stream.indirect.scatter.add.f32 [tilespmem:s20], [sflag:$0x3], $0x80, s0, s19, $0xb8;
	[tilespmem:$0x1E800] =	vst v63  }
0xaf: {  	_ =	swait.ge [sflag:s17], $0x4000  }
0xb0: {  	s29 =	smov.u32 s31;
	s28 =	sshra.s32 s30, $0x2;
	[sflag:s17] =	ssyncset.done $0x0  }
0xb1: {  	s0 =	sadd.s32 $0x80, s28;
	[sflag:s17] =	ssyncadd.s32 $0xFFFFC000  }
0xb2: {  	[tilespmem:s20], [sflag:$0x2] =	stream.indirect.gather [hbm4b:s4+s19], $0x80, s0, s19, $0xb8;
	[tilespmem:$0x1E800] =	vst v63  }
0xb3: {  	_ =	swait.ge [sflag:s21], $0x4000  }
0xb4: {  	[sflag:s21] =	ssyncset.done $0x0  }
0xb5: {  	s30 =	sadd.s32 $0x1400, s28;
	[sflag:s21] =	ssyncadd.s32 $0xFFFFC000  }
0xb6: {  	[spmem:s2] =	stream.indirect.scatter.add.f32 [tilespmem:s16], [sflag:$0x3], $0x80, s30, s19, $0xb8;
	[tilespmem:$0x1E800] =	vst v63  }
0xb7: {  	_ =	swait.ge [sflag:s17], $0x4000  }
0xb8: {  	[sflag:s17] =	ssyncset.done $0x0  }
0xb9: {  	s31 =	sadd.s32 $0x100, s28;
	[sflag:s17] =	ssyncadd.s32 $0xFFFFC000  }
0xba: {  	[tilespmem:s16], [sflag:$0x1] =	stream.indirect.gather [hbm4b:s4+s19], $0x80, s31, s19, $0xb8;
	[tilespmem:$0x1E800] =	vst v63  }
0xbb: {  	_ =	swait.ge [sflag:s22], $0x4000  }
0xbc: {  	[sflag:s22] =	ssyncset.done $0x0  }
0xbd: {  	s29 =	sadd.s32 $0x1480, s28;
	[sflag:s22] =	ssyncadd.s32 $0xFFFFC000  }
0xbe: {  	[spmem:s2] =	stream.indirect.scatter.add.f32 [tilespmem:s20], [sflag:$0x3], $0x80, s29, s19, $0xb8;
	[tilespmem:$0x1E800] =	vst v63  }
0xbf: {  	_ =	swait.ge [sflag:s17], $0x4000  }
0xc0: {  	[sflag:s17] =	ssyncset.done $0x0  }
0xc1: {  	[sflag:s17] =	ssyncadd.s32 $0xFFFFC000  }
0xc2: {  	[tilespmem:s20], [sflag:$0x2] =	stream.indirect.gather [hbm4b:s4+s19], $0x80, s23, s19, $0xb8;
	[tilespmem:$0x1E800] =	vst v63  }
0xc3: {  	_ =	swait.ge [sflag:s21], $0x4000  }
0xc4: {  	[sflag:s21] =	ssyncset.done $0x0  }
0xc5: {  	[sflag:s21] =	ssyncadd.s32 $0xFFFFC000  }
0xc6: {  	[spmem:s2] =	stream.indirect.scatter.add.f32 [tilespmem:s16], [sflag:$0x3], $0x80, s24, s19, $0xb8;
	[tilespmem:$0x1E800] =	vst v63  }
0xc7: {  	_ =	swait.ge [sflag:s17], $0x4000  }
0xc8: {  	[sflag:s17] =	ssyncset.done $0x0  }
0xc9: {  	[sflag:s17] =	ssyncadd.s32 $0xFFFFC000  }
0xca: {  	[tilespmem:s16], [sflag:$0x1] =	stream.indirect.gather [hbm4b:s4+s19], $0x80, s3, s19, $0xb8;
	[tilespmem:$0x1E800] =	vst v63  }
0xcb: {  	_ =	swait.ge [sflag:s22], $0x4000  }
0xcc: {  	[sflag:s22] =	ssyncset.done $0x0  }
0xcd: {  	[sflag:s22] =	ssyncadd.s32 $0xFFFFC000  }
0xce: {  	[spmem:s2] =	stream.indirect.scatter.add.f32 [tilespmem:s20], [sflag:$0x3], $0x80, s25, s19, $0xb8;
	[tilespmem:$0x1E800] =	vst v63  }
0xcf: {  	_ =	swait.ge [sflag:s17], $0x4000  }
0xd0: {  	[sflag:s17] =	ssyncset.done $0x0  }
0xd1: {  	[sflag:s17] =	ssyncadd.s32 $0xFFFFC000  }
0xd2: {  	_ =	swait.ge [sflag:s21], $0x4000  }
0xd3: {  	s26 =	sadd.s32 $0x1, s26;
	s30 =	sshll.u32 s1, $0x6;
	[sflag:s21] =	ssyncset.done $0x0  }
0xd4: {  	p0 =	sne.s32 s26, s15;
	s0 =	sor.u32 $0x1C03, s30;
	[sflag:s21] =	ssyncadd.s32 $0xFFFFC000  }
.Ltmp3:
0xd5: {  	s31 =	sshrl.u32 s5, $0x3;
	[bflag:$0x0] =	sbarrier.arrive $0xFFFF;
	(pc) =	sbr.rel @p0 .LBB2_1-.Ltmp3, $4  }
0xd6: {  	[hbm:s14], [sflag:s0] =	dma.local [spmem:s31], $0x2800  }
0xd7: {  	_ =	swait.ge [sflag:s17], $0x2800  }
0xd8: {  	[sflag:s17] =	ssyncset.done $0x0  }
0xd9: {  	[sflag:s17] =	ssyncadd.s32 $0xFFFFD800  }
0xda: {  	_ =	sfence.sel $0x180000  }
0xdb: {  	[bflag:$0x0] =	sbarrier.arrive $0xFFFF  }
0xdc: {  	_ =	strace $0x9000004D  }
0xdd: {  	[bflag:$0x2] =	sbarrier.arrive $0xFFFF  }
0xde: {  	p0 =	sne.s32 s1, $0x0;
	s0 =	rddreg [dreg:$0x3]  }
0xdf: {  	s0 =	sadd.s32 @!p0 $0x100000, s0  }
0xe0: {  	[sflag:s0] =	ssyncadd.tile.s32 @!p0 $0x1;
	_ =	shalt  }
.Lfunc_end2:
_tile_overlayer_lowered:
.L_overlay_start_2:
0xe1: {  	(tag) =	ssettag $0x2  }
0xe2: {  	s0 =	rddreg [dreg:$0x0];
	s2 =	stileid.u32  }
0xe3: {  	s1 =	rddreg [dreg:$0x1];
	p0 =	sne.s32 s2, $0x0  }
0xe4: {  	s3 =	rddreg [dreg:$0x2];
	[bflag:$0x3] =	sbarrier.arrive $0xFFFF;
	s2 =	simm.s32 @!p0 $0x1C03  }
0xe5: {  	[timem:s3], [sflag:s2] =	dma.local @!p0 [hbm:s0], s1  }
0xe6: {  	s0 =	simm.s32 @!p0 $0x3  }
0xe7: {  	_ =	swait.ge @!p0 [sflag:s0], s1  }
0xe8: {  	s1 =	ssub.s32 @!p0 $0x0, s1;
	[sflag:s0] =	ssyncset.done @!p0 $0x0  }
0xe9: {  	[sflag:s0] =	ssyncadd.s32 @!p0 s1  }
0xea: {  	[bflag:$0x3] =	sbarrier.arrive $0xFFFF  }
0xeb: {  	_ =	shalt  }

// kernel: kernel.8.cloned.1.call-start
scs
__scs_entry_jumppad:
0x0: {  	(pc) =	sbr.rel $0x88, $3  }
0x1: {  	(tag) =	ssettag $0x0;
	lr =	simm.s32 $0x1  }
0x2: {  	[smem:$0x3F99] =	sst lr;
	_ =	strace $0xD0000000  }
0x3: {  	_ = 	snop  }
0x4: {  	_ = 	snop  }
0x5: {  	_ = 	snop  }
0x6: {  	_ = 	snop  }
0x7: {  	_ = 	snop  }
__scs_overlays_trampoline_lowered:
0x8: {  	[smem:$0x3FA8] =	sst s0  }
0x9: {  	[smem:$0x3FA9] =	sst s1  }
0xa: {  	[smem:$0x3FAA] =	sst s2  }
0xb: {  	[smem:$0x3FAB] =	sst s3  }
0xc: {  	[smem:$0x3FAC] =	sst s4  }
0xd: {  	[smem:$0x3FAD] =	sst s5  }
0xe: {  	[smem:$0x3FAE] =	sst s6  }
0xf: {  	[smem:$0x3FAF] =	sst s7  }
0x10: {  	[smem:$0x3FB0] =	sst s8  }
0x11: {  	[smem:$0x3FB1] =	sst s9;
	s0 =	simm.s32 @!p0 $0x0  }
0x12: {  	s1 =	sld [smem:$0x3F97];
	s0 =	simm.s32 @p0 $0x1  }
0x13: {  	[smem:$0x3FB2] =	sst s0;
	s0 =	simm.s32 @!p1 $0x0  }
0x14: {  	s2 =	sld [smem:$0x3F96];
	s0 =	simm.s32 @p1 $0x1  }
0x15: {  	[smem:$0x3FB3] =	sst s0;
	s0 =	simm.s32 @!p2 $0x0  }
0x16: {  	s3 =	sld [smem:$0x3FDB];
	s0 =	simm.s32 @p2 $0x1  }
0x17: {  	s4 =	simm.s32 $0x1BF5;
	[smem:$0x3FB5] =	sst s0  }
0x18: {  	s0 =	sld [smem:$0x3F98];
	_ =	swait.ge [sflag:s4], $0x0  }
0x19: {  	s7 =	sld [smem:$0x3F99]  }
0x1a: {  	s8 =	sadd.s32 $0xFFFFE003, lr  }
0x1b: {  	s9 =	sadd.s32 $0xFFFFFEF7, lr;
	s5 =	simm.s32 $0xFFFFFFFF;
	p2 =	slt.u32 s8, $0xFFFFF086  }
0x1c: {  	p1 =	slt.u32 s9, $0xF7A;
	s5 =	simm.s32 @!p2 $0x0  }
0x1d: {  	s5 =	simm.s32 @p1 $0x1;
	p0 =	seq.s32 s7, s2  }
0x1e: {  	s7 =	smul.u32 @!p0 $0xF7A, s2;
	p2 =	seq.s32 @!p0 s5, $0x0  }
0x1f: {  	s9 =	smul.u32 $0xF7A, s1;
	s8 =	simm.s32 @!p0 $0x1BF5;
	p2 =	por !p2, p0  }
0x20: {  	[sflag:s8] =	ssyncset.s32 @!p0 $0xFFFFF086;
	s6 =	sadd.s32 @!p0 s3, s7;
	s7 =	simm.s32 @!p0 $0x108  }
0x21: {  	s3 =	sadd.s32 s3, s9;
	s6 =	sadd.s32 @!p0 $0x88, s6;
	s7 =	simm.s32 @p2 $0x1082  }
0x22: {  	[simem:s7], [sflag:s8] =	dma.local @!p0 [hbm:s6], $0xF7A  }
0x23: {  	s9 =	sor.u32 $0xD0000000, s2;
	s6 =	simm.s32 $0x108;
	_ =	swait.ge @!p0 [sflag:s8], $0x0  }
0x24: {  	s3 =	sadd.s32 $0x88, s3;
	s6 =	simm.s32 @!p1 $0x1082;
	[sflag:s4] =	ssyncset.s32 $0xFFFFF086  }
0x25: {  	[simem:s6], [sflag:s4] =	dma.local [hbm:s3], $0xF7A  }
0x26: {  	[smem:$0x3F99] =	sst s1;
	(tag) =	ssettag s2;
	_ =	strace s9  }
0x27: {  	s1 =	sld [smem:$0x3FA9]  }
0x28: {  	s2 =	sld [smem:$0x3FAA]  }
0x29: {  	s4 =	sld [smem:$0x3FAC]  }
0x2a: {  	p0 =	seq.s32 s5, $0x0;
	s5 =	sld [smem:$0x3FAD]  }
0x2b: {  	s6 =	sld [smem:$0x3FAE]  }
0x2c: {  	s7 =	sld [smem:$0x3FAF]  }
0x2d: {  	s3 =	simm.s32 $0x108;
	s8 =	sld [smem:$0x3FB0]  }
0x2e: {  	s3 =	simm.s32 @!p0 $0x1082;
	s9 =	sld [smem:$0x3FB1]  }
0x2f: {  	lr =	sadd.s32 s0, s3;
	s0 =	sld [smem:$0x3FA8]  }
0x30: {  	s3 =	sld [smem:$0x3FAB]  }
0x31: {  	[smem:$0x3FB4] =	sst s10  }
0x32: {  	s10 =	sld [smem:$0x3FB2];
	_ =	sdelay $0x3  }
0x33: {  	p0 =	seq.s32 s10, $0x1;
	s10 =	sld [smem:$0x3FB4];
	_ =	sdelay $0x3  }
0x34: {  	[smem:$0x3FB4] =	sst s10  }
0x35: {  	s10 =	sld [smem:$0x3FB3];
	_ =	sdelay $0x3  }
0x36: {  	p1 =	seq.s32 s10, $0x1;
	s10 =	sld [smem:$0x3FB4];
	_ =	sdelay $0x3  }
0x37: {  	[smem:$0x3FB4] =	sst s10  }
0x38: {  	s10 =	sld [smem:$0x3FB5]  }
0x39: {  	_ = 	snop;
	(pc) =	sbr.ind lr, $3  }
0x3a: {  	_ = 	snop  }
0x3b: {  	_ = 	snop  }
0x3c: {  	p2 =	seq.s32 s10, $0x1;
	s10 =	sld [smem:$0x3FB4]  }
0x3d: {  	_ =	shalt  }
0x3e: {  	_ =	shalt  }
0x3f: {  	_ =	shalt  }
0x40: {  	_ =	shalt  }
0x41: {  	_ =	shalt  }
0x42: {  	_ =	shalt  }
0x43: {  	_ =	shalt  }
0x44: {  	_ =	shalt  }
0x45: {  	_ =	shalt  }
0x46: {  	_ =	shalt  }
0x47: {  	_ =	shalt  }
0x48: {  	_ =	shalt  }
0x49: {  	_ =	shalt  }
0x4a: {  	_ =	shalt  }
0x4b: {  	_ =	shalt  }
0x4c: {  	_ =	shalt  }
0x4d: {  	_ =	shalt  }
0x4e: {  	_ =	shalt  }
0x4f: {  	_ =	shalt  }
0x50: {  	_ =	shalt  }
0x51: {  	_ =	shalt  }
0x52: {  	_ =	shalt  }
0x53: {  	_ =	shalt  }
0x54: {  	_ =	shalt  }
0x55: {  	_ =	shalt  }
0x56: {  	_ =	shalt  }
0x57: {  	_ =	shalt  }
0x58: {  	_ =	shalt  }
0x59: {  	_ =	shalt  }
0x5a: {  	_ =	shalt  }
0x5b: {  	_ =	shalt  }
0x5c: {  	_ =	shalt  }
0x5d: {  	_ =	shalt  }
0x5e: {  	_ =	shalt  }
0x5f: {  	_ =	shalt  }
0x60: {  	_ =	shalt  }
0x61: {  	_ =	shalt  }
0x62: {  	_ =	shalt  }
0x63: {  	_ =	shalt  }
0x64: {  	_ =	shalt  }
0x65: {  	_ =	shalt  }
0x66: {  	_ =	shalt  }
0x67: {  	_ =	shalt  }
0x68: {  	_ =	shalt  }
0x69: {  	_ =	shalt  }
0x6a: {  	_ =	shalt  }
0x6b: {  	_ =	shalt  }
0x6c: {  	_ =	shalt  }
0x6d: {  	_ =	shalt  }
0x6e: {  	_ =	shalt  }
0x6f: {  	_ =	shalt  }
0x70: {  	_ =	shalt  }
0x71: {  	_ =	shalt  }
0x72: {  	_ =	shalt  }
0x73: {  	_ =	shalt  }
0x74: {  	_ =	shalt  }
0x75: {  	_ =	shalt  }
0x76: {  	_ =	shalt  }
0x77: {  	_ =	shalt  }
0x78: {  	_ =	shalt  }
0x79: {  	_ =	shalt  }
0x7a: {  	_ =	shalt  }
0x7b: {  	_ =	shalt  }
0x7c: {  	_ =	shalt  }
0x7d: {  	_ =	shalt  }
0x7e: {  	_ =	shalt  }
0x7f: {  	_ =	shalt  }
0x80: {  	_ =	shalt  }
0x81: {  	_ =	shalt  }
0x82: {  	_ =	shalt  }
0x83: {  	_ =	shalt  }
0x84: {  	_ =	shalt  }
0x85: {  	_ =	shalt  }
0x86: {  	_ =	shalt  }
0x87: {  	_ =	shalt  }
.Lfunc_end0:
.L_simem_size_0:
called_computation_lowered:
.L_overlay_start_0:
0x88: {  	s2 =	sld [smem:$0x3FD9]  }
0x89: {  	s3 =	sld [smem:$0x3FFE];
	_ =	sdelay $0x1  }
0x8a: {  	s1 =	srdreg.scid  }
0x8b: {  	s0 =	sand.u32 $0x1, s1  }
0x8c: {  	s17 =	sshll.u32 s0, $0xA;
	s2 =	sadd.s32 s3, s2  }
0x8d: {  	s2 =	sadd.s32 s2, s17  }
0x8e: {  	[smem:$0x3FC0] =	sst s2  }
0x8f: {  	_ = 	snop  }
0x90: {  	(tm) =	ssettm $0x1  }
0x91: {  	s18 =	sld [smem:$0x3FFB];
	_ =	sdelay $0x3  }
0x92: {  	_ =	strace s18  }
0x93: {  	s2 =	sld [smem:$0x3FFC];
	_ =	sdelay $0x3  }
0x94: {  	_ =	strace s2  }
0x95: {  	s2 =	sld [smem:$0x3FFD];
	_ =	sdelay $0x3  }
0x96: {  	_ =	strace s2  }
0x97: {  	_ =	strace $0x8FFFFFFF  }
0x98: {  	s19 =	sld [smem:$0x3FDB];
	_ =	sdelay $0x1  }
0x99: {  	s20 =	simm.s32 $_scs_section_size  }
0x9a: {  	s4 =	simm.s32 $_size__tile_overlayer_lowered;
	s5 =	simm.s32 $_tile_overlayer_lowered  }
0x9b: {  	s6 =	simm.s32 $0x1BFF;
	s21 =	sshll.u32 s5, $0x1;
	s3 =	sadd.s32 s20, s19  }
0x9c: {  	s22 =	simm.s32 $0x0;
	s4 =	sshll.u32 s4, $0x1;
	s5 =	sadd.s32 s21, s3  }
0x9d: {  	[timem:s22], [sflag:s6] =	dma.local [hbm:s5], s4  }
0x9e: {  	_ =	swait.ge [sflag:s6], s4  }
0x9f: {  	s4 =	ssub.s32 $0x0, s4;
	[sflag:s6] =	ssyncset.done $0x0  }
0xa0: {  	[sflag:s6] =	ssyncadd.s32 s4;
	_ =	sdelay $0x1  }
0xa1: {  	s23 =	simm.s32 $0x1B8B  }
0xa2: {  	_ =	swait.ge [sflag:s23], $0x1  }
0xa3: {  	[sflag:s23] =	ssyncset.done $0x0  }
0xa4: {  	[sflag:s23] =	ssyncadd.s32 $0xFFFFFFFF  }
0xa5: {  	s4 =	sld [smem:$0x0]  }
0xa6: {  	s5 =	sand.u32 $0xFFFFFFFE, s1  }
0xa7: {  	p0 =	sne.s32 s1, s5  }
0xa8: {  	s5 =	sshll.u32 @p0 s5, $0xE  }
0xa9: {  	s5 =	sadd.s32 @p0 $0x11B8D, s5;
	s6 =	sshll.u32 @p0 s4, $0x11  }
0xaa: {  	s5 =	sor.u32 @p0 s6, s5  }
0xab: {  	[sflag:s5] =	ssyncadd.remote.s32 @p0 $0x1;
	_ =	sdelay $0x1  }
0xac: {  	s5 =	simm.s32 @p0 $0x1B8D  }
0xad: {  	_ =	swait.eq @p0 [sflag:s5], $0x1  }
0xae: {  	[sflag:s5] =	ssyncadd.s32 @p0 $0xFFFFFFFF  }
0xaf: {  	s6 =	sshll.u32 @!p0 s1, $0xE  }
0xb0: {  	s6 =	sor.u32 @!p0 $0x4000, s6;
	s5 =	simm.s32 @!p0 $0x1B8D  }
0xb1: {  	s4 =	sshll.u32 @!p0 s4, $0x11;
	s6 =	sadd.s32 @!p0 $0x11B8D, s6;
	_ =	swait.eq @!p0 [sflag:s5], $0x1  }
0xb2: {  	s4 =	sor.u32 @!p0 s4, s6;
	[sflag:s5] =	ssyncadd.s32 @!p0 $0xFFFFFFFF  }
0xb3: {  	s25 =	simm.s32 $0x1B8E;
	s24 =	sld [smem:$0x3FFE];
	[sflag:s4] =	ssyncadd.remote.s32 @!p0 $0x1  }
0xb4: {  	s26 =	simm.s32 $execute0_lowered;
	[smem:$0x3FD2] =	sst s25  }
0xb5: {  	s5 =	sshll.u32 s26, $0x1;
	_ =	strace $0x80000049;
	[dreg:$0x1] =	wrdreg $0xFFFFFFFF  }
0xb6: {  	s28 =	simm.s32 $_size_execute0_lowered;
	s3 =	sadd.s32 s3, s5;
	[dreg:$0x0] =	wrdreg $0x0  }
0xb7: {  	s5 =	sshll.u32 s28, $0x1;
	[dreg:$0x2] =	wrdreg s3  }
0xb8: {  	[dreg:$0x3] =	wrdreg s5  }
0xb9: {  	[dreg:$0x4] =	wrdreg $0xC0  }
0xba: {  	_ =	task [dreg:s22], $0x5FFFF  }
0xbb: {  	[dreg:$0x1] =	wrdreg $0xFFFFFFFF  }
0xbc: {  	[dreg:$0x0] =	wrdreg $0x60  }
0xbd: {  	[dreg:$0x2] =	wrdreg s24  }
0xbe: {  	[dreg:$0x3] =	wrdreg $0x78000  }
0xbf: {  	[dreg:$0x4] =	wrdreg $0x9  }
0xc0: {  	_ =	task.clear_ibuf [dreg:s22], $0x5FFFF;
	_ =	strace $0x90000049  }
0xc1: {  	s29 =	simm.s32 $0x9;
	_ =	strace $0x8000004B  }
0xc2: {  	_ =	swait.ge [sflag:s29], $0x1  }
0xc3: {  	[sflag:s29] =	ssyncadd.s32 $0xFFFFFFFF  }
0xc4: {  	_ =	strace $0x9000004B  }
0xc5: {  	_ =	sfence  }
0xc6: {  	s30 =	sld [smem:$0x0];
	_ =	sdelay $0x2  }
0xc7: {  	s31 =	sshll.u32 s1, $0xD;
	s1 =	sshrl.u32 s1, $0x2  }
0xc8: {  	s4 =	sand.u32 $0x4000, s31;
	s1 =	sadd.s32 s1, s30  }
0xc9: {  	s0 =	sor.u32 s4, s0;
	s1 =	sshll.u32 s1, $0x11  }
0xca: {  	s0 =	sor.u32 s1, s0  }
0xcb: {  	s0 =	sadd.s32 $0x8F2B, s0  }
0xcc: {  	[sflag:s0] =	ssyncadd.remote.s32 $0x1  }
0xcd: {  	_ =	sfence.sel $0xFFFF  }
0xce: {  	[dreg:$0x0] =	wrdreg $0xFFFFFFFF;
	(pc) =	sbr.abs _section_cstart, $3  }
0xcf: {  	[dreg:$0x1] =	wrdreg $0xFFFFFFFF  }
0xd0: {  	_ =	task.clear_ibuf [dreg:s22], $0x2FFFF;
	_ =	strace $0x9FFFFFFF  }
0xd1: {  	(tm) =	ssettm $0x7FFFFFFF  }
tec
execute0_lowered:
.L_overlay_start_1:
0x0: {  	(tag) =	ssettag $0x1  }
0x1: {  	s0 =	rddreg [dreg:$0x0]  }
0x2: {  	s1 =	rddreg [dreg:$0x1];
	s2 =	srdreg.scid  }
0x3: {  	s13 =	stileid.u32;
	s6 =	simm.s32 $0x0;
	s23 =	simm.s32 $0x1  }
0x4: {  	s24 =	simm.s32 $0x2800;
	s25 =	simm.s32 $0x80;
	s30 =	simm.s32 $0x100  }
0x5: {  	s31 =	simm.s32 $0x0;
	s2 =	sand.u32 $0x1, s2;
	s3 =	sshll.u32 s13, $0x1  }
0x6: {  	s4 =	smul.u32 $0x500, s13;
	s26 =	sshrl.u32 s13, $0x3;
	[smem:$0x7FF] =	sst s6  }
0x7: {  	s28 =	sshll.u32 s13, $0x7;
	s18 =	smul.u32 $0xA000, s13;
	s3 =	sor.u32 s2, s3  }
0x8: {  	s5 =	sshll.u32 s2, $0x7;
	_ =	strace $0x8000004A;
	s3 =	smul.u32 $0x500, s3  }
0x9: {  	s2 =	ssub.s32 $0x2, s2;
	s4 =	sor.u32 s5, s4;
	s5 =	smul.u32 $0x5000, s26  }
0xa: {  	s29 =	sshrl.u32 s2, $0x1;
	s20 =	sshrl.u32 s18, $0x2;
	s26 =	simm.s32 $0x400  }
0xb: {  	s4 =	sshrl.u32 s4, $0x3;
	s2 =	ssub.s32 s2, s29;
	s20 =	sadd.s32 s20, s1  }
0xc: {  	s3 =	sadd.s32 s3, s0;
	s0 =	sadd.s32 s4, s0;
	s5 =	sshrl.u32 s5, $0x2  }
0xd: {  	s4 =	sand.u32 $0x380, s28;
	s22 =	smax.u32 s2, $0x1;
	s5 =	sadd.s32 s5, s1  }
0xe: {  	s3 =	sadd.s32 $0x29000, s3;
	s21 =	sadd.s32 $0x83000, s0;
	s4 =	sadd.s32 s4, s5  }
0xf: {  	s5 =	sadd.s32 $0x2800, s4;
	s6 =	sadd.s32 $0x5000, s4;
	s7 =	sadd.s32 $0x7800, s4  }
0x10: {  	s8 =	sadd.s32 $0xA000, s4;
	s9 =	sadd.s32 $0xC800, s4;
	s10 =	sadd.s32 $0xF000, s4  }
0x11: {  	s11 =	sadd.s32 $0x11800, s4;
	s12 =	sadd.s32 $0x14000, s4;
	s13 =	sadd.s32 $0x16800, s4  }
0x12: {  	s14 =	sadd.s32 $0x19000, s4;
	s15 =	sadd.s32 $0x1B800, s4;
	s16 =	sadd.s32 $0x1E000, s4  }
0x13: {  	v0 =	vimm.f32 $0.0e+00;
	v1 =	vimm.f32 $1.000000000e+00;
	s17 =	sadd.s32 $0x20800, s4;
	s18 =	sadd.s32 $0x23000, s4;
	s19 =	sadd.s32 $0x25800, s4  }
.LBB2_1:
0x14: {  	s0 =	simm.s32 $0x0  }
0x15: {  	[tilespmem:s0], [sflag:$0x1] =	stream.linear.gather [hbm4b:s3+s0], $0x2800, $0x38;
	[tilespmem:$0xA000] =	vst v63  }
0x16: {  	_ =	swait.ge [sflag:s23], $0x2800  }
0x17: {  	[sflag:s23] =	ssyncset.done $0x0  }
0x18: {  	s0 =	simm.s32 $0x0;
	[sflag:s23] =	ssyncadd.s32 $0xFFFFD800  }
.LBB2_2:
0x19: {  	p0 =	sne.s32 s0, $0x9FC0  }
.Ltmp0:
0x1a: {  	_ = 	snop;
	(pc) =	sbr.rel @p0 .LBB2_2-.Ltmp0, $3  }
0x1b: {  	_ =	sdelay $0x1  }
0x1c: {  	s1 =	sshra.s32 s0, $0x2  }
0x1d: {  	s0 =	sadd.s32 $0x40, s0;
	[tilespmem:s1+$0x2800] =	vst v0  }
0x1e: {  	s0 =	simm.s32 $0x0  }
0x1f: {  	s1 =	sand.u32 $0xFE00, s0  }
0x20: {  	s0 =	sand.u32 $0x70, s0;
	s1 =	sshrl.u32 s1, $0x2  }
0x21: {  	s0 =	sor.u32 s0, s1  }
0x22: {  	v2 =	vld [tilespmem:s0+$0x0];
	_ =	sdelay $0x4  }
0x23: {  	s2 =	simm.s32 $0x40  }
0x24: {  	s2 =	sand.u32 $0xFE00, s2;
	s1 =	simm.s32 $0x80;
	s0 =	simm.s32 $0x10  }
.LBB2_4:
0x25: {  	p0 =	sne.s32 s1, $0x9FC0;
	s28 =	sand.u32 $0x70, s0;
	s2 =	sshrl.u32 s2, $0x2  }
0x26: {  	s2 =	sor.u32 s28, s2;
	[tilespmem:v2+s24+$0x0] =	vst.idx.add.f32.msk $0xffff, v1  }
0x27: {  	v2 =	vld [tilespmem:s2+$0x0];
	_ =	sdelay $0x1  }
.Ltmp1:
0x28: {  	(pc) =	sbr.rel @p0 .LBB2_4-.Ltmp1, $2  }
0x29: {  	_ =	sdelay $0x2  }
0x2a: {  	s0 =	sadd.s32 $0x10, s0;
	s2 =	sand.u32 $0xFE00, s1;
	s1 =	sadd.s32 $0x40, s1  }
0x2b: {  	_ =	sdelay $0x2  }
0x2c: {  	s0 =	sand.u32 $0x70, s0;
	s1 =	sshrl.u32 s2, $0x2  }
0x2d: {  	[tilespmem:v2+s24+$0x0] =	vst.idx.add.f32.msk $0xffff, v1;
	s0 =	sor.u32 s0, s1  }
0x2e: {  	v2 =	vld [tilespmem:s0+$0x0];
	_ =	sdelay $0x7  }
0x2f: {  	s0 =	simm.s32 $0x2800;
	[tilespmem:v2+s24+$0x0] =	vst.idx.add.f32.msk $0xffff, v1  }
0x30: {  	[spmem:s4] =	stream.strided.scatter [tilespmem:s0], [sflag:$0x1], $0x280, s26, s25, $0x38;
	[tilespmem:$0xA000] =	vst v63  }
0x31: {  	_ =	swait.ge [sflag:s23], $0x280  }
0x32: {  	[sflag:s23] =	ssyncset.done $0x0  }
0x33: {  	s2 =	simm.s32 $0x2A80;
	[sflag:s23] =	ssyncadd.s32 $0xFFFFFD80  }
0x34: {  	[spmem:s5] =	stream.strided.scatter [tilespmem:s2], [sflag:$0x1], $0x280, s26, s25, $0x38;
	[tilespmem:$0xA000] =	vst v63  }
0x35: {  	_ =	swait.ge [sflag:s23], $0x280  }
0x36: {  	[sflag:s23] =	ssyncset.done $0x0  }
0x37: {  	s2 =	simm.s32 $0x2D00;
	[sflag:s23] =	ssyncadd.s32 $0xFFFFFD80  }
0x38: {  	[spmem:s6] =	stream.strided.scatter [tilespmem:s2], [sflag:$0x1], $0x280, s26, s25, $0x38;
	[tilespmem:$0xA000] =	vst v63  }
0x39: {  	_ =	swait.ge [sflag:s23], $0x280  }
0x3a: {  	[sflag:s23] =	ssyncset.done $0x0  }
0x3b: {  	s2 =	simm.s32 $0x2F80;
	[sflag:s23] =	ssyncadd.s32 $0xFFFFFD80  }
0x3c: {  	[spmem:s7] =	stream.strided.scatter [tilespmem:s2], [sflag:$0x1], $0x280, s26, s25, $0x38;
	[tilespmem:$0xA000] =	vst v63  }
0x3d: {  	_ =	swait.ge [sflag:s23], $0x280  }
0x3e: {  	[sflag:s23] =	ssyncset.done $0x0  }
0x3f: {  	s2 =	simm.s32 $0x3200;
	[sflag:s23] =	ssyncadd.s32 $0xFFFFFD80  }
0x40: {  	[spmem:s8] =	stream.strided.scatter [tilespmem:s2], [sflag:$0x1], $0x280, s26, s25, $0x38;
	[tilespmem:$0xA000] =	vst v63  }
0x41: {  	_ =	swait.ge [sflag:s23], $0x280  }
0x42: {  	[sflag:s23] =	ssyncset.done $0x0  }
0x43: {  	s2 =	simm.s32 $0x3480;
	[sflag:s23] =	ssyncadd.s32 $0xFFFFFD80  }
0x44: {  	[spmem:s9] =	stream.strided.scatter [tilespmem:s2], [sflag:$0x1], $0x280, s26, s25, $0x38;
	[tilespmem:$0xA000] =	vst v63  }
0x45: {  	_ =	swait.ge [sflag:s23], $0x280  }
0x46: {  	[sflag:s23] =	ssyncset.done $0x0  }
0x47: {  	s2 =	simm.s32 $0x3700;
	[sflag:s23] =	ssyncadd.s32 $0xFFFFFD80  }
0x48: {  	[spmem:s10] =	stream.strided.scatter [tilespmem:s2], [sflag:$0x1], $0x280, s26, s25, $0x38;
	[tilespmem:$0xA000] =	vst v63  }
0x49: {  	_ =	swait.ge [sflag:s23], $0x280  }
0x4a: {  	[sflag:s23] =	ssyncset.done $0x0  }
0x4b: {  	s2 =	simm.s32 $0x3980;
	[sflag:s23] =	ssyncadd.s32 $0xFFFFFD80  }
0x4c: {  	[spmem:s11] =	stream.strided.scatter [tilespmem:s2], [sflag:$0x1], $0x280, s26, s25, $0x38;
	[tilespmem:$0xA000] =	vst v63  }
0x4d: {  	_ =	swait.ge [sflag:s23], $0x280  }
0x4e: {  	[sflag:s23] =	ssyncset.done $0x0  }
0x4f: {  	s2 =	simm.s32 $0x3C00;
	[sflag:s23] =	ssyncadd.s32 $0xFFFFFD80  }
0x50: {  	[spmem:s12] =	stream.strided.scatter [tilespmem:s2], [sflag:$0x1], $0x280, s26, s25, $0x38;
	[tilespmem:$0xA000] =	vst v63  }
0x51: {  	_ =	swait.ge [sflag:s23], $0x280  }
0x52: {  	[sflag:s23] =	ssyncset.done $0x0  }
0x53: {  	s2 =	simm.s32 $0x3E80;
	[sflag:s23] =	ssyncadd.s32 $0xFFFFFD80  }
0x54: {  	[spmem:s13] =	stream.strided.scatter [tilespmem:s2], [sflag:$0x1], $0x280, s26, s25, $0x38;
	[tilespmem:$0xA000] =	vst v63  }
0x55: {  	_ =	swait.ge [sflag:s23], $0x280  }
0x56: {  	[sflag:s23] =	ssyncset.done $0x0  }
0x57: {  	s2 =	simm.s32 $0x4100;
	[sflag:s23] =	ssyncadd.s32 $0xFFFFFD80  }
0x58: {  	[spmem:s14] =	stream.strided.scatter [tilespmem:s2], [sflag:$0x1], $0x280, s26, s25, $0x38;
	[tilespmem:$0xA000] =	vst v63  }
0x59: {  	_ =	swait.ge [sflag:s23], $0x280  }
0x5a: {  	[sflag:s23] =	ssyncset.done $0x0  }
0x5b: {  	s2 =	simm.s32 $0x4380;
	[sflag:s23] =	ssyncadd.s32 $0xFFFFFD80  }
0x5c: {  	[spmem:s15] =	stream.strided.scatter [tilespmem:s2], [sflag:$0x1], $0x280, s26, s25, $0x38;
	[tilespmem:$0xA000] =	vst v63  }
0x5d: {  	_ =	swait.ge [sflag:s23], $0x280  }
0x5e: {  	[sflag:s23] =	ssyncset.done $0x0  }
0x5f: {  	s2 =	simm.s32 $0x4600;
	[sflag:s23] =	ssyncadd.s32 $0xFFFFFD80  }
0x60: {  	[spmem:s16] =	stream.strided.scatter [tilespmem:s2], [sflag:$0x1], $0x280, s26, s25, $0x38;
	[tilespmem:$0xA000] =	vst v63  }
0x61: {  	_ =	swait.ge [sflag:s23], $0x280  }
0x62: {  	[sflag:s23] =	ssyncset.done $0x0  }
0x63: {  	s2 =	simm.s32 $0x4880;
	[sflag:s23] =	ssyncadd.s32 $0xFFFFFD80  }
0x64: {  	[spmem:s17] =	stream.strided.scatter [tilespmem:s2], [sflag:$0x1], $0x280, s26, s25, $0x38;
	[tilespmem:$0xA000] =	vst v63  }
0x65: {  	_ =	swait.ge [sflag:s23], $0x280  }
0x66: {  	[sflag:s23] =	ssyncset.done $0x0  }
0x67: {  	s2 =	simm.s32 $0x4B00;
	[sflag:s23] =	ssyncadd.s32 $0xFFFFFD80  }
0x68: {  	[spmem:s18] =	stream.strided.scatter [tilespmem:s2], [sflag:$0x1], $0x280, s26, s25, $0x38;
	[tilespmem:$0xA000] =	vst v63  }
0x69: {  	_ =	swait.ge [sflag:s23], $0x280  }
0x6a: {  	[sflag:s23] =	ssyncset.done $0x0  }
0x6b: {  	s2 =	simm.s32 $0x4D80;
	[sflag:s23] =	ssyncadd.s32 $0xFFFFFD80  }
0x6c: {  	[spmem:s19] =	stream.strided.scatter [tilespmem:s2], [sflag:$0x1], $0x280, s26, s25, $0x38;
	[tilespmem:$0xA000] =	vst v63  }
0x6d: {  	_ =	swait.ge [sflag:s23], $0x280  }
0x6e: {  	[sflag:s23] =	ssyncset.done $0x0  }
0x6f: {  	[sflag:s23] =	ssyncadd.s32 $0xFFFFFD80  }
0x70: {  	s2 =	simm.s32 $0x5000;
	[bflag:$0x0] =	sbarrier.arrive $0xFFFF  }
0x71: {  	[tilespmem:s2], [sflag:$0x1] =	stream.linear.gather [spmem:s20], $0x2800, $0x38;
	[tilespmem:$0xA000] =	vst v63  }
0x72: {  	s1 =	simm.s32 $0x0;
	_ =	swait.ge [sflag:s23], $0x2800  }
0x73: {  	s2 =	sand.u32 $0x70, s1;
	s1 =	sand.u32 $0x1C00, s1;
	[sflag:s23] =	ssyncset.done $0x0  }
0x74: {  	s1 =	sor.u32 s2, s1;
	[sflag:s23] =	ssyncadd.s32 $0xFFFFD800  }
0x75: {  	v2 =	vld [tilespmem:s1+$0x5000];
	_ =	sdelay $0x1  }
0x76: {  	v3 =	vld [tilespmem:s1+$0x5080];
	_ =	sdelay $0x1  }
0x77: {  	v4 =	vld [tilespmem:s1+$0x5100]  }
0x78: {  	v2 =	vadd.f32 $0.0e+00, v2  }
0x79: {  	v5 =	vld [tilespmem:s1+$0x5180]  }
0x7a: {  	v2 =	vadd.f32 v3, v2  }
0x7b: {  	v3 =	vld [tilespmem:s1+$0x5200]  }
0x7c: {  	v2 =	vadd.f32 v4, v2  }
0x7d: {  	v56 =	vld [tilespmem:s1+$0x5280]  }
0x7e: {  	v2 =	vadd.f32 v5, v2  }
0x7f: {  	v57 =	vld [tilespmem:s1+$0x5300]  }
0x80: {  	v2 =	vadd.f32 v3, v2  }
0x81: {  	v3 =	vld [tilespmem:s1+$0x5380]  }
0x82: {  	v2 =	vadd.f32 v56, v2  }
0x83: {  	v58 =	vld [tilespmem:s1+$0x6400]  }
0x84: {  	v2 =	vadd.f32 v57, v2  }
0x85: {  	v59 =	vld [tilespmem:s1+$0x6480]  }
0x86: {  	v2 =	vadd.f32 v3, v2  }
0x87: {  	v3 =	vld [tilespmem:s1+$0x6500]  }
0x88: {  	v2 =	vadd.f32 v58, v2  }
0x89: {  	v60 =	vld [tilespmem:s1+$0x6580]  }
0x8a: {  	v2 =	vadd.f32 v59, v2  }
0x8b: {  	v61 =	vld [tilespmem:s1+$0x6600]  }
0x8c: {  	v2 =	vadd.f32 v3, v2  }
0x8d: {  	v3 =	vld [tilespmem:s1+$0x6680]  }
0x8e: {  	v2 =	vadd.f32 v60, v2  }
0x8f: {  	v62 =	vld [tilespmem:s1+$0x6700]  }
0x90: {  	v2 =	vadd.f32 v61, v2  }
0x91: {  	v63 =	vld [tilespmem:s1+$0x6780]  }
0x92: {  	v2 =	vadd.f32 v3, v2;
	_ =	sdelay $0x1  }
0x93: {  	v2 =	vadd.f32 v62, v2;
	_ =	sdelay $0x1  }
0x94: {  	s2 =	simm.s32 $0x10;
	s1 =	simm.s32 $0x80;
	v2 =	vadd.f32 v63, v2  }
0x95: {  	s28 =	sand.u32 $0x70, s2;
	s2 =	simm.s32 $0x20;
	s29 =	sand.u32 $0x1C00, s1  }
.LBB2_6:
0x96: {  	p0 =	sne.s32 s2, $0x270;
	s28 =	sor.u32 s28, s29;
	[tilespmem:s0+$0x0] =	vst v2  }
0x97: {  	v2 =	vld [tilespmem:s28+$0x5000];
	_ =	sdelay $0x1  }
0x98: {  	v3 =	vld [tilespmem:s28+$0x5080];
	_ =	sdelay $0x1  }
0x99: {  	v4 =	vld [tilespmem:s28+$0x5100]  }
0x9a: {  	v2 =	vadd.f32 $0.0e+00, v2  }
0x9b: {  	v5 =	vld [tilespmem:s28+$0x5180]  }
0x9c: {  	v2 =	vadd.f32 v3, v2  }
0x9d: {  	v3 =	vld [tilespmem:s28+$0x5200]  }
0x9e: {  	v2 =	vadd.f32 v4, v2  }
0x9f: {  	v4 =	vld [tilespmem:s28+$0x5280]  }
0xa0: {  	v2 =	vadd.f32 v5, v2  }
0xa1: {  	v5 =	vld [tilespmem:s28+$0x5300]  }
0xa2: {  	v2 =	vadd.f32 v3, v2  }
0xa3: {  	v3 =	vld [tilespmem:s28+$0x5380]  }
0xa4: {  	v2 =	vadd.f32 v4, v2  }
0xa5: {  	v4 =	vld [tilespmem:s28+$0x6400]  }
0xa6: {  	v2 =	vadd.f32 v5, v2  }
0xa7: {  	v5 =	vld [tilespmem:s28+$0x6480]  }
0xa8: {  	v2 =	vadd.f32 v3, v2  }
0xa9: {  	v3 =	vld [tilespmem:s28+$0x6500]  }
0xaa: {  	v2 =	vadd.f32 v4, v2  }
0xab: {  	v4 =	vld [tilespmem:s28+$0x6580]  }
0xac: {  	v2 =	vadd.f32 v5, v2  }
0xad: {  	v5 =	vld [tilespmem:s28+$0x6600]  }
0xae: {  	v2 =	vadd.f32 v3, v2  }
0xaf: {  	v3 =	vld [tilespmem:s28+$0x6680]  }
0xb0: {  	v2 =	vadd.f32 v4, v2  }
0xb1: {  	v4 =	vld [tilespmem:s28+$0x6700]  }
0xb2: {  	v2 =	vadd.f32 v5, v2  }
0xb3: {  	v5 =	vld [tilespmem:s28+$0x6780]  }
0xb4: {  	v2 =	vadd.f32 v3, v2  }
.Ltmp2:
0xb5: {  	(pc) =	sbr.rel @p0 .LBB2_6-.Ltmp2, $3  }
0xb6: {  	v2 =	vadd.f32 v4, v2;
	_ =	sdelay $0x1  }
0xb7: {  	s1 =	sadd.s32 $0x80, s1;
	s0 =	sadd.s32 $0x10, s0;
	v2 =	vadd.f32 v5, v2  }
0xb8: {  	s29 =	sand.u32 $0x1C00, s1;
	s28 =	sand.u32 $0x70, s2;
	s2 =	sadd.s32 $0x10, s2  }
0xb9: {  	s1 =	sor.u32 s28, s29;
	[tilespmem:s0+$0x0] =	vst v2  }
0xba: {  	v2 =	vld [tilespmem:s1+$0x5000];
	_ =	sdelay $0x1  }
0xbb: {  	v3 =	vld [tilespmem:s1+$0x5080];
	_ =	sdelay $0x1  }
0xbc: {  	v4 =	vld [tilespmem:s1+$0x5100]  }
0xbd: {  	v2 =	vadd.f32 $0.0e+00, v2  }
0xbe: {  	v5 =	vld [tilespmem:s1+$0x5180]  }
0xbf: {  	v2 =	vadd.f32 v3, v2  }
0xc0: {  	v3 =	vld [tilespmem:s1+$0x5200]  }
0xc1: {  	v2 =	vadd.f32 v4, v2  }
0xc2: {  	v56 =	vld [tilespmem:s1+$0x5280]  }
0xc3: {  	v2 =	vadd.f32 v5, v2  }
0xc4: {  	v57 =	vld [tilespmem:s1+$0x5300]  }
0xc5: {  	v2 =	vadd.f32 v3, v2  }
0xc6: {  	v3 =	vld [tilespmem:s1+$0x5380]  }
0xc7: {  	v2 =	vadd.f32 v56, v2  }
0xc8: {  	v58 =	vld [tilespmem:s1+$0x6400]  }
0xc9: {  	v2 =	vadd.f32 v57, v2  }
0xca: {  	v59 =	vld [tilespmem:s1+$0x6480]  }
0xcb: {  	v2 =	vadd.f32 v3, v2  }
0xcc: {  	v3 =	vld [tilespmem:s1+$0x6500]  }
0xcd: {  	v2 =	vadd.f32 v58, v2  }
0xce: {  	v60 =	vld [tilespmem:s1+$0x6580]  }
0xcf: {  	v2 =	vadd.f32 v59, v2  }
0xd0: {  	v61 =	vld [tilespmem:s1+$0x6600]  }
0xd1: {  	v2 =	vadd.f32 v3, v2  }
0xd2: {  	v3 =	vld [tilespmem:s1+$0x6680]  }
0xd3: {  	v2 =	vadd.f32 v60, v2  }
0xd4: {  	v62 =	vld [tilespmem:s1+$0x6700]  }
0xd5: {  	v2 =	vadd.f32 v61, v2  }
0xd6: {  	v63 =	vld [tilespmem:s1+$0x6780]  }
0xd7: {  	v2 =	vadd.f32 v3, v2;
	_ =	sdelay $0x1  }
0xd8: {  	v2 =	vadd.f32 v62, v2;
	_ =	sdelay $0x1  }
0xd9: {  	s31 =	sadd.s32 $0x1, s31;
	v2 =	vadd.f32 v63, v2  }
0xda: {  	s29 =	sadd.s32 $0x10, s0;
	p0 =	sne.s32 s31, s22  }
.Ltmp3:
0xdb: {  	[tilespmem:s29+$0x0] =	vst v2;
	(pc) =	sbr.rel @p0 .LBB2_1-.Ltmp3, $4  }
0xdc: {  	[hbm4b:s21+s25] =	stream.strided.scatter [tilespmem:s24], [sflag:$0x1], $0x280, s30, s25, $0x38;
	[tilespmem:$0xA000] =	vst v63  }
0xdd: {  	_ =	swait.ge [sflag:s23], $0x280  }
0xde: {  	[sflag:s23] =	ssyncset.done $0x0  }
0xdf: {  	[sflag:s23] =	ssyncadd.s32 $0xFFFFFD80  }
0xe0: {  	_ =	sfence.sel $0x180000  }
0xe1: {  	[bflag:$0x0] =	sbarrier.arrive $0xFFFF  }
0xe2: {  	_ =	strace $0x9000004A  }
0xe3: {  	s0 =	stileid.u32;
	[bflag:$0x2] =	sbarrier.arrive $0xFFFF  }
0xe4: {  	p0 =	sne.s32 s0, $0x0;
	s0 =	rddreg [dreg:$0x2]  }
0xe5: {  	s0 =	sadd.s32 @!p0 $0x100000, s0  }
0xe6: {  	[sflag:s0] =	ssyncadd.tile.s32 @!p0 $0x1;
	_ =	shalt  }
.Lfunc_end2:
_tile_overlayer_lowered:
.L_overlay_start_2:
0xe7: {  	(tag) =	ssettag $0x2  }
0xe8: {  	s0 =	rddreg [dreg:$0x0];
	s2 =	stileid.u32  }
0xe9: {  	s1 =	rddreg [dreg:$0x1];
	p0 =	sne.s32 s2, $0x0  }
0xea: {  	s3 =	rddreg [dreg:$0x2];
	[bflag:$0x3] =	sbarrier.arrive $0xFFFF;
	s2 =	simm.s32 @!p0 $0x1C01  }
0xeb: {  	[timem:s3], [sflag:s2] =	dma.local @!p0 [hbm:s0], s1  }
0xec: {  	s0 =	simm.s32 @!p0 $0x1  }
0xed: {  	_ =	swait.ge @!p0 [sflag:s0], s1  }
0xee: {  	s1 =	ssub.s32 @!p0 $0x0, s1;
	[sflag:s0] =	ssyncset.done @!p0 $0x0  }
0xef: {  	[sflag:s0] =	ssyncadd.s32 @!p0 s1  }
0xf0: {  	[bflag:$0x3] =	sbarrier.arrive $0xFFFF  }
0xf1: {  	_ =	shalt  }

</sc_bundles>
